<compile_context>
chip_gen: v7x
topology: tpu7x:2x2x1
jax: 0.10.2.dev20260603
libtpu: 0.0.44.dev20260713+nightly
codegen_flags: <defaults>
</compile_context>

<pallas_src>
import functools

import jax
import jax.numpy as jnp
from jax import lax
from jax.experimental import pallas as pl
from jax.experimental.pallas import tpu as pltpu
from jax.experimental.pallas import tpu_sc as plsc

RES = 512
H = 1080
W = 1920
NPX = H * W
NWORKERS = 32
PX_PER_W = NPX // NWORKERS
C = 1440
NCHUNK = PX_PER_W // C
VPC = C // 16
GROUPS = [C // 2, C // 2]

NTEX = 6 * RES * RES
PLANE = RES * RES
CUBE_WORDS = NTEX * 3
FROWS = 6 * RES
RPS = FROWS // 16
RB = 4
NB = RPS // RB
BT = RB * RES
CSLOT = BT + 8
SRCB = 3 * CSLOT


def _sc_body(cube_hbm, rays_hbm, out_hbm, table_hbm,
             src_v, dst_v, rays_v, i00_v, i10_v,
             wx_v, wy_v, w0_v, w1_v, out_v,
             sem, sem_r, sem_w, sem_ray, sem_o):
    sid = lax.axis_index("s")
    wid = sid * 2 + lax.axis_index("c")
    iota = lax.iota(jnp.int32, 16)
    zz = iota * 0

    def fire_reads(b):
        fr0 = sid * RPS + b * RB
        f = fr0 >> 9
        y0 = fr0 & (RES - 1)
        base = f * (3 * PLANE) + y0 * RES
        so = lax.rem(b, 3) * SRCB
        for ch in range(3):
            pltpu.async_copy(cube_hbm.at[pl.ds(base + ch * PLANE, BT)],
                             src_v.at[pl.ds(so + ch * CSLOT, BT)], sem_r)

    def wait_reads():
        pltpu.make_async_copy(cube_hbm.at[pl.ds(0, 3 * BT)],
                              src_v.at[pl.ds(0, 3 * BT)], sem_r).wait()

    def build(b):
        so = lax.rem(b, 3) * SRCB
        do = (b & 1) * BT

        @plsc.parallel_loop(0, BT // 16, unroll=4)
        def j_body(j):
            rows = do + j * 16 + iota
            for ch in range(3):
                va = src_v[pl.ds(so + ch * CSLOT + j * 16, 16)]
                vb = src_v[pl.ds(so + ch * CSLOT + j * 16 + 1, 16)]
                plsc.store_scatter(dst_v, [rows, zz + ch], va)
                plsc.store_scatter(dst_v, [rows, zz + (4 + ch)], vb)

    def fire_write(b):
        fr0 = sid * RPS + b * RB
        pltpu.async_copy(dst_v.at[pl.ds((b & 1) * BT, BT)],
                         table_hbm.at[pl.ds(fr0 * RES, BT)], sem_w)

    def wait_write(b):
        pltpu.make_async_copy(table_hbm.at[pl.ds(0, BT)],
                              dst_v.at[pl.ds((b & 1) * BT, BT)],
                              sem_w).wait()

    fire_reads(0)
    fire_reads(1)

    def p1_body(b, c):
        @pl.when(b + 2 < NB)
        def _():
            fire_reads(b + 2)

        wait_reads()

        @pl.when(b >= 2)
        def _():
            wait_write(b - 2)

        build(b)
        fire_write(b)
        return c

    lax.fori_loop(0, NB, p1_body, 0)
    wait_write(NB - 2)
    wait_write(NB - 1)
    plsc.subcore_barrier()

    def fire_rays(ci):
        base_px = wid * PX_PER_W + ci * C
        ro = (ci & 1) * (3 * C)
        for p in range(3):
            pltpu.async_copy(rays_hbm.at[pl.ds(p * NPX + base_px, C)],
                             rays_v.at[pl.ds(ro + p * C, C)], sem_ray)

    def wait_rays():
        pltpu.make_async_copy(rays_hbm.at[pl.ds(0, 3 * C)],
                              rays_v.at[pl.ds(0, 3 * C)], sem_ray).wait()

    def compute_chunk(ci, bo):
        ro = (ci & 1) * (3 * C)

        @plsc.parallel_loop(0, VPC, unroll=2)
        def vec_body(i):
            xx = rays_v[pl.ds(ro + i * 16, 16)]
            yy = rays_v[pl.ds(ro + C + i * 16, 16)]
            zz_ = rays_v[pl.ds(ro + 2 * C + i * 16, 16)]
            ax, ay, az = jnp.abs(xx), jnp.abs(yy), jnp.abs(zz_)
            px, py, pz = xx >= 0.0, yy >= 0.0, zz_ >= 0.0
            is_x = (ax >= ay) & (ax >= az)
            is_y = (~is_x) & (ay >= az)
            face = jnp.where(
                is_x, jnp.where(px, 0, 1),
                jnp.where(is_y, jnp.where(py, 2, 3), jnp.where(pz, 4, 5)))
            ma = jnp.maximum(jnp.maximum(jnp.maximum(ax, ay), az), 1e-12)
            sc_ = jnp.where(is_x, jnp.where(px, -zz_, zz_),
                            jnp.where(is_y, xx, jnp.where(pz, xx, -xx)))
            tc_ = jnp.where(is_x, -yy,
                            jnp.where(is_y, jnp.where(py, zz_, -zz_), -yy))
            k = (0.5 * RES) / ma
            fx = sc_ * k + (0.5 * RES - 0.5)
            fy = tc_ * k + (0.5 * RES - 0.5)
            xb = jnp.clip(fx.astype(jnp.int32), 0, RES - 2)
            yb = jnp.clip(fy.astype(jnp.int32), 0, RES - 2)
            wx = jnp.clip(fx, 0.0, RES - 1.0) - xb.astype(jnp.float32)
            wy = jnp.clip(fy, 0.0, RES - 1.0) - yb.astype(jnp.float32)
            s = pl.ds(bo + i * 16, 16)
            i00 = (face << 18) | (yb << 9) | xb
            i00_v[s] = i00
            i10_v[s] = i00 + RES
            wx_v[s] = wx
            wy_v[s] = wy

    def fire_gathers(bo):
        off = 0
        for g in GROUPS:
            s = pl.ds(bo + off, g)
            pltpu.async_copy(table_hbm.at[i00_v.at[s]], w0_v.at[s], sem)
            pltpu.async_copy(table_hbm.at[i10_v.at[s]], w1_v.at[s], sem)
            off += g

    def wait_gathers(bo):
        for wv in (w0_v, w1_v):
            pltpu.make_async_copy(table_hbm.at[pl.ds(0, C)],
                                  wv.at[pl.ds(bo, C)], sem).wait()

    def blend_chunk(ci, bo):
        oo = (ci & 1) * (3 * C)

        @plsc.parallel_loop(0, VPC, unroll=2)
        def blend_body(i):
            s = pl.ds(bo + i * 16, 16)
            rows = iota + (bo + i * 16)
            wx = wx_v[s]
            wy = wy_v[s]
            for ch in range(3):
                c00 = plsc.load_gather(w0_v, [rows, zz + ch])
                c01 = plsc.load_gather(w0_v, [rows, zz + (4 + ch)])
                c10 = plsc.load_gather(w1_v, [rows, zz + ch])
                c11 = plsc.load_gather(w1_v, [rows, zz + (4 + ch)])
                top = c00 + wx * (c01 - c00)
                bot = c10 + wx * (c11 - c10)
                o = top + wy * (bot - top)
                out_v[pl.ds(oo + ch * C + i * 16, 16)] = jnp.clip(o, 0.0, 1.0)

    def fire_out(ci):
        base_px = wid * PX_PER_W + ci * C
        oo = (ci & 1) * (3 * C)
        for ch in range(3):
            pltpu.async_copy(out_v.at[pl.ds(oo + ch * C, C)],
                             out_hbm.at[pl.ds(ch * NPX + base_px, C)], sem_o)

    def wait_out():
        pltpu.make_async_copy(rays_hbm.at[pl.ds(0, 3 * C)],
                              out_v.at[pl.ds(0, 3 * C)], sem_o).wait()

    fire_rays(0)
    wait_rays()
    fire_rays(1)
    compute_chunk(0, 0)
    fire_gathers(0)

    def pipe_body(ci, carry):
        bo = (ci & 1) * C

        @pl.when(ci + 1 < NCHUNK)
        def _():
            fire_rays(ci + 1)

        wait_rays()
        compute_chunk(ci, bo)
        wait_gathers(C - bo)
        fire_gathers(bo)

        @pl.when(ci >= 3)
        def _():
            wait_out()

        blend_chunk(ci - 1, C - bo)
        fire_out(ci - 1)
        return carry

    lax.fori_loop(1, NCHUNK, pipe_body, 0)
    wait_gathers(((NCHUNK - 1) & 1) * C)

    @pl.when(NCHUNK >= 3)
    def _():
        wait_out()

    blend_chunk(NCHUNK - 1, ((NCHUNK - 1) & 1) * C)
    fire_out(NCHUNK - 1)
    wait_out()
    wait_out()


@jax.jit
def kernel(rays_d, sky_cube_map):
    cube_flat = jnp.transpose(sky_cube_map, (0, 3, 1, 2)).reshape(CUBE_WORDS)
    rays_flat = jnp.transpose(rays_d, (2, 0, 1)).reshape(3 * NPX)

    sc_fn = functools.partial(
        pl.kernel,
        mesh=plsc.VectorSubcoreMesh(core_axis_name="c", subcore_axis_name="s"),
        compiler_params=pltpu.CompilerParams(needs_layout_passes=False,
                                             use_tc_tiling_on_sc=False),
        out_type=jax.ShapeDtypeStruct((3 * NPX,), jnp.float32),
        scratch_types=[
            pltpu.HBM((NTEX, 8), jnp.float32),
            pltpu.VMEM((3 * SRCB,), jnp.float32),
            pltpu.VMEM((2 * BT, 8), jnp.float32),
            pltpu.VMEM((2 * 3 * C,), jnp.float32),
            pltpu.VMEM((2 * C,), jnp.int32),
            pltpu.VMEM((2 * C,), jnp.int32),
            pltpu.VMEM((2 * C,), jnp.float32),
            pltpu.VMEM((2 * C,), jnp.float32),
            pltpu.VMEM((2 * C, 8), jnp.float32),
            pltpu.VMEM((2 * C, 8), jnp.float32),
            pltpu.VMEM((2 * 3 * C,), jnp.float32),
            pltpu.SemaphoreType.DMA,
            pltpu.SemaphoreType.DMA,
            pltpu.SemaphoreType.DMA,
            pltpu.SemaphoreType.DMA,
            pltpu.SemaphoreType.DMA,
        ],
    )(_sc_body)
    out = sc_fn(cube_flat, rays_flat)
    return out.reshape(3, H, W)

# --- scband reference (transcript-rebuilt; emitter-appended) ---
"""Pipeline reference for scband-sky-cube-map-85005992722994 (READ-ONLY COPY).

The authoritative reference and input builder live on the scoring server;
editing this copy changes nothing except your own understanding.
"""

import jax, jax.numpy as jnp
import numpy as np

RES = 512
H = 1080
W = 1920


def setup_inputs(seed: int = 0) -> dict:
    key = jax.random.key(seed)
    k1, k2 = jax.random.split(key)
    rays_d = jax.random.normal(k1, (H, W, 3), dtype=jnp.float32)
    sky_cube_map = jax.random.uniform(k2, (6, RES, RES, 3), dtype=jnp.float32)
    return {"rays_d": rays_d, "sky_cube_map": sky_cube_map}


def _cube_face_uv(dirs):
    # OpenGL / nvdiffrast cubemap convention.
    x, y, z = dirs[..., 0], dirs[..., 1], dirs[..., 2]
    ax, ay, az = jnp.abs(x), jnp.abs(y), jnp.abs(z)
    is_x = (ax >= ay) & (ax >= az)
    is_y = (~is_x) & (ay >= az)
    face = jnp.where(
        is_x, jnp.where(x >= 0, 0, 1),
        jnp.where(is_y, jnp.where(y >= 0, 2, 3), jnp.where(z >= 0, 4, 5)))
    ma = jnp.where(is_x, ax, jnp.where(is_y, ay, az))
    ma = jnp.maximum(ma, 1e-12)
    sc = jnp.where(
        is_x, jnp.where(x >= 0, -z, z),
        jnp.where(is_y, x, jnp.where(z >= 0, x, -x)))
    tc = jnp.where(is_x, -y, jnp.where(is_y, jnp.where(y >= 0, z, -z), -y))
    u = (sc / ma + 1.0) * 0.5
    v = (tc / ma + 1.0) * 0.5
    return face, u, v


def _texture_cube_linear(cubemap, dirs):
    # cubemap: [6, res, res, 3]; dirs: [..., 3] -> [..., 3]
    res = cubemap.shape[1]
    face, u, v = _cube_face_uv(dirs)
    fx = u * res - 0.5
    fy = v * res - 0.5
    x0f = jnp.floor(fx)
    y0f = jnp.floor(fy)
    wx = fx - x0f
    wy = fy - y0f
    x0 = jnp.clip(x0f.astype(jnp.int32), 0, res - 1)
    x1 = jnp.clip(x0f.astype(jnp.int32) + 1, 0, res - 1)
    y0 = jnp.clip(y0f.astype(jnp.int32), 0, res - 1)
    y1 = jnp.clip(y0f.astype(jnp.int32) + 1, 0, res - 1)
    c00 = cubemap[face, y0, x0]
    c01 = cubemap[face, y0, x1]
    c10 = cubemap[face, y1, x0]
    c11 = cubemap[face, y1, x1]
    wx = wx[..., None]
    wy = wy[..., None]
    top = c00 * (1.0 - wx) + c01 * wx
    bot = c10 * (1.0 - wx) + c11 * wx
    return top * (1.0 - wy) + bot * wy


def reference(rays_d, sky_cube_map):
    # Inference path (mask is None): sky_color = dr.texture(cube[None], rays_d[None], cube/linear)[0]
    sky_color = _texture_cube_linear(sky_cube_map, rays_d)
    sky_color = jnp.clip(jnp.transpose(sky_color, (2, 0, 1)), 0.0, 1.0)
    return sky_color

if __name__ == "__main__":
    import jax
    _d = setup_inputs()
    print(jax.jit(kernel)(*tuple(_d.values())))

</pallas_src>

<mosaic_0001>
#map = affine_map<(d0, d1) -> (0)>
module attributes {stable_mosaic.version = 14 : i64} {
  func.func @_sc_body(%arg0: i32, %arg1: i32, %arg2: memref<4718592xf32, #tpu.memory_space<hbm>>, %arg3: memref<6220800xf32, #tpu.memory_space<hbm>>, %arg4: memref<6220800xf32, #tpu.memory_space<hbm>>, %arg5: memref<1572864x8xf32, #tpu.memory_space<hbm>>, %arg6: memref<18504xf32, #tpu.memory_space<vmem>>, %arg7: memref<4096x8xf32, #tpu.memory_space<vmem>>, %arg8: memref<8640xf32, #tpu.memory_space<vmem>>, %arg9: memref<2880xi32, #tpu.memory_space<vmem>>, %arg10: memref<2880xi32, #tpu.memory_space<vmem>>, %arg11: memref<2880xf32, #tpu.memory_space<vmem>>, %arg12: memref<2880xf32, #tpu.memory_space<vmem>>, %arg13: memref<2880x8xf32, #tpu.memory_space<vmem>>, %arg14: memref<2880x8xf32, #tpu.memory_space<vmem>>, %arg15: memref<8640xf32, #tpu.memory_space<vmem>>, %arg16: memref<!tpu.dma_semaphore, #tpu.memory_space<semaphore_mem>>, %arg17: memref<!tpu.dma_semaphore, #tpu.memory_space<semaphore_mem>>, %arg18: memref<!tpu.dma_semaphore, #tpu.memory_space<semaphore_mem>>, %arg19: memref<!tpu.dma_semaphore, #tpu.memory_space<semaphore_mem>>, %arg20: memref<!tpu.dma_semaphore, #tpu.memory_space<semaphore_mem>>) attributes {dimension_semantics = [#tpu.dimension_semantics<core_parallel>, #tpu.dimension_semantics<subcore_parallel>], iteration_bounds = array<i64: 2, 16>, scalar_prefetch = 0 : i64, scratch_operands = 16 : i64, tpu.core_type = #tpu.core_type<sc_vector_subcore>, window_params = [{transform_indices = #map}, {transform_indices = #map}, {transform_indices = #map}]} {
    %mul3A = arith.constant 2 : i32
    %mul3A_0 = arith.muli %arg1, %mul3A : i32
    %add3A = arith.addi %mul3A_0, %arg0 : i32
    %iota3A = tpu.iota {dimensions = array<i32: 0>} : vector<16xi32>
    %mul3A_1 = arith.constant 0 : i32
    %mul3A_2 = vector.broadcast %mul3A_1 : i32 to vector<16xi32>
    %mul3A_3 = arith.muli %iota3A, %mul3A_2 : vector<16xi32>
    %mul3A_4 = arith.constant 192 : i32
    %mul3A_5 = arith.muli %arg1, %mul3A_4 : i32
    %add3A_6 = arith.constant 0 : i32
    %add3A_7 = arith.addi %mul3A_5, %add3A_6 : i32
    %shift_right_arithmetic3A = arith.constant 9 : i32
    %shift_right_arithmetic3A_8 = arith.shrsi %add3A_7, %shift_right_arithmetic3A : i32
    %and3A = arith.constant 511 : i32
    %and3A_9 = arith.andi %add3A_7, %and3A : i32
    %mul3A_10 = arith.constant 786432 : i32
    %mul3A_11 = arith.muli %shift_right_arithmetic3A_8, %mul3A_10 : i32
    %mul3A_12 = arith.constant 512 : i32
    %mul3A_13 = arith.muli %and3A_9, %mul3A_12 : i32
    %add3A_14 = arith.addi %mul3A_11, %mul3A_13 : i32
    %rem3A = arith.constant 0 : i32
    %rem3A_15 = arith.constant 3 : i32
    %rem3A_16 = arith.remsi %rem3A, %rem3A_15 : i32
    %mul3A_17 = arith.constant 6168 : i32
    %mul3A_18 = arith.muli %rem3A_16, %mul3A_17 : i32
    %add3A_19 = arith.constant 0 : i32
    %add3A_20 = arith.addi %add3A_14, %add3A_19 : i32
    %add3A_21 = arith.constant 0 : i32
    %add3A_22 = arith.addi %mul3A_18, %add3A_21 : i32
    %dma_start3A = tpu.memref_slice %arg6[%add3A_22] : memref<18504xf32, #tpu.memory_space<vmem>> -> memref<2048xf32, #tpu.memory_space<vmem>>
    %dma_start3A_23 = tpu.memref_slice %arg2[%add3A_20] : memref<4718592xf32, #tpu.memory_space<hbm>> -> memref<2048xf32, #tpu.memory_space<hbm>>
    %dma_start3A_24 = tpu.memref_slice %arg6[%add3A_22] : memref<18504xf32, #tpu.memory_space<vmem>> -> memref<2048xf32, #tpu.memory_space<vmem>>
    %dma_start3A_25 = tpu.memref_slice %arg2[%add3A_20] : memref<4718592xf32, #tpu.memory_space<hbm>> -> memref<2048xf32, #tpu.memory_space<hbm>>
    tpu.enqueue_dma source(%dma_start3A_25 : memref<2048xf32, #tpu.memory_space<hbm>>) target(%dma_start3A_24 : memref<2048xf32, #tpu.memory_space<vmem>>) target_semaphore(%arg17 : memref<!tpu.dma_semaphore, #tpu.memory_space<semaphore_mem>>)
    %add3A_26 = arith.constant 262144 : i32
    %add3A_27 = arith.addi %add3A_14, %add3A_26 : i32
    %add3A_28 = arith.constant 2056 : i32
    %add3A_29 = arith.addi %mul3A_18, %add3A_28 : i32
    %dma_start3A_30 = tpu.memref_slice %arg6[%add3A_29] : memref<18504xf32, #tpu.memory_space<vmem>> -> memref<2048xf32, #tpu.memory_space<vmem>>
    %dma_start3A_31 = tpu.memref_slice %arg2[%add3A_27] : memref<4718592xf32, #tpu.memory_space<hbm>> -> memref<2048xf32, #tpu.memory_space<hbm>>
    %dma_start3A_32 = tpu.memref_slice %arg6[%add3A_29] : memref<18504xf32, #tpu.memory_space<vmem>> -> memref<2048xf32, #tpu.memory_space<vmem>>
    %dma_start3A_33 = tpu.memref_slice %arg2[%add3A_27] : memref<4718592xf32, #tpu.memory_space<hbm>> -> memref<2048xf32, #tpu.memory_space<hbm>>
    tpu.enqueue_dma source(%dma_start3A_33 : memref<2048xf32, #tpu.memory_space<hbm>>) target(%dma_start3A_32 : memref<2048xf32, #tpu.memory_space<vmem>>) target_semaphore(%arg17 : memref<!tpu.dma_semaphore, #tpu.memory_space<semaphore_mem>>)
    %add3A_34 = arith.constant 524288 : i32
    %add3A_35 = arith.addi %add3A_14, %add3A_34 : i32
    %add3A_36 = arith.constant 4112 : i32
    %add3A_37 = arith.addi %mul3A_18, %add3A_36 : i32
    %dma_start3A_38 = tpu.memref_slice %arg6[%add3A_37] : memref<18504xf32, #tpu.memory_space<vmem>> -> memref<2048xf32, #tpu.memory_space<vmem>>
    %dma_start3A_39 = tpu.memref_slice %arg2[%add3A_35] : memref<4718592xf32, #tpu.memory_space<hbm>> -> memref<2048xf32, #tpu.memory_space<hbm>>
    %dma_start3A_40 = tpu.memref_slice %arg6[%add3A_37] : memref<18504xf32, #tpu.memory_space<vmem>> -> memref<2048xf32, #tpu.memory_space<vmem>>
    %dma_start3A_41 = tpu.memref_slice %arg2[%add3A_35] : memref<4718592xf32, #tpu.memory_space<hbm>> -> memref<2048xf32, #tpu.memory_space<hbm>>
    tpu.enqueue_dma source(%dma_start3A_41 : memref<2048xf32, #tpu.memory_space<hbm>>) target(%dma_start3A_40 : memref<2048xf32, #tpu.memory_space<vmem>>) target_semaphore(%arg17 : memref<!tpu.dma_semaphore, #tpu.memory_space<semaphore_mem>>)
    %mul3A_42 = arith.constant 192 : i32
    %mul3A_43 = arith.muli %arg1, %mul3A_42 : i32
    %add3A_44 = arith.constant 4 : i32
    %add3A_45 = arith.addi %mul3A_43, %add3A_44 : i32
    %shift_right_arithmetic3A_46 = arith.constant 9 : i32
    %shift_right_arithmetic3A_47 = arith.shrsi %add3A_45, %shift_right_arithmetic3A_46 : i32
    %and3A_48 = arith.constant 511 : i32
    %and3A_49 = arith.andi %add3A_45, %and3A_48 : i32
    %mul3A_50 = arith.constant 786432 : i32
    %mul3A_51 = arith.muli %shift_right_arithmetic3A_47, %mul3A_50 : i32
    %mul3A_52 = arith.constant 512 : i32
    %mul3A_53 = arith.muli %and3A_49, %mul3A_52 : i32
    %add3A_54 = arith.addi %mul3A_51, %mul3A_53 : i32
    %rem3A_55 = arith.constant 1 : i32
    %rem3A_56 = arith.constant 3 : i32
    %rem3A_57 = arith.remsi %rem3A_55, %rem3A_56 : i32
    %mul3A_58 = arith.constant 6168 : i32
    %mul3A_59 = arith.muli %rem3A_57, %mul3A_58 : i32
    %add3A_60 = arith.constant 0 : i32
    %add3A_61 = arith.addi %add3A_54, %add3A_60 : i32
    %add3A_62 = arith.constant 0 : i32
    %add3A_63 = arith.addi %mul3A_59, %add3A_62 : i32
    %dma_start3A_64 = tpu.memref_slice %arg6[%add3A_63] : memref<18504xf32, #tpu.memory_space<vmem>> -> memref<2048xf32, #tpu.memory_space<vmem>>
    %dma_start3A_65 = tpu.memref_slice %arg2[%add3A_61] : memref<4718592xf32, #tpu.memory_space<hbm>> -> memref<2048xf32, #tpu.memory_space<hbm>>
    %dma_start3A_66 = tpu.memref_slice %arg6[%add3A_63] : memref<18504xf32, #tpu.memory_space<vmem>> -> memref<2048xf32, #tpu.memory_space<vmem>>
    %dma_start3A_67 = tpu.memref_slice %arg2[%add3A_61] : memref<4718592xf32, #tpu.memory_space<hbm>> -> memref<2048xf32, #tpu.memory_space<hbm>>
    tpu.enqueue_dma source(%dma_start3A_67 : memref<2048xf32, #tpu.memory_space<hbm>>) target(%dma_start3A_66 : memref<2048xf32, #tpu.memory_space<vmem>>) target_semaphore(%arg17 : memref<!tpu.dma_semaphore, #tpu.memory_space<semaphore_mem>>)
    %add3A_68 = arith.constant 262144 : i32
    %add3A_69 = arith.addi %add3A_54, %add3A_68 : i32
    %add3A_70 = arith.constant 2056 : i32
    %add3A_71 = arith.addi %mul3A_59, %add3A_70 : i32
    %dma_start3A_72 = tpu.memref_slice %arg6[%add3A_71] : memref<18504xf32, #tpu.memory_space<vmem>> -> memref<2048xf32, #tpu.memory_space<vmem>>
    %dma_start3A_73 = tpu.memref_slice %arg2[%add3A_69] : memref<4718592xf32, #tpu.memory_space<hbm>> -> memref<2048xf32, #tpu.memory_space<hbm>>
    %dma_start3A_74 = tpu.memref_slice %arg6[%add3A_71] : memref<18504xf32, #tpu.memory_space<vmem>> -> memref<2048xf32, #tpu.memory_space<vmem>>
    %dma_start3A_75 = tpu.memref_slice %arg2[%add3A_69] : memref<4718592xf32, #tpu.memory_space<hbm>> -> memref<2048xf32, #tpu.memory_space<hbm>>
    tpu.enqueue_dma source(%dma_start3A_75 : memref<2048xf32, #tpu.memory_space<hbm>>) target(%dma_start3A_74 : memref<2048xf32, #tpu.memory_space<vmem>>) target_semaphore(%arg17 : memref<!tpu.dma_semaphore, #tpu.memory_space<semaphore_mem>>)
    %add3A_76 = arith.constant 524288 : i32
    %add3A_77 = arith.addi %add3A_54, %add3A_76 : i32
    %add3A_78 = arith.constant 4112 : i32
    %add3A_79 = arith.addi %mul3A_59, %add3A_78 : i32
    %dma_start3A_80 = tpu.memref_slice %arg6[%add3A_79] : memref<18504xf32, #tpu.memory_space<vmem>> -> memref<2048xf32, #tpu.memory_space<vmem>>
    %dma_start3A_81 = tpu.memref_slice %arg2[%add3A_77] : memref<4718592xf32, #tpu.memory_space<hbm>> -> memref<2048xf32, #tpu.memory_space<hbm>>
    %dma_start3A_82 = tpu.memref_slice %arg6[%add3A_79] : memref<18504xf32, #tpu.memory_space<vmem>> -> memref<2048xf32, #tpu.memory_space<vmem>>
    %dma_start3A_83 = tpu.memref_slice %arg2[%add3A_77] : memref<4718592xf32, #tpu.memory_space<hbm>> -> memref<2048xf32, #tpu.memory_space<hbm>>
    tpu.enqueue_dma source(%dma_start3A_83 : memref<2048xf32, #tpu.memory_space<hbm>>) target(%dma_start3A_82 : memref<2048xf32, #tpu.memory_space<vmem>>) target_semaphore(%arg17 : memref<!tpu.dma_semaphore, #tpu.memory_space<semaphore_mem>>)
    %scan3A = arith.constant 0 : i32
    %scan3A_84 = arith.constant 0 : i32
    %scan3A_85 = arith.constant 48 : i32
    %scan3A_86 = arith.addi %scan3A_84, %scan3A_85 : i32
    %scan3A_87 = arith.constant 1 : i32
    scf.for %scan3A_295 = %scan3A_84 to %scan3A_86 step %scan3A_87  : i32 {
      %add3A_296 = arith.constant 2 : i32
      %add3A_297 = arith.addi %scan3A_295, %add3A_296 : i32
      %lt3A = arith.constant 48 : i32
      %lt3A_298 = arith.cmpi slt, %add3A_297, %lt3A : i32
      %convert_element_type3A = arith.extui %lt3A_298 : i1 to i32
      %cond3A = arith.constant 0 : i32
      %cond3A_299 = arith.cmpi ne, %convert_element_type3A, %cond3A : i32
      scf.if %cond3A_299 {
        %add3A_342 = arith.constant 2 : i32
        %add3A_343 = arith.addi %scan3A_295, %add3A_342 : i32
        %mul3A_344 = arith.constant 192 : i32
        %mul3A_345 = arith.muli %arg1, %mul3A_344 : i32
        %mul3A_346 = arith.constant 4 : i32
        %mul3A_347 = arith.muli %add3A_343, %mul3A_346 : i32
        %add3A_348 = arith.addi %mul3A_345, %mul3A_347 : i32
        %shift_right_arithmetic3A_349 = arith.constant 9 : i32
        %shift_right_arithmetic3A_350 = arith.shrsi %add3A_348, %shift_right_arithmetic3A_349 : i32
        %and3A_351 = arith.constant 511 : i32
        %and3A_352 = arith.andi %add3A_348, %and3A_351 : i32
        %mul3A_353 = arith.constant 786432 : i32
        %mul3A_354 = arith.muli %shift_right_arithmetic3A_350, %mul3A_353 : i32
        %mul3A_355 = arith.constant 512 : i32
        %mul3A_356 = arith.muli %and3A_352, %mul3A_355 : i32
        %add3A_357 = arith.addi %mul3A_354, %mul3A_356 : i32
        %rem3A_358 = arith.constant 3 : i32
        %rem3A_359 = arith.remsi %add3A_343, %rem3A_358 : i32
        %mul3A_360 = arith.constant 6168 : i32
        %mul3A_361 = arith.muli %rem3A_359, %mul3A_360 : i32
        %add3A_362 = arith.constant 0 : i32
        %add3A_363 = arith.addi %add3A_357, %add3A_362 : i32
        %add3A_364 = arith.constant 0 : i32
        %add3A_365 = arith.addi %mul3A_361, %add3A_364 : i32
        %dma_start3A_366 = tpu.memref_slice %arg6[%add3A_365] : memref<18504xf32, #tpu.memory_space<vmem>> -> memref<2048xf32, #tpu.memory_space<vmem>>
        %dma_start3A_367 = tpu.memref_slice %arg2[%add3A_363] : memref<4718592xf32, #tpu.memory_space<hbm>> -> memref<2048xf32, #tpu.memory_space<hbm>>
        %dma_start3A_368 = tpu.memref_slice %arg6[%add3A_365] : memref<18504xf32, #tpu.memory_space<vmem>> -> memref<2048xf32, #tpu.memory_space<vmem>>
        %dma_start3A_369 = tpu.memref_slice %arg2[%add3A_363] : memref<4718592xf32, #tpu.memory_space<hbm>> -> memref<2048xf32, #tpu.memory_space<hbm>>
        tpu.enqueue_dma source(%dma_start3A_369 : memref<2048xf32, #tpu.memory_space<hbm>>) target(%dma_start3A_368 : memref<2048xf32, #tpu.memory_space<vmem>>) target_semaphore(%arg17 : memref<!tpu.dma_semaphore, #tpu.memory_space<semaphore_mem>>)
        %add3A_370 = arith.constant 262144 : i32
        %add3A_371 = arith.addi %add3A_357, %add3A_370 : i32
        %add3A_372 = arith.constant 2056 : i32
        %add3A_373 = arith.addi %mul3A_361, %add3A_372 : i32
        %dma_start3A_374 = tpu.memref_slice %arg6[%add3A_373] : memref<18504xf32, #tpu.memory_space<vmem>> -> memref<2048xf32, #tpu.memory_space<vmem>>
        %dma_start3A_375 = tpu.memref_slice %arg2[%add3A_371] : memref<4718592xf32, #tpu.memory_space<hbm>> -> memref<2048xf32, #tpu.memory_space<hbm>>
        %dma_start3A_376 = tpu.memref_slice %arg6[%add3A_373] : memref<18504xf32, #tpu.memory_space<vmem>> -> memref<2048xf32, #tpu.memory_space<vmem>>
        %dma_start3A_377 = tpu.memref_slice %arg2[%add3A_371] : memref<4718592xf32, #tpu.memory_space<hbm>> -> memref<2048xf32, #tpu.memory_space<hbm>>
        tpu.enqueue_dma source(%dma_start3A_377 : memref<2048xf32, #tpu.memory_space<hbm>>) target(%dma_start3A_376 : memref<2048xf32, #tpu.memory_space<vmem>>) target_semaphore(%arg17 : memref<!tpu.dma_semaphore, #tpu.memory_space<semaphore_mem>>)
        %add3A_378 = arith.constant 524288 : i32
        %add3A_379 = arith.addi %add3A_357, %add3A_378 : i32
        %add3A_380 = arith.constant 4112 : i32
        %add3A_381 = arith.addi %mul3A_361, %add3A_380 : i32
        %dma_start3A_382 = tpu.memref_slice %arg6[%add3A_381] : memref<18504xf32, #tpu.memory_space<vmem>> -> memref<2048xf32, #tpu.memory_space<vmem>>
        %dma_start3A_383 = tpu.memref_slice %arg2[%add3A_379] : memref<4718592xf32, #tpu.memory_space<hbm>> -> memref<2048xf32, #tpu.memory_space<hbm>>
        %dma_start3A_384 = tpu.memref_slice %arg6[%add3A_381] : memref<18504xf32, #tpu.memory_space<vmem>> -> memref<2048xf32, #tpu.memory_space<vmem>>
        %dma_start3A_385 = tpu.memref_slice %arg2[%add3A_379] : memref<4718592xf32, #tpu.memory_space<hbm>> -> memref<2048xf32, #tpu.memory_space<hbm>>
        tpu.enqueue_dma source(%dma_start3A_385 : memref<2048xf32, #tpu.memory_space<hbm>>) target(%dma_start3A_384 : memref<2048xf32, #tpu.memory_space<vmem>>) target_semaphore(%arg17 : memref<!tpu.dma_semaphore, #tpu.memory_space<semaphore_mem>>)
      } else {
      }
      %dma_wait3A_300 = arith.constant 0 : i32
      %dma_wait3A_301 = tpu.memref_slice %arg6[%dma_wait3A_300] : memref<18504xf32, #tpu.memory_space<vmem>> -> memref<6144xf32, #tpu.memory_space<vmem>>
      %dma_wait3A_302 = arith.constant 0 : i32
      %dma_wait3A_303 = tpu.memref_slice %arg2[%dma_wait3A_302] : memref<4718592xf32, #tpu.memory_space<hbm>> -> memref<6144xf32, #tpu.memory_space<hbm>>
      %dma_wait3A_304 = arith.constant 0 : i32
      %dma_wait3A_305 = tpu.memref_slice %arg6[%dma_wait3A_304] : memref<18504xf32, #tpu.memory_space<vmem>> -> memref<6144xf32, #tpu.memory_space<vmem>>
      %dma_wait3A_306 = arith.constant 0 : i32
      %dma_wait3A_307 = tpu.memref_slice %arg2[%dma_wait3A_306] : memref<4718592xf32, #tpu.memory_space<hbm>> -> memref<6144xf32, #tpu.memory_space<hbm>>
      tpu.wait_dma2 semaphore(%arg17 : memref<!tpu.dma_semaphore, #tpu.memory_space<semaphore_mem>>) src(%dma_wait3A_307 : memref<6144xf32, #tpu.memory_space<hbm>>) dst(%dma_wait3A_305 : memref<6144xf32, #tpu.memory_space<vmem>>)
      %ge3A = arith.constant 2 : i32
      %ge3A_308 = arith.cmpi sge, %scan3A_295, %ge3A : i32
      %convert_element_type3A_309 = arith.extui %ge3A_308 : i1 to i32
      %cond3A_310 = arith.constant 0 : i32
      %cond3A_311 = arith.cmpi ne, %convert_element_type3A_309, %cond3A_310 : i32
      scf.if %cond3A_311 {
        %sub3A = arith.constant 2 : i32
        %sub3A_342 = arith.subi %scan3A_295, %sub3A : i32
        %and3A_343 = arith.constant 1 : i32
        %and3A_344 = arith.andi %sub3A_342, %and3A_343 : i32
        %mul3A_345 = arith.constant 2048 : i32
        %mul3A_346 = arith.muli %and3A_344, %mul3A_345 : i32
        %dma_wait3A_347 = arith.constant 0 : i32
        %dma_wait3A_348 = tpu.memref_slice %arg7[%mul3A_346, %dma_wait3A_347] : memref<4096x8xf32, #tpu.memory_space<vmem>> -> memref<2048x8xf32, #tpu.memory_space<vmem>>
        %dma_wait3A_349 = arith.constant 0 : i32
        %dma_wait3A_350 = arith.constant 0 : i32
        %dma_wait3A_351 = tpu.memref_slice %arg5[%dma_wait3A_349, %dma_wait3A_350] : memref<1572864x8xf32, #tpu.memory_space<hbm>> -> memref<2048x8xf32, #tpu.memory_space<hbm>>
        %dma_wait3A_352 = arith.constant 0 : i32
        %dma_wait3A_353 = tpu.memref_slice %arg7[%mul3A_346, %dma_wait3A_352] : memref<4096x8xf32, #tpu.memory_space<vmem>> -> memref<2048x8xf32, #tpu.memory_space<vmem>>
        %dma_wait3A_354 = arith.constant 0 : i32
        %dma_wait3A_355 = arith.constant 0 : i32
        %dma_wait3A_356 = tpu.memref_slice %arg5[%dma_wait3A_354, %dma_wait3A_355] : memref<1572864x8xf32, #tpu.memory_space<hbm>> -> memref<2048x8xf32, #tpu.memory_space<hbm>>
        tpu.wait_dma2 semaphore(%arg18 : memref<!tpu.dma_semaphore, #tpu.memory_space<semaphore_mem>>) src(%dma_wait3A_356 : memref<2048x8xf32, #tpu.memory_space<hbm>>) dst(%dma_wait3A_353 : memref<2048x8xf32, #tpu.memory_space<vmem>>)
      } else {
      }
      %rem3A_312 = arith.constant 3 : i32
      %rem3A_313 = arith.remsi %scan3A_295, %rem3A_312 : i32
      %mul3A_314 = arith.constant 6168 : i32
      %mul3A_315 = arith.muli %rem3A_313, %mul3A_314 : i32
      %and3A_316 = arith.constant 1 : i32
      %and3A_317 = arith.andi %scan3A_295, %and3A_316 : i32
      %mul3A_318 = arith.constant 2048 : i32
      %mul3A_319 = arith.muli %and3A_317, %mul3A_318 : i32
      %parallel_loop3A_320 = arith.constant 0 : i32
      %parallel_loop3A_321 = arith.constant 128 : i32
      %parallel_loop3A_322 = arith.constant 1 : i32
      scf.for %parallel_loop3A_342 = %parallel_loop3A_320 to %parallel_loop3A_321 step %parallel_loop3A_322  : i32 {
        %parallel_loop3A_343 = arith.constant 16 : i32
        %parallel_loop3A_344 = arith.muli %parallel_loop3A_342, %parallel_loop3A_343 : i32
        %parallel_loop3A_345 = arith.addi %mul3A_319, %parallel_loop3A_344 : i32
        %parallel_loop3A_346 = vector.broadcast %parallel_loop3A_345 : i32 to vector<16xi32>
        %parallel_loop3A_347 = arith.addi %parallel_loop3A_346, %iota3A : vector<16xi32>
        %parallel_loop3A_348 = arith.constant 0 : i32
        %parallel_loop3A_349 = arith.addi %mul3A_315, %parallel_loop3A_348 : i32
        %parallel_loop3A_350 = arith.constant 16 : i32
        %parallel_loop3A_351 = arith.muli %parallel_loop3A_342, %parallel_loop3A_350 : i32
        %parallel_loop3A_352 = arith.addi %parallel_loop3A_349, %parallel_loop3A_351 : i32
        %parallel_loop3A_353 = arith.index_cast %parallel_loop3A_352 : i32 to index
        %parallel_loop3A_354 = tpu.vector_load %arg6[%parallel_loop3A_353] {strides = array<i32>} : memref<18504xf32, #tpu.memory_space<vmem>>, vector<16xf32>,
        %parallel_loop3A_355 = arith.constant 0 : i32
        %parallel_loop3A_356 = arith.addi %mul3A_315, %parallel_loop3A_355 : i32
        %parallel_loop3A_357 = arith.constant 16 : i32
        %parallel_loop3A_358 = arith.muli %parallel_loop3A_342, %parallel_loop3A_357 : i32
        %parallel_loop3A_359 = arith.addi %parallel_loop3A_356, %parallel_loop3A_358 : i32
        %parallel_loop3A_360 = arith.constant 1 : i32
        %parallel_loop3A_361 = arith.addi %parallel_loop3A_359, %parallel_loop3A_360 : i32
        %parallel_loop3A_362 = arith.index_cast %parallel_loop3A_361 : i32 to index
        %parallel_loop3A_363 = tpu.vector_load %arg6[%parallel_loop3A_362] {strides = array<i32>} : memref<18504xf32, #tpu.memory_space<vmem>>, vector<16xf32>,
        %parallel_loop3A_364 = arith.constant 0 : i32
        %parallel_loop3A_365 = vector.broadcast %parallel_loop3A_364 : i32 to vector<16xi32>
        %parallel_loop3A_366 = arith.addi %mul3A_3, %parallel_loop3A_365 : vector<16xi32>
        tpu.vector_store_idx %arg7[%parallel_loop3A_347, %parallel_loop3A_366], %parallel_loop3A_354 : memref<4096x8xf32, #tpu.memory_space<vmem>>[vector<16xi32>, vector<16xi32>], vector<16xf32>,
        %parallel_loop3A_367 = arith.constant 4 : i32
        %parallel_loop3A_368 = vector.broadcast %parallel_loop3A_367 : i32 to vector<16xi32>
        %parallel_loop3A_369 = arith.addi %mul3A_3, %parallel_loop3A_368 : vector<16xi32>
        tpu.vector_store_idx %arg7[%parallel_loop3A_347, %parallel_loop3A_369], %parallel_loop3A_363 : memref<4096x8xf32, #tpu.memory_space<vmem>>[vector<16xi32>, vector<16xi32>], vector<16xf32>,
        %parallel_loop3A_370 = arith.constant 2056 : i32
        %parallel_loop3A_371 = arith.addi %mul3A_315, %parallel_loop3A_370 : i32
        %parallel_loop3A_372 = arith.constant 16 : i32
        %parallel_loop3A_373 = arith.muli %parallel_loop3A_342, %parallel_loop3A_372 : i32
        %parallel_loop3A_374 = arith.addi %parallel_loop3A_371, %parallel_loop3A_373 : i32
        %parallel_loop3A_375 = arith.index_cast %parallel_loop3A_374 : i32 to index
        %parallel_loop3A_376 = tpu.vector_load %arg6[%parallel_loop3A_375] {strides = array<i32>} : memref<18504xf32, #tpu.memory_space<vmem>>, vector<16xf32>,
        %parallel_loop3A_377 = arith.constant 2056 : i32
        %parallel_loop3A_378 = arith.addi %mul3A_315, %parallel_loop3A_377 : i32
        %parallel_loop3A_379 = arith.constant 16 : i32
        %parallel_loop3A_380 = arith.muli %parallel_loop3A_342, %parallel_loop3A_379 : i32
        %parallel_loop3A_381 = arith.addi %parallel_loop3A_378, %parallel_loop3A_380 : i32
        %parallel_loop3A_382 = arith.constant 1 : i32
        %parallel_loop3A_383 = arith.addi %parallel_loop3A_381, %parallel_loop3A_382 : i32
        %parallel_loop3A_384 = arith.index_cast %parallel_loop3A_383 : i32 to index
        %parallel_loop3A_385 = tpu.vector_load %arg6[%parallel_loop3A_384] {strides = array<i32>} : memref<18504xf32, #tpu.memory_space<vmem>>, vector<16xf32>,
        %parallel_loop3A_386 = arith.constant 1 : i32
        %parallel_loop3A_387 = vector.broadcast %parallel_loop3A_386 : i32 to vector<16xi32>
        %parallel_loop3A_388 = arith.addi %mul3A_3, %parallel_loop3A_387 : vector<16xi32>
        tpu.vector_store_idx %arg7[%parallel_loop3A_347, %parallel_loop3A_388], %parallel_loop3A_376 : memref<4096x8xf32, #tpu.memory_space<vmem>>[vector<16xi32>, vector<16xi32>], vector<16xf32>,
        %parallel_loop3A_389 = arith.constant 5 : i32
        %parallel_loop3A_390 = vector.broadcast %parallel_loop3A_389 : i32 to vector<16xi32>
        %parallel_loop3A_391 = arith.addi %mul3A_3, %parallel_loop3A_390 : vector<16xi32>
        tpu.vector_store_idx %arg7[%parallel_loop3A_347, %parallel_loop3A_391], %parallel_loop3A_385 : memref<4096x8xf32, #tpu.memory_space<vmem>>[vector<16xi32>, vector<16xi32>], vector<16xf32>,
        %parallel_loop3A_392 = arith.constant 4112 : i32
        %parallel_loop3A_393 = arith.addi %mul3A_315, %parallel_loop3A_392 : i32
        %parallel_loop3A_394 = arith.constant 16 : i32
        %parallel_loop3A_395 = arith.muli %parallel_loop3A_342, %parallel_loop3A_394 : i32
        %parallel_loop3A_396 = arith.addi %parallel_loop3A_393, %parallel_loop3A_395 : i32
        %parallel_loop3A_397 = arith.index_cast %parallel_loop3A_396 : i32 to index
        %parallel_loop3A_398 = tpu.vector_load %arg6[%parallel_loop3A_397] {strides = array<i32>} : memref<18504xf32, #tpu.memory_space<vmem>>, vector<16xf32>,
        %parallel_loop3A_399 = arith.constant 4112 : i32
        %parallel_loop3A_400 = arith.addi %mul3A_315, %parallel_loop3A_399 : i32
        %parallel_loop3A_401 = arith.constant 16 : i32
        %parallel_loop3A_402 = arith.muli %parallel_loop3A_342, %parallel_loop3A_401 : i32
        %parallel_loop3A_403 = arith.addi %parallel_loop3A_400, %parallel_loop3A_402 : i32
        %parallel_loop3A_404 = arith.constant 1 : i32
        %parallel_loop3A_405 = arith.addi %parallel_loop3A_403, %parallel_loop3A_404 : i32
        %parallel_loop3A_406 = arith.index_cast %parallel_loop3A_405 : i32 to index
        %parallel_loop3A_407 = tpu.vector_load %arg6[%parallel_loop3A_406] {strides = array<i32>} : memref<18504xf32, #tpu.memory_space<vmem>>, vector<16xf32>,
        %parallel_loop3A_408 = arith.constant 2 : i32
        %parallel_loop3A_409 = vector.broadcast %parallel_loop3A_408 : i32 to vector<16xi32>
        %parallel_loop3A_410 = arith.addi %mul3A_3, %parallel_loop3A_409 : vector<16xi32>
        tpu.vector_store_idx %arg7[%parallel_loop3A_347, %parallel_loop3A_410], %parallel_loop3A_398 : memref<4096x8xf32, #tpu.memory_space<vmem>>[vector<16xi32>, vector<16xi32>], vector<16xf32>,
        %parallel_loop3A_411 = arith.constant 6 : i32
        %parallel_loop3A_412 = vector.broadcast %parallel_loop3A_411 : i32 to vector<16xi32>
        %parallel_loop3A_413 = arith.addi %mul3A_3, %parallel_loop3A_412 : vector<16xi32>
        tpu.vector_store_idx %arg7[%parallel_loop3A_347, %parallel_loop3A_413], %parallel_loop3A_407 : memref<4096x8xf32, #tpu.memory_space<vmem>>[vector<16xi32>, vector<16xi32>], vector<16xf32>,
      } {sc.loop_unroll_factor = 4 : i64, sc.parallel_access}
      %mul3A_323 = arith.constant 192 : i32
      %mul3A_324 = arith.muli %arg1, %mul3A_323 : i32
      %mul3A_325 = arith.constant 4 : i32
      %mul3A_326 = arith.muli %scan3A_295, %mul3A_325 : i32
      %add3A_327 = arith.addi %mul3A_324, %mul3A_326 : i32
      %and3A_328 = arith.constant 1 : i32
      %and3A_329 = arith.andi %scan3A_295, %and3A_328 : i32
      %mul3A_330 = arith.constant 2048 : i32
      %mul3A_331 = arith.muli %and3A_329, %mul3A_330 : i32
      %mul3A_332 = arith.constant 512 : i32
      %mul3A_333 = arith.muli %add3A_327, %mul3A_332 : i32
      %dma_start3A_334 = arith.constant 0 : i32
      %dma_start3A_335 = tpu.memref_slice %arg7[%mul3A_331, %dma_start3A_334] : memref<4096x8xf32, #tpu.memory_space<vmem>> -> memref<2048x8xf32, #tpu.memory_space<vmem>>
      %dma_start3A_336 = arith.constant 0 : i32
      %dma_start3A_337 = tpu.memref_slice %arg5[%mul3A_333, %dma_start3A_336] : memref<1572864x8xf32, #tpu.memory_space<hbm>> -> memref<2048x8xf32, #tpu.memory_space<hbm>>
      %dma_start3A_338 = arith.constant 0 : i32
      %dma_start3A_339 = tpu.memref_slice %arg5[%mul3A_333, %dma_start3A_338] : memref<1572864x8xf32, #tpu.memory_space<hbm>> -> memref<2048x8xf32, #tpu.memory_space<hbm>>
      %dma_start3A_340 = arith.constant 0 : i32
      %dma_start3A_341 = tpu.memref_slice %arg7[%mul3A_331, %dma_start3A_340] : memref<4096x8xf32, #tpu.memory_space<vmem>> -> memref<2048x8xf32, #tpu.memory_space<vmem>>
      tpu.enqueue_dma source(%dma_start3A_341 : memref<2048x8xf32, #tpu.memory_space<vmem>>) target(%dma_start3A_339 : memref<2048x8xf32, #tpu.memory_space<hbm>>) target_semaphore(%arg18 : memref<!tpu.dma_semaphore, #tpu.memory_space<semaphore_mem>>)
    }
    %scan3A_88 = arith.constant 48 : i32
    %dma_wait3A = arith.constant 0 : i32
    %dma_wait3A_89 = arith.constant 0 : i32
    %dma_wait3A_90 = tpu.memref_slice %arg7[%dma_wait3A, %dma_wait3A_89] : memref<4096x8xf32, #tpu.memory_space<vmem>> -> memref<2048x8xf32, #tpu.memory_space<vmem>>
    %dma_wait3A_91 = arith.constant 0 : i32
    %dma_wait3A_92 = arith.constant 0 : i32
    %dma_wait3A_93 = tpu.memref_slice %arg5[%dma_wait3A_91, %dma_wait3A_92] : memref<1572864x8xf32, #tpu.memory_space<hbm>> -> memref<2048x8xf32, #tpu.memory_space<hbm>>
    %dma_wait3A_94 = arith.constant 0 : i32
    %dma_wait3A_95 = arith.constant 0 : i32
    %dma_wait3A_96 = tpu.memref_slice %arg7[%dma_wait3A_94, %dma_wait3A_95] : memref<4096x8xf32, #tpu.memory_space<vmem>> -> memref<2048x8xf32, #tpu.memory_space<vmem>>
    %dma_wait3A_97 = arith.constant 0 : i32
    %dma_wait3A_98 = arith.constant 0 : i32
    %dma_wait3A_99 = tpu.memref_slice %arg5[%dma_wait3A_97, %dma_wait3A_98] : memref<1572864x8xf32, #tpu.memory_space<hbm>> -> memref<2048x8xf32, #tpu.memory_space<hbm>>
    tpu.wait_dma2 semaphore(%arg18 : memref<!tpu.dma_semaphore, #tpu.memory_space<semaphore_mem>>) src(%dma_wait3A_99 : memref<2048x8xf32, #tpu.memory_space<hbm>>) dst(%dma_wait3A_96 : memref<2048x8xf32, #tpu.memory_space<vmem>>)
    %dma_wait3A_100 = arith.constant 2048 : i32
    %dma_wait3A_101 = arith.constant 0 : i32
    %dma_wait3A_102 = tpu.memref_slice %arg7[%dma_wait3A_100, %dma_wait3A_101] : memref<4096x8xf32, #tpu.memory_space<vmem>> -> memref<2048x8xf32, #tpu.memory_space<vmem>>
    %dma_wait3A_103 = arith.constant 0 : i32
    %dma_wait3A_104 = arith.constant 0 : i32
    %dma_wait3A_105 = tpu.memref_slice %arg5[%dma_wait3A_103, %dma_wait3A_104] : memref<1572864x8xf32, #tpu.memory_space<hbm>> -> memref<2048x8xf32, #tpu.memory_space<hbm>>
    %dma_wait3A_106 = arith.constant 2048 : i32
    %dma_wait3A_107 = arith.constant 0 : i32
    %dma_wait3A_108 = tpu.memref_slice %arg7[%dma_wait3A_106, %dma_wait3A_107] : memref<4096x8xf32, #tpu.memory_space<vmem>> -> memref<2048x8xf32, #tpu.memory_space<vmem>>
    %dma_wait3A_109 = arith.constant 0 : i32
    %dma_wait3A_110 = arith.constant 0 : i32
    %dma_wait3A_111 = tpu.memref_slice %arg5[%dma_wait3A_109, %dma_wait3A_110] : memref<1572864x8xf32, #tpu.memory_space<hbm>> -> memref<2048x8xf32, #tpu.memory_space<hbm>>
    tpu.wait_dma2 semaphore(%arg18 : memref<!tpu.dma_semaphore, #tpu.memory_space<semaphore_mem>>) src(%dma_wait3A_111 : memref<2048x8xf32, #tpu.memory_space<hbm>>) dst(%dma_wait3A_108 : memref<2048x8xf32, #tpu.memory_space<vmem>>)
    %barrier3A = arith.constant 0 : index
    tpu.barrier barrier_id(%barrier3A)
    %mul3A_112 = arith.constant 64800 : i32
    %mul3A_113 = arith.muli %add3A, %mul3A_112 : i32
    %add3A_114 = arith.constant 0 : i32
    %add3A_115 = arith.addi %mul3A_113, %add3A_114 : i32
    %add3A_116 = arith.constant 0 : i32
    %add3A_117 = arith.addi %add3A_116, %add3A_115 : i32
    %dma_start3A_118 = arith.constant 0 : i32
    %dma_start3A_119 = tpu.memref_slice %arg8[%dma_start3A_118] : memref<8640xf32, #tpu.memory_space<vmem>> -> memref<1440xf32, #tpu.memory_space<vmem>>
    %dma_start3A_120 = tpu.memref_slice %arg3[%add3A_117] : memref<6220800xf32, #tpu.memory_space<hbm>> -> memref<1440xf32, #tpu.memory_space<hbm>>
    %dma_start3A_121 = arith.constant 0 : i32
    %dma_start3A_122 = tpu.memref_slice %arg8[%dma_start3A_121] : memref<8640xf32, #tpu.memory_space<vmem>> -> memref<1440xf32, #tpu.memory_space<vmem>>
    %dma_start3A_123 = tpu.memref_slice %arg3[%add3A_117] : memref<6220800xf32, #tpu.memory_space<hbm>> -> memref<1440xf32, #tpu.memory_space<hbm>>
    tpu.enqueue_dma source(%dma_start3A_123 : memref<1440xf32, #tpu.memory_space<hbm>>) target(%dma_start3A_122 : memref<1440xf32, #tpu.memory_space<vmem>>) target_semaphore(%arg19 : memref<!tpu.dma_semaphore, #tpu.memory_space<semaphore_mem>>)
    %add3A_124 = arith.constant 2073600 : i32
    %add3A_125 = arith.addi %add3A_124, %add3A_115 : i32
    %dma_start3A_126 = arith.constant 1440 : i32
    %dma_start3A_127 = tpu.memref_slice %arg8[%dma_start3A_126] : memref<8640xf32, #tpu.memory_space<vmem>> -> memref<1440xf32, #tpu.memory_space<vmem>>
    %dma_start3A_128 = tpu.memref_slice %arg3[%add3A_125] : memref<6220800xf32, #tpu.memory_space<hbm>> -> memref<1440xf32, #tpu.memory_space<hbm>>
    %dma_start3A_129 = arith.constant 1440 : i32
    %dma_start3A_130 = tpu.memref_slice %arg8[%dma_start3A_129] : memref<8640xf32, #tpu.memory_space<vmem>> -> memref<1440xf32, #tpu.memory_space<vmem>>
    %dma_start3A_131 = tpu.memref_slice %arg3[%add3A_125] : memref<6220800xf32, #tpu.memory_space<hbm>> -> memref<1440xf32, #tpu.memory_space<hbm>>
    tpu.enqueue_dma source(%dma_start3A_131 : memref<1440xf32, #tpu.memory_space<hbm>>) target(%dma_start3A_130 : memref<1440xf32, #tpu.memory_space<vmem>>) target_semaphore(%arg19 : memref<!tpu.dma_semaphore, #tpu.memory_space<semaphore_mem>>)
    %add3A_132 = arith.constant 4147200 : i32
    %add3A_133 = arith.addi %add3A_132, %add3A_115 : i32
    %dma_start3A_134 = arith.constant 2880 : i32
    %dma_start3A_135 = tpu.memref_slice %arg8[%dma_start3A_134] : memref<8640xf32, #tpu.memory_space<vmem>> -> memref<1440xf32, #tpu.memory_space<vmem>>
    %dma_start3A_136 = tpu.memref_slice %arg3[%add3A_133] : memref<6220800xf32, #tpu.memory_space<hbm>> -> memref<1440xf32, #tpu.memory_space<hbm>>
    %dma_start3A_137 = arith.constant 2880 : i32
    %dma_start3A_138 = tpu.memref_slice %arg8[%dma_start3A_137] : memref<8640xf32, #tpu.memory_space<vmem>> -> memref<1440xf32, #tpu.memory_space<vmem>>
    %dma_start3A_139 = tpu.memref_slice %arg3[%add3A_133] : memref<6220800xf32, #tpu.memory_space<hbm>> -> memref<1440xf32, #tpu.memory_space<hbm>>
    tpu.enqueue_dma source(%dma_start3A_139 : memref<1440xf32, #tpu.memory_space<hbm>>) target(%dma_start3A_138 : memref<1440xf32, #tpu.memory_space<vmem>>) target_semaphore(%arg19 : memref<!tpu.dma_semaphore, #tpu.memory_space<semaphore_mem>>)
    %dma_wait3A_140 = arith.constant 0 : i32
    %dma_wait3A_141 = tpu.memref_slice %arg8[%dma_wait3A_140] : memref<8640xf32, #tpu.memory_space<vmem>> -> memref<4320xf32, #tpu.memory_space<vmem>>
    %dma_wait3A_142 = arith.constant 0 : i32
    %dma_wait3A_143 = tpu.memref_slice %arg3[%dma_wait3A_142] : memref<6220800xf32, #tpu.memory_space<hbm>> -> memref<4320xf32, #tpu.memory_space<hbm>>
    %dma_wait3A_144 = arith.constant 0 : i32
    %dma_wait3A_145 = tpu.memref_slice %arg8[%dma_wait3A_144] : memref<8640xf32, #tpu.memory_space<vmem>> -> memref<4320xf32, #tpu.memory_space<vmem>>
    %dma_wait3A_146 = arith.constant 0 : i32
    %dma_wait3A_147 = tpu.memref_slice %arg3[%dma_wait3A_146] : memref<6220800xf32, #tpu.memory_space<hbm>> -> memref<4320xf32, #tpu.memory_space<hbm>>
    tpu.wait_dma2 semaphore(%arg19 : memref<!tpu.dma_semaphore, #tpu.memory_space<semaphore_mem>>) src(%dma_wait3A_147 : memref<4320xf32, #tpu.memory_space<hbm>>) dst(%dma_wait3A_145 : memref<4320xf32, #tpu.memory_space<vmem>>)
    %mul3A_148 = arith.constant 64800 : i32
    %mul3A_149 = arith.muli %add3A, %mul3A_148 : i32
    %add3A_150 = arith.constant 1440 : i32
    %add3A_151 = arith.addi %mul3A_149, %add3A_150 : i32
    %add3A_152 = arith.constant 0 : i32
    %add3A_153 = arith.addi %add3A_152, %add3A_151 : i32
    %dma_start3A_154 = arith.constant 4320 : i32
    %dma_start3A_155 = tpu.memref_slice %arg8[%dma_start3A_154] : memref<8640xf32, #tpu.memory_space<vmem>> -> memref<1440xf32, #tpu.memory_space<vmem>>
    %dma_start3A_156 = tpu.memref_slice %arg3[%add3A_153] : memref<6220800xf32, #tpu.memory_space<hbm>> -> memref<1440xf32, #tpu.memory_space<hbm>>
    %dma_start3A_157 = arith.constant 4320 : i32
    %dma_start3A_158 = tpu.memref_slice %arg8[%dma_start3A_157] : memref<8640xf32, #tpu.memory_space<vmem>> -> memref<1440xf32, #tpu.memory_space<vmem>>
    %dma_start3A_159 = tpu.memref_slice %arg3[%add3A_153] : memref<6220800xf32, #tpu.memory_space<hbm>> -> memref<1440xf32, #tpu.memory_space<hbm>>
    tpu.enqueue_dma source(%dma_start3A_159 : memref<1440xf32, #tpu.memory_space<hbm>>) target(%dma_start3A_158 : memref<1440xf32, #tpu.memory_space<vmem>>) target_semaphore(%arg19 : memref<!tpu.dma_semaphore, #tpu.memory_space<semaphore_mem>>)
    %add3A_160 = arith.constant 2073600 : i32
    %add3A_161 = arith.addi %add3A_160, %add3A_151 : i32
    %dma_start3A_162 = arith.constant 5760 : i32
    %dma_start3A_163 = tpu.memref_slice %arg8[%dma_start3A_162] : memref<8640xf32, #tpu.memory_space<vmem>> -> memref<1440xf32, #tpu.memory_space<vmem>>
    %dma_start3A_164 = tpu.memref_slice %arg3[%add3A_161] : memref<6220800xf32, #tpu.memory_space<hbm>> -> memref<1440xf32, #tpu.memory_space<hbm>>
    %dma_start3A_165 = arith.constant 5760 : i32
    %dma_start3A_166 = tpu.memref_slice %arg8[%dma_start3A_165] : memref<8640xf32, #tpu.memory_space<vmem>> -> memref<1440xf32, #tpu.memory_space<vmem>>
    %dma_start3A_167 = tpu.memref_slice %arg3[%add3A_161] : memref<6220800xf32, #tpu.memory_space<hbm>> -> memref<1440xf32, #tpu.memory_space<hbm>>
    tpu.enqueue_dma source(%dma_start3A_167 : memref<1440xf32, #tpu.memory_space<hbm>>) target(%dma_start3A_166 : memref<1440xf32, #tpu.memory_space<vmem>>) target_semaphore(%arg19 : memref<!tpu.dma_semaphore, #tpu.memory_space<semaphore_mem>>)
    %add3A_168 = arith.constant 4147200 : i32
    %add3A_169 = arith.addi %add3A_168, %add3A_151 : i32
    %dma_start3A_170 = arith.constant 7200 : i32
    %dma_start3A_171 = tpu.memref_slice %arg8[%dma_start3A_170] : memref<8640xf32, #tpu.memory_space<vmem>> -> memref<1440xf32, #tpu.memory_space<vmem>>
    %dma_start3A_172 = tpu.memref_slice %arg3[%add3A_169] : memref<6220800xf32, #tpu.memory_space<hbm>> -> memref<1440xf32, #tpu.memory_space<hbm>>
    %dma_start3A_173 = arith.constant 7200 : i32
    %dma_start3A_174 = tpu.memref_slice %arg8[%dma_start3A_173] : memref<8640xf32, #tpu.memory_space<vmem>> -> memref<1440xf32, #tpu.memory_space<vmem>>
    %dma_start3A_175 = tpu.memref_slice %arg3[%add3A_169] : memref<6220800xf32, #tpu.memory_space<hbm>> -> memref<1440xf32, #tpu.memory_space<hbm>>
    tpu.enqueue_dma source(%dma_start3A_175 : memref<1440xf32, #tpu.memory_space<hbm>>) target(%dma_start3A_174 : memref<1440xf32, #tpu.memory_space<vmem>>) target_semaphore(%arg19 : memref<!tpu.dma_semaphore, #tpu.memory_space<semaphore_mem>>)
    %parallel_loop3A = arith.constant 0 : i32
    %parallel_loop3A_176 = arith.constant 90 : i32
    %parallel_loop3A_177 = arith.constant 1 : i32
    scf.for %parallel_loop3A_295 = %parallel_loop3A to %parallel_loop3A_176 step %parallel_loop3A_177  : i32 {
      %parallel_loop3A_296 = arith.constant 16 : i32
      %parallel_loop3A_297 = arith.muli %parallel_loop3A_295, %parallel_loop3A_296 : i32
      %parallel_loop3A_298 = arith.constant 0 : i32
      %parallel_loop3A_299 = arith.addi %parallel_loop3A_298, %parallel_loop3A_297 : i32
      %parallel_loop3A_300 = arith.index_cast %parallel_loop3A_299 : i32 to index
      %parallel_loop3A_301 = tpu.vector_load %arg8[%parallel_loop3A_300] {strides = array<i32>} : memref<8640xf32, #tpu.memory_space<vmem>>, vector<16xf32>,
      %parallel_loop3A_302 = arith.constant 16 : i32
      %parallel_loop3A_303 = arith.muli %parallel_loop3A_295, %parallel_loop3A_302 : i32
      %parallel_loop3A_304 = arith.constant 1440 : i32
      %parallel_loop3A_305 = arith.addi %parallel_loop3A_304, %parallel_loop3A_303 : i32
      %parallel_loop3A_306 = arith.index_cast %parallel_loop3A_305 : i32 to index
      %parallel_loop3A_307 = tpu.vector_load %arg8[%parallel_loop3A_306] {strides = array<i32>} : memref<8640xf32, #tpu.memory_space<vmem>>, vector<16xf32>,
      %parallel_loop3A_308 = arith.constant 16 : i32
      %parallel_loop3A_309 = arith.muli %parallel_loop3A_295, %parallel_loop3A_308 : i32
      %parallel_loop3A_310 = arith.constant 2880 : i32
      %parallel_loop3A_311 = arith.addi %parallel_loop3A_310, %parallel_loop3A_309 : i32
      %parallel_loop3A_312 = arith.index_cast %parallel_loop3A_311 : i32 to index
      %parallel_loop3A_313 = tpu.vector_load %arg8[%parallel_loop3A_312] {strides = array<i32>} : memref<8640xf32, #tpu.memory_space<vmem>>, vector<16xf32>,
      %parallel_loop3A_314 = math.absf %parallel_loop3A_301 : vector<16xf32>
      %parallel_loop3A_315 = math.absf %parallel_loop3A_307 : vector<16xf32>
      %parallel_loop3A_316 = math.absf %parallel_loop3A_313 : vector<16xf32>
      %parallel_loop3A_317 = arith.constant 0.000000e+00 : f32
      %parallel_loop3A_318 = vector.broadcast %parallel_loop3A_317 : f32 to vector<16xf32>
      %parallel_loop3A_319 = arith.cmpf oge, %parallel_loop3A_301, %parallel_loop3A_318 : vector<16xf32>
      %parallel_loop3A_320 = arith.constant 0.000000e+00 : f32
      %parallel_loop3A_321 = vector.broadcast %parallel_loop3A_320 : f32 to vector<16xf32>
      %parallel_loop3A_322 = arith.cmpf oge, %parallel_loop3A_307, %parallel_loop3A_321 : vector<16xf32>
      %parallel_loop3A_323 = arith.constant 0.000000e+00 : f32
      %parallel_loop3A_324 = vector.broadcast %parallel_loop3A_323 : f32 to vector<16xf32>
      %parallel_loop3A_325 = arith.cmpf oge, %parallel_loop3A_313, %parallel_loop3A_324 : vector<16xf32>
      %parallel_loop3A_326 = arith.cmpf oge, %parallel_loop3A_314, %parallel_loop3A_315 : vector<16xf32>
      %parallel_loop3A_327 = arith.cmpf oge, %parallel_loop3A_314, %parallel_loop3A_316 : vector<16xf32>
      %parallel_loop3A_328 = arith.andi %parallel_loop3A_326, %parallel_loop3A_327 : vector<16xi1>
      %parallel_loop3A_329 = arith.constant dense<true> : vector<16xi1>
      %parallel_loop3A_330 = arith.xori %parallel_loop3A_328, %parallel_loop3A_329 : vector<16xi1>
      %parallel_loop3A_331 = arith.cmpf oge, %parallel_loop3A_315, %parallel_loop3A_316 : vector<16xf32>
      %parallel_loop3A_332 = arith.andi %parallel_loop3A_330, %parallel_loop3A_331 : vector<16xi1>
      %parallel_loop3A_333 = arith.constant 0 : i32
      %parallel_loop3A_334 = arith.constant 1 : i32
      %parallel_loop3A_335 = vector.broadcast %parallel_loop3A_333 : i32 to vector<16xi32>
      %parallel_loop3A_336 = vector.broadcast %parallel_loop3A_334 : i32 to vector<16xi32>
      %parallel_loop3A_337 = arith.select %parallel_loop3A_319, %parallel_loop3A_335, %parallel_loop3A_336 : vector<16xi1>, vector<16xi32>
      %parallel_loop3A_338 = arith.constant 2 : i32
      %parallel_loop3A_339 = arith.constant 3 : i32
      %parallel_loop3A_340 = vector.broadcast %parallel_loop3A_338 : i32 to vector<16xi32>
      %parallel_loop3A_341 = vector.broadcast %parallel_loop3A_339 : i32 to vector<16xi32>
      %parallel_loop3A_342 = arith.select %parallel_loop3A_322, %parallel_loop3A_340, %parallel_loop3A_341 : vector<16xi1>, vector<16xi32>
      %parallel_loop3A_343 = arith.constant 4 : i32
      %parallel_loop3A_344 = arith.constant 5 : i32
      %parallel_loop3A_345 = vector.broadcast %parallel_loop3A_343 : i32 to vector<16xi32>
      %parallel_loop3A_346 = vector.broadcast %parallel_loop3A_344 : i32 to vector<16xi32>
      %parallel_loop3A_347 = arith.select %parallel_loop3A_325, %parallel_loop3A_345, %parallel_loop3A_346 : vector<16xi1>, vector<16xi32>
      %parallel_loop3A_348 = arith.select %parallel_loop3A_332, %parallel_loop3A_342, %parallel_loop3A_347 : vector<16xi1>, vector<16xi32>
      %parallel_loop3A_349 = arith.select %parallel_loop3A_328, %parallel_loop3A_337, %parallel_loop3A_348 : vector<16xi1>, vector<16xi32>
      %parallel_loop3A_350 = arith.maximumf %parallel_loop3A_314, %parallel_loop3A_315 : vector<16xf32>
      %parallel_loop3A_351 = arith.maximumf %parallel_loop3A_350, %parallel_loop3A_316 : vector<16xf32>
      %parallel_loop3A_352 = arith.constant 9.99999996E-13 : f32
      %parallel_loop3A_353 = vector.broadcast %parallel_loop3A_352 : f32 to vector<16xf32>
      %parallel_loop3A_354 = arith.maximumf %parallel_loop3A_351, %parallel_loop3A_353 : vector<16xf32>
      %parallel_loop3A_355 = arith.constant 0.000000e+00 : f32
      %parallel_loop3A_356 = vector.broadcast %parallel_loop3A_355 : f32 to vector<16xf32>
      %parallel_loop3A_357 = arith.subf %parallel_loop3A_356, %parallel_loop3A_313 : vector<16xf32>
      %parallel_loop3A_358 = arith.select %parallel_loop3A_319, %parallel_loop3A_357, %parallel_loop3A_313 : vector<16xi1>, vector<16xf32>
      %parallel_loop3A_359 = arith.constant 0.000000e+00 : f32
      %parallel_loop3A_360 = vector.broadcast %parallel_loop3A_359 : f32 to vector<16xf32>
      %parallel_loop3A_361 = arith.subf %parallel_loop3A_360, %parallel_loop3A_301 : vector<16xf32>
      %parallel_loop3A_362 = arith.select %parallel_loop3A_325, %parallel_loop3A_301, %parallel_loop3A_361 : vector<16xi1>, vector<16xf32>
      %parallel_loop3A_363 = arith.select %parallel_loop3A_332, %parallel_loop3A_301, %parallel_loop3A_362 : vector<16xi1>, vector<16xf32>
      %parallel_loop3A_364 = arith.select %parallel_loop3A_328, %parallel_loop3A_358, %parallel_loop3A_363 : vector<16xi1>, vector<16xf32>
      %parallel_loop3A_365 = arith.constant 0.000000e+00 : f32
      %parallel_loop3A_366 = vector.broadcast %parallel_loop3A_365 : f32 to vector<16xf32>
      %parallel_loop3A_367 = arith.subf %parallel_loop3A_366, %parallel_loop3A_307 : vector<16xf32>
      %parallel_loop3A_368 = arith.constant 0.000000e+00 : f32
      %parallel_loop3A_369 = vector.broadcast %parallel_loop3A_368 : f32 to vector<16xf32>
      %parallel_loop3A_370 = arith.subf %parallel_loop3A_369, %parallel_loop3A_313 : vector<16xf32>
      %parallel_loop3A_371 = arith.select %parallel_loop3A_322, %parallel_loop3A_313, %parallel_loop3A_370 : vector<16xi1>, vector<16xf32>
      %parallel_loop3A_372 = arith.constant 0.000000e+00 : f32
      %parallel_loop3A_373 = vector.broadcast %parallel_loop3A_372 : f32 to vector<16xf32>
      %parallel_loop3A_374 = arith.subf %parallel_loop3A_373, %parallel_loop3A_307 : vector<16xf32>
      %parallel_loop3A_375 = arith.select %parallel_loop3A_332, %parallel_loop3A_371, %parallel_loop3A_374 : vector<16xi1>, vector<16xf32>
      %parallel_loop3A_376 = arith.select %parallel_loop3A_328, %parallel_loop3A_367, %parallel_loop3A_375 : vector<16xi1>, vector<16xf32>
      %parallel_loop3A_377 = arith.constant 2.560000e+02 : f32
      %parallel_loop3A_378 = vector.broadcast %parallel_loop3A_377 : f32 to vector<16xf32>
      %parallel_loop3A_379 = arith.divf %parallel_loop3A_378, %parallel_loop3A_354 : vector<16xf32>
      %parallel_loop3A_380 = arith.mulf %parallel_loop3A_364, %parallel_loop3A_379 : vector<16xf32>
      %parallel_loop3A_381 = arith.constant 2.555000e+02 : f32
      %parallel_loop3A_382 = vector.broadcast %parallel_loop3A_381 : f32 to vector<16xf32>
      %parallel_loop3A_383 = arith.addf %parallel_loop3A_380, %parallel_loop3A_382 : vector<16xf32>
      %parallel_loop3A_384 = arith.mulf %parallel_loop3A_376, %parallel_loop3A_379 : vector<16xf32>
      %parallel_loop3A_385 = arith.constant 2.555000e+02 : f32
      %parallel_loop3A_386 = vector.broadcast %parallel_loop3A_385 : f32 to vector<16xf32>
      %parallel_loop3A_387 = arith.addf %parallel_loop3A_384, %parallel_loop3A_386 : vector<16xf32>
      %parallel_loop3A_388 = arith.fptosi %parallel_loop3A_383 : vector<16xf32> to vector<16xi32>
      %parallel_loop3A_389 = arith.constant 0 : i32
      %parallel_loop3A_390 = arith.constant 510 : i32
      %parallel_loop3A_391 = vector.broadcast %parallel_loop3A_389 : i32 to vector<16xi32>
      %parallel_loop3A_392 = arith.maxsi %parallel_loop3A_391, %parallel_loop3A_388 : vector<16xi32>
      %parallel_loop3A_393 = vector.broadcast %parallel_loop3A_390 : i32 to vector<16xi32>
      %parallel_loop3A_394 = arith.minsi %parallel_loop3A_393, %parallel_loop3A_392 : vector<16xi32>
      %parallel_loop3A_395 = arith.fptosi %parallel_loop3A_387 : vector<16xf32> to vector<16xi32>
      %parallel_loop3A_396 = arith.constant 0 : i32
      %parallel_loop3A_397 = arith.constant 510 : i32
      %parallel_loop3A_398 = vector.broadcast %parallel_loop3A_396 : i32 to vector<16xi32>
      %parallel_loop3A_399 = arith.maxsi %parallel_loop3A_398, %parallel_loop3A_395 : vector<16xi32>
      %parallel_loop3A_400 = vector.broadcast %parallel_loop3A_397 : i32 to vector<16xi32>
      %parallel_loop3A_401 = arith.minsi %parallel_loop3A_400, %parallel_loop3A_399 : vector<16xi32>
      %parallel_loop3A_402 = arith.constant 0.000000e+00 : f32
      %parallel_loop3A_403 = arith.constant 5.110000e+02 : f32
      %parallel_loop3A_404 = vector.broadcast %parallel_loop3A_402 : f32 to vector<16xf32>
      %parallel_loop3A_405 = arith.maximumf %parallel_loop3A_404, %parallel_loop3A_383 : vector<16xf32>
      %parallel_loop3A_406 = vector.broadcast %parallel_loop3A_403 : f32 to vector<16xf32>
      %parallel_loop3A_407 = arith.minimumf %parallel_loop3A_406, %parallel_loop3A_405 : vector<16xf32>
      %parallel_loop3A_408 = arith.sitofp %parallel_loop3A_394 : vector<16xi32> to vector<16xf32>
      %parallel_loop3A_409 = arith.subf %parallel_loop3A_407, %parallel_loop3A_408 : vector<16xf32>
      %parallel_loop3A_410 = arith.constant 0.000000e+00 : f32
      %parallel_loop3A_411 = arith.constant 5.110000e+02 : f32
      %parallel_loop3A_412 = vector.broadcast %parallel_loop3A_410 : f32 to vector<16xf32>
      %parallel_loop3A_413 = arith.maximumf %parallel_loop3A_412, %parallel_loop3A_387 : vector<16xf32>
      %parallel_loop3A_414 = vector.broadcast %parallel_loop3A_411 : f32 to vector<16xf32>
      %parallel_loop3A_415 = arith.minimumf %parallel_loop3A_414, %parallel_loop3A_413 : vector<16xf32>
      %parallel_loop3A_416 = arith.sitofp %parallel_loop3A_401 : vector<16xi32> to vector<16xf32>
      %parallel_loop3A_417 = arith.subf %parallel_loop3A_415, %parallel_loop3A_416 : vector<16xf32>
      %parallel_loop3A_418 = arith.constant 16 : i32
      %parallel_loop3A_419 = arith.muli %parallel_loop3A_295, %parallel_loop3A_418 : i32
      %parallel_loop3A_420 = arith.constant 0 : i32
      %parallel_loop3A_421 = arith.addi %parallel_loop3A_420, %parallel_loop3A_419 : i32
      %parallel_loop3A_422 = arith.constant 18 : i32
      %parallel_loop3A_423 = vector.broadcast %parallel_loop3A_422 : i32 to vector<16xi32>
      %parallel_loop3A_424 = arith.shli %parallel_loop3A_349, %parallel_loop3A_423 : vector<16xi32>
      %parallel_loop3A_425 = arith.constant 9 : i32
      %parallel_loop3A_426 = vector.broadcast %parallel_loop3A_425 : i32 to vector<16xi32>
      %parallel_loop3A_427 = arith.shli %parallel_loop3A_401, %parallel_loop3A_426 : vector<16xi32>
      %parallel_loop3A_428 = arith.ori %parallel_loop3A_424, %parallel_loop3A_427 : vector<16xi32>
      %parallel_loop3A_429 = arith.ori %parallel_loop3A_428, %parallel_loop3A_394 : vector<16xi32>
      %parallel_loop3A_430 = arith.index_cast %parallel_loop3A_421 : i32 to index
      %parallel_loop3A_431 = tpu.vector_load %arg9[%parallel_loop3A_430] {strides = array<i32>} : memref<2880xi32, #tpu.memory_space<vmem>>, vector<16xi32>,
      tpu.vector_store %arg9[%parallel_loop3A_430], %parallel_loop3A_429 {strides = array<i32>} : memref<2880xi32, #tpu.memory_space<vmem>>, vector<16xi32>,
      %parallel_loop3A_432 = arith.constant 512 : i32
      %parallel_loop3A_433 = vector.broadcast %parallel_loop3A_432 : i32 to vector<16xi32>
      %parallel_loop3A_434 = arith.addi %parallel_loop3A_429, %parallel_loop3A_433 : vector<16xi32>
      %parallel_loop3A_435 = arith.index_cast %parallel_loop3A_421 : i32 to index
      %parallel_loop3A_436 = tpu.vector_load %arg10[%parallel_loop3A_435] {strides = array<i32>} : memref<2880xi32, #tpu.memory_space<vmem>>, vector<16xi32>,
      tpu.vector_store %arg10[%parallel_loop3A_435], %parallel_loop3A_434 {strides = array<i32>} : memref<2880xi32, #tpu.memory_space<vmem>>, vector<16xi32>,
      %parallel_loop3A_437 = arith.index_cast %parallel_loop3A_421 : i32 to index
      %parallel_loop3A_438 = tpu.vector_load %arg11[%parallel_loop3A_437] {strides = array<i32>} : memref<2880xf32, #tpu.memory_space<vmem>>, vector<16xf32>,
      tpu.vector_store %arg11[%parallel_loop3A_437], %parallel_loop3A_409 {strides = array<i32>} : memref<2880xf32, #tpu.memory_space<vmem>>, vector<16xf32>,
      %parallel_loop3A_439 = arith.index_cast %parallel_loop3A_421 : i32 to index
      %parallel_loop3A_440 = tpu.vector_load %arg12[%parallel_loop3A_439] {strides = array<i32>} : memref<2880xf32, #tpu.memory_space<vmem>>, vector<16xf32>,
      tpu.vector_store %arg12[%parallel_loop3A_439], %parallel_loop3A_417 {strides = array<i32>} : memref<2880xf32, #tpu.memory_space<vmem>>, vector<16xf32>,
    } {sc.loop_unroll_factor = 2 : i64, sc.parallel_access}
    %dma_start3A_178 = arith.constant 0 : i32
    %dma_start3A_179 = arith.constant 0 : i32
    %dma_start3A_180 = tpu.memref_slice %arg13[%dma_start3A_178, %dma_start3A_179] : memref<2880x8xf32, #tpu.memory_space<vmem>> -> memref<720x8xf32, #tpu.memory_space<vmem>>
    %dma_start3A_181 = arith.constant 0 : i32
    %dma_start3A_182 = tpu.memref_slice %arg9[%dma_start3A_181] : memref<2880xi32, #tpu.memory_space<vmem>> -> memref<720xi32, #tpu.memory_space<vmem>>
    %dma_start3A_183 = arith.constant 0 : i32
    %dma_start3A_184 = arith.constant 0 : i32
    %dma_start3A_185 = tpu.memref_slice %arg5[%dma_start3A_183, %dma_start3A_184] : memref<1572864x8xf32, #tpu.memory_space<hbm>> -> memref<1572864x8xf32, #tpu.memory_space<hbm>>
    tpu.enqueue_indirect_dma source(%dma_start3A_185 : memref<1572864x8xf32, #tpu.memory_space<hbm>>) target(%dma_start3A_180 : memref<720x8xf32, #tpu.memory_space<vmem>>) offsets(%dma_start3A_182 : memref<720xi32, #tpu.memory_space<vmem>>) semaphore(%arg16 : memref<!tpu.dma_semaphore, #tpu.memory_space<semaphore_mem>>)
    %dma_start3A_186 = arith.constant 0 : i32
    %dma_start3A_187 = arith.constant 0 : i32
    %dma_start3A_188 = tpu.memref_slice %arg14[%dma_start3A_186, %dma_start3A_187] : memref<2880x8xf32, #tpu.memory_space<vmem>> -> memref<720x8xf32, #tpu.memory_space<vmem>>
    %dma_start3A_189 = arith.constant 0 : i32
    %dma_start3A_190 = tpu.memref_slice %arg10[%dma_start3A_189] : memref<2880xi32, #tpu.memory_space<vmem>> -> memref<720xi32, #tpu.memory_space<vmem>>
    %dma_start3A_191 = arith.constant 0 : i32
    %dma_start3A_192 = arith.constant 0 : i32
    %dma_start3A_193 = tpu.memref_slice %arg5[%dma_start3A_191, %dma_start3A_192] : memref<1572864x8xf32, #tpu.memory_space<hbm>> -> memref<1572864x8xf32, #tpu.memory_space<hbm>>
    tpu.enqueue_indirect_dma source(%dma_start3A_193 : memref<1572864x8xf32, #tpu.memory_space<hbm>>) target(%dma_start3A_188 : memref<720x8xf32, #tpu.memory_space<vmem>>) offsets(%dma_start3A_190 : memref<720xi32, #tpu.memory_space<vmem>>) semaphore(%arg16 : memref<!tpu.dma_semaphore, #tpu.memory_space<semaphore_mem>>)
    %dma_start3A_194 = arith.constant 720 : i32
    %dma_start3A_195 = arith.constant 0 : i32
    %dma_start3A_196 = tpu.memref_slice %arg13[%dma_start3A_194, %dma_start3A_195] : memref<2880x8xf32, #tpu.memory_space<vmem>> -> memref<720x8xf32, #tpu.memory_space<vmem>>
    %dma_start3A_197 = arith.constant 720 : i32
    %dma_start3A_198 = tpu.memref_slice %arg9[%dma_start3A_197] : memref<2880xi32, #tpu.memory_space<vmem>> -> memref<720xi32, #tpu.memory_space<vmem>>
    %dma_start3A_199 = arith.constant 0 : i32
    %dma_start3A_200 = arith.constant 0 : i32
    %dma_start3A_201 = tpu.memref_slice %arg5[%dma_start3A_199, %dma_start3A_200] : memref<1572864x8xf32, #tpu.memory_space<hbm>> -> memref<1572864x8xf32, #tpu.memory_space<hbm>>
    tpu.enqueue_indirect_dma source(%dma_start3A_201 : memref<1572864x8xf32, #tpu.memory_space<hbm>>) target(%dma_start3A_196 : memref<720x8xf32, #tpu.memory_space<vmem>>) offsets(%dma_start3A_198 : memref<720xi32, #tpu.memory_space<vmem>>) semaphore(%arg16 : memref<!tpu.dma_semaphore, #tpu.memory_space<semaphore_mem>>)
    %dma_start3A_202 = arith.constant 720 : i32
    %dma_start3A_203 = arith.constant 0 : i32
    %dma_start3A_204 = tpu.memref_slice %arg14[%dma_start3A_202, %dma_start3A_203] : memref<2880x8xf32, #tpu.memory_space<vmem>> -> memref<720x8xf32, #tpu.memory_space<vmem>>
    %dma_start3A_205 = arith.constant 720 : i32
    %dma_start3A_206 = tpu.memref_slice %arg10[%dma_start3A_205] : memref<2880xi32, #tpu.memory_space<vmem>> -> memref<720xi32, #tpu.memory_space<vmem>>
    %dma_start3A_207 = arith.constant 0 : i32
    %dma_start3A_208 = arith.constant 0 : i32
    %dma_start3A_209 = tpu.memref_slice %arg5[%dma_start3A_207, %dma_start3A_208] : memref<1572864x8xf32, #tpu.memory_space<hbm>> -> memref<1572864x8xf32, #tpu.memory_space<hbm>>
    tpu.enqueue_indirect_dma source(%dma_start3A_209 : memref<1572864x8xf32, #tpu.memory_space<hbm>>) target(%dma_start3A_204 : memref<720x8xf32, #tpu.memory_space<vmem>>) offsets(%dma_start3A_206 : memref<720xi32, #tpu.memory_space<vmem>>) semaphore(%arg16 : memref<!tpu.dma_semaphore, #tpu.memory_space<semaphore_mem>>)
    %scan3A_210 = arith.constant 0 : i32
    %scan3A_211 = arith.constant 1 : i32
    %scan3A_212 = arith.constant 44 : i32
    %scan3A_213 = arith.addi %scan3A_211, %scan3A_212 : i32
    %scan3A_214 = arith.constant 1 : i32
    scf.for %scan3A_295 = %scan3A_211 to %scan3A_213 step %scan3A_214  : i32 {
      %and3A_296 = arith.constant 1 : i32
      %and3A_297 = arith.andi %scan3A_295, %and3A_296 : i32
      %mul3A_298 = arith.constant 1440 : i32
      %mul3A_299 = arith.muli %and3A_297, %mul3A_298 : i32
      %add3A_300 = arith.constant 1 : i32
      %add3A_301 = arith.addi %scan3A_295, %add3A_300 : i32
      %lt3A = arith.constant 45 : i32
      %lt3A_302 = arith.cmpi slt, %add3A_301, %lt3A : i32
      %convert_element_type3A = arith.extui %lt3A_302 : i1 to i32
      %cond3A = arith.constant 0 : i32
      %cond3A_303 = arith.cmpi ne, %convert_element_type3A, %cond3A : i32
      scf.if %cond3A_303 {
        %add3A_418 = arith.constant 1 : i32
        %add3A_419 = arith.addi %scan3A_295, %add3A_418 : i32
        %mul3A_420 = arith.constant 64800 : i32
        %mul3A_421 = arith.muli %add3A, %mul3A_420 : i32
        %mul3A_422 = arith.constant 1440 : i32
        %mul3A_423 = arith.muli %add3A_419, %mul3A_422 : i32
        %add3A_424 = arith.addi %mul3A_421, %mul3A_423 : i32
        %and3A_425 = arith.constant 1 : i32
        %and3A_426 = arith.andi %add3A_419, %and3A_425 : i32
        %mul3A_427 = arith.constant 4320 : i32
        %mul3A_428 = arith.muli %and3A_426, %mul3A_427 : i32
        %add3A_429 = arith.constant 0 : i32
        %add3A_430 = arith.addi %add3A_429, %add3A_424 : i32
        %add3A_431 = arith.constant 0 : i32
        %add3A_432 = arith.addi %mul3A_428, %add3A_431 : i32
        %dma_start3A_433 = tpu.memref_slice %arg8[%add3A_432] : memref<8640xf32, #tpu.memory_space<vmem>> -> memref<1440xf32, #tpu.memory_space<vmem>>
        %dma_start3A_434 = tpu.memref_slice %arg3[%add3A_430] : memref<6220800xf32, #tpu.memory_space<hbm>> -> memref<1440xf32, #tpu.memory_space<hbm>>
        %dma_start3A_435 = tpu.memref_slice %arg8[%add3A_432] : memref<8640xf32, #tpu.memory_space<vmem>> -> memref<1440xf32, #tpu.memory_space<vmem>>
        %dma_start3A_436 = tpu.memref_slice %arg3[%add3A_430] : memref<6220800xf32, #tpu.memory_space<hbm>> -> memref<1440xf32, #tpu.memory_space<hbm>>
        tpu.enqueue_dma source(%dma_start3A_436 : memref<1440xf32, #tpu.memory_space<hbm>>) target(%dma_start3A_435 : memref<1440xf32, #tpu.memory_space<vmem>>) target_semaphore(%arg19 : memref<!tpu.dma_semaphore, #tpu.memory_space<semaphore_mem>>)
        %add3A_437 = arith.constant 2073600 : i32
        %add3A_438 = arith.addi %add3A_437, %add3A_424 : i32
        %add3A_439 = arith.constant 1440 : i32
        %add3A_440 = arith.addi %mul3A_428, %add3A_439 : i32
        %dma_start3A_441 = tpu.memref_slice %arg8[%add3A_440] : memref<8640xf32, #tpu.memory_space<vmem>> -> memref<1440xf32, #tpu.memory_space<vmem>>
        %dma_start3A_442 = tpu.memref_slice %arg3[%add3A_438] : memref<6220800xf32, #tpu.memory_space<hbm>> -> memref<1440xf32, #tpu.memory_space<hbm>>
        %dma_start3A_443 = tpu.memref_slice %arg8[%add3A_440] : memref<8640xf32, #tpu.memory_space<vmem>> -> memref<1440xf32, #tpu.memory_space<vmem>>
        %dma_start3A_444 = tpu.memref_slice %arg3[%add3A_438] : memref<6220800xf32, #tpu.memory_space<hbm>> -> memref<1440xf32, #tpu.memory_space<hbm>>
        tpu.enqueue_dma source(%dma_start3A_444 : memref<1440xf32, #tpu.memory_space<hbm>>) target(%dma_start3A_443 : memref<1440xf32, #tpu.memory_space<vmem>>) target_semaphore(%arg19 : memref<!tpu.dma_semaphore, #tpu.memory_space<semaphore_mem>>)
        %add3A_445 = arith.constant 4147200 : i32
        %add3A_446 = arith.addi %add3A_445, %add3A_424 : i32
        %add3A_447 = arith.constant 2880 : i32
        %add3A_448 = arith.addi %mul3A_428, %add3A_447 : i32
        %dma_start3A_449 = tpu.memref_slice %arg8[%add3A_448] : memref<8640xf32, #tpu.memory_space<vmem>> -> memref<1440xf32, #tpu.memory_space<vmem>>
        %dma_start3A_450 = tpu.memref_slice %arg3[%add3A_446] : memref<6220800xf32, #tpu.memory_space<hbm>> -> memref<1440xf32, #tpu.memory_space<hbm>>
        %dma_start3A_451 = tpu.memref_slice %arg8[%add3A_448] : memref<8640xf32, #tpu.memory_space<vmem>> -> memref<1440xf32, #tpu.memory_space<vmem>>
        %dma_start3A_452 = tpu.memref_slice %arg3[%add3A_446] : memref<6220800xf32, #tpu.memory_space<hbm>> -> memref<1440xf32, #tpu.memory_space<hbm>>
        tpu.enqueue_dma source(%dma_start3A_452 : memref<1440xf32, #tpu.memory_space<hbm>>) target(%dma_start3A_451 : memref<1440xf32, #tpu.memory_space<vmem>>) target_semaphore(%arg19 : memref<!tpu.dma_semaphore, #tpu.memory_space<semaphore_mem>>)
      } else {
      }
      %dma_wait3A_304 = arith.constant 0 : i32
      %dma_wait3A_305 = tpu.memref_slice %arg8[%dma_wait3A_304] : memref<8640xf32, #tpu.memory_space<vmem>> -> memref<4320xf32, #tpu.memory_space<vmem>>
      %dma_wait3A_306 = arith.constant 0 : i32
      %dma_wait3A_307 = tpu.memref_slice %arg3[%dma_wait3A_306] : memref<6220800xf32, #tpu.memory_space<hbm>> -> memref<4320xf32, #tpu.memory_space<hbm>>
      %dma_wait3A_308 = arith.constant 0 : i32
      %dma_wait3A_309 = tpu.memref_slice %arg8[%dma_wait3A_308] : memref<8640xf32, #tpu.memory_space<vmem>> -> memref<4320xf32, #tpu.memory_space<vmem>>
      %dma_wait3A_310 = arith.constant 0 : i32
      %dma_wait3A_311 = tpu.memref_slice %arg3[%dma_wait3A_310] : memref<6220800xf32, #tpu.memory_space<hbm>> -> memref<4320xf32, #tpu.memory_space<hbm>>
      tpu.wait_dma2 semaphore(%arg19 : memref<!tpu.dma_semaphore, #tpu.memory_space<semaphore_mem>>) src(%dma_wait3A_311 : memref<4320xf32, #tpu.memory_space<hbm>>) dst(%dma_wait3A_309 : memref<4320xf32, #tpu.memory_space<vmem>>)
      %and3A_312 = arith.constant 1 : i32
      %and3A_313 = arith.andi %scan3A_295, %and3A_312 : i32
      %mul3A_314 = arith.constant 4320 : i32
      %mul3A_315 = arith.muli %and3A_313, %mul3A_314 : i32
      %parallel_loop3A_316 = arith.constant 0 : i32
      %parallel_loop3A_317 = arith.constant 90 : i32
      %parallel_loop3A_318 = arith.constant 1 : i32
      scf.for %parallel_loop3A_418 = %parallel_loop3A_316 to %parallel_loop3A_317 step %parallel_loop3A_318  : i32 {
        %parallel_loop3A_419 = arith.constant 16 : i32
        %parallel_loop3A_420 = arith.muli %parallel_loop3A_418, %parallel_loop3A_419 : i32
        %parallel_loop3A_421 = arith.addi %mul3A_315, %parallel_loop3A_420 : i32
        %parallel_loop3A_422 = arith.index_cast %parallel_loop3A_421 : i32 to index
        %parallel_loop3A_423 = tpu.vector_load %arg8[%parallel_loop3A_422] {strides = array<i32>} : memref<8640xf32, #tpu.memory_space<vmem>>, vector<16xf32>,
        %parallel_loop3A_424 = arith.constant 1440 : i32
        %parallel_loop3A_425 = arith.addi %mul3A_315, %parallel_loop3A_424 : i32
        %parallel_loop3A_426 = arith.constant 16 : i32
        %parallel_loop3A_427 = arith.muli %parallel_loop3A_418, %parallel_loop3A_426 : i32
        %parallel_loop3A_428 = arith.addi %parallel_loop3A_425, %parallel_loop3A_427 : i32
        %parallel_loop3A_429 = arith.index_cast %parallel_loop3A_428 : i32 to index
        %parallel_loop3A_430 = tpu.vector_load %arg8[%parallel_loop3A_429] {strides = array<i32>} : memref<8640xf32, #tpu.memory_space<vmem>>, vector<16xf32>,
        %parallel_loop3A_431 = arith.constant 2880 : i32
        %parallel_loop3A_432 = arith.addi %mul3A_315, %parallel_loop3A_431 : i32
        %parallel_loop3A_433 = arith.constant 16 : i32
        %parallel_loop3A_434 = arith.muli %parallel_loop3A_418, %parallel_loop3A_433 : i32
        %parallel_loop3A_435 = arith.addi %parallel_loop3A_432, %parallel_loop3A_434 : i32
        %parallel_loop3A_436 = arith.index_cast %parallel_loop3A_435 : i32 to index
        %parallel_loop3A_437 = tpu.vector_load %arg8[%parallel_loop3A_436] {strides = array<i32>} : memref<8640xf32, #tpu.memory_space<vmem>>, vector<16xf32>,
        %parallel_loop3A_438 = math.absf %parallel_loop3A_423 : vector<16xf32>
        %parallel_loop3A_439 = math.absf %parallel_loop3A_430 : vector<16xf32>
        %parallel_loop3A_440 = math.absf %parallel_loop3A_437 : vector<16xf32>
        %parallel_loop3A_441 = arith.constant 0.000000e+00 : f32
        %parallel_loop3A_442 = vector.broadcast %parallel_loop3A_441 : f32 to vector<16xf32>
        %parallel_loop3A_443 = arith.cmpf oge, %parallel_loop3A_423, %parallel_loop3A_442 : vector<16xf32>
        %parallel_loop3A_444 = arith.constant 0.000000e+00 : f32
        %parallel_loop3A_445 = vector.broadcast %parallel_loop3A_444 : f32 to vector<16xf32>
        %parallel_loop3A_446 = arith.cmpf oge, %parallel_loop3A_430, %parallel_loop3A_445 : vector<16xf32>
        %parallel_loop3A_447 = arith.constant 0.000000e+00 : f32
        %parallel_loop3A_448 = vector.broadcast %parallel_loop3A_447 : f32 to vector<16xf32>
        %parallel_loop3A_449 = arith.cmpf oge, %parallel_loop3A_437, %parallel_loop3A_448 : vector<16xf32>
        %parallel_loop3A_450 = arith.cmpf oge, %parallel_loop3A_438, %parallel_loop3A_439 : vector<16xf32>
        %parallel_loop3A_451 = arith.cmpf oge, %parallel_loop3A_438, %parallel_loop3A_440 : vector<16xf32>
        %parallel_loop3A_452 = arith.andi %parallel_loop3A_450, %parallel_loop3A_451 : vector<16xi1>
        %parallel_loop3A_453 = arith.constant dense<true> : vector<16xi1>
        %parallel_loop3A_454 = arith.xori %parallel_loop3A_452, %parallel_loop3A_453 : vector<16xi1>
        %parallel_loop3A_455 = arith.cmpf oge, %parallel_loop3A_439, %parallel_loop3A_440 : vector<16xf32>
        %parallel_loop3A_456 = arith.andi %parallel_loop3A_454, %parallel_loop3A_455 : vector<16xi1>
        %parallel_loop3A_457 = arith.constant 0 : i32
        %parallel_loop3A_458 = arith.constant 1 : i32
        %parallel_loop3A_459 = vector.broadcast %parallel_loop3A_457 : i32 to vector<16xi32>
        %parallel_loop3A_460 = vector.broadcast %parallel_loop3A_458 : i32 to vector<16xi32>
        %parallel_loop3A_461 = arith.select %parallel_loop3A_443, %parallel_loop3A_459, %parallel_loop3A_460 : vector<16xi1>, vector<16xi32>
        %parallel_loop3A_462 = arith.constant 2 : i32
        %parallel_loop3A_463 = arith.constant 3 : i32
        %parallel_loop3A_464 = vector.broadcast %parallel_loop3A_462 : i32 to vector<16xi32>
        %parallel_loop3A_465 = vector.broadcast %parallel_loop3A_463 : i32 to vector<16xi32>
        %parallel_loop3A_466 = arith.select %parallel_loop3A_446, %parallel_loop3A_464, %parallel_loop3A_465 : vector<16xi1>, vector<16xi32>
        %parallel_loop3A_467 = arith.constant 4 : i32
        %parallel_loop3A_468 = arith.constant 5 : i32
        %parallel_loop3A_469 = vector.broadcast %parallel_loop3A_467 : i32 to vector<16xi32>
        %parallel_loop3A_470 = vector.broadcast %parallel_loop3A_468 : i32 to vector<16xi32>
        %parallel_loop3A_471 = arith.select %parallel_loop3A_449, %parallel_loop3A_469, %parallel_loop3A_470 : vector<16xi1>, vector<16xi32>
        %parallel_loop3A_472 = arith.select %parallel_loop3A_456, %parallel_loop3A_466, %parallel_loop3A_471 : vector<16xi1>, vector<16xi32>
        %parallel_loop3A_473 = arith.select %parallel_loop3A_452, %parallel_loop3A_461, %parallel_loop3A_472 : vector<16xi1>, vector<16xi32>
        %parallel_loop3A_474 = arith.maximumf %parallel_loop3A_438, %parallel_loop3A_439 : vector<16xf32>
        %parallel_loop3A_475 = arith.maximumf %parallel_loop3A_474, %parallel_loop3A_440 : vector<16xf32>
        %parallel_loop3A_476 = arith.constant 9.99999996E-13 : f32
        %parallel_loop3A_477 = vector.broadcast %parallel_loop3A_476 : f32 to vector<16xf32>
        %parallel_loop3A_478 = arith.maximumf %parallel_loop3A_475, %parallel_loop3A_477 : vector<16xf32>
        %parallel_loop3A_479 = arith.constant 0.000000e+00 : f32
        %parallel_loop3A_480 = vector.broadcast %parallel_loop3A_479 : f32 to vector<16xf32>
        %parallel_loop3A_481 = arith.subf %parallel_loop3A_480, %parallel_loop3A_437 : vector<16xf32>
        %parallel_loop3A_482 = arith.select %parallel_loop3A_443, %parallel_loop3A_481, %parallel_loop3A_437 : vector<16xi1>, vector<16xf32>
        %parallel_loop3A_483 = arith.constant 0.000000e+00 : f32
        %parallel_loop3A_484 = vector.broadcast %parallel_loop3A_483 : f32 to vector<16xf32>
        %parallel_loop3A_485 = arith.subf %parallel_loop3A_484, %parallel_loop3A_423 : vector<16xf32>
        %parallel_loop3A_486 = arith.select %parallel_loop3A_449, %parallel_loop3A_423, %parallel_loop3A_485 : vector<16xi1>, vector<16xf32>
        %parallel_loop3A_487 = arith.select %parallel_loop3A_456, %parallel_loop3A_423, %parallel_loop3A_486 : vector<16xi1>, vector<16xf32>
        %parallel_loop3A_488 = arith.select %parallel_loop3A_452, %parallel_loop3A_482, %parallel_loop3A_487 : vector<16xi1>, vector<16xf32>
        %parallel_loop3A_489 = arith.constant 0.000000e+00 : f32
        %parallel_loop3A_490 = vector.broadcast %parallel_loop3A_489 : f32 to vector<16xf32>
        %parallel_loop3A_491 = arith.subf %parallel_loop3A_490, %parallel_loop3A_430 : vector<16xf32>
        %parallel_loop3A_492 = arith.constant 0.000000e+00 : f32
        %parallel_loop3A_493 = vector.broadcast %parallel_loop3A_492 : f32 to vector<16xf32>
        %parallel_loop3A_494 = arith.subf %parallel_loop3A_493, %parallel_loop3A_437 : vector<16xf32>
        %parallel_loop3A_495 = arith.select %parallel_loop3A_446, %parallel_loop3A_437, %parallel_loop3A_494 : vector<16xi1>, vector<16xf32>
        %parallel_loop3A_496 = arith.constant 0.000000e+00 : f32
        %parallel_loop3A_497 = vector.broadcast %parallel_loop3A_496 : f32 to vector<16xf32>
        %parallel_loop3A_498 = arith.subf %parallel_loop3A_497, %parallel_loop3A_430 : vector<16xf32>
        %parallel_loop3A_499 = arith.select %parallel_loop3A_456, %parallel_loop3A_495, %parallel_loop3A_498 : vector<16xi1>, vector<16xf32>
        %parallel_loop3A_500 = arith.select %parallel_loop3A_452, %parallel_loop3A_491, %parallel_loop3A_499 : vector<16xi1>, vector<16xf32>
        %parallel_loop3A_501 = arith.constant 2.560000e+02 : f32
        %parallel_loop3A_502 = vector.broadcast %parallel_loop3A_501 : f32 to vector<16xf32>
        %parallel_loop3A_503 = arith.divf %parallel_loop3A_502, %parallel_loop3A_478 : vector<16xf32>
        %parallel_loop3A_504 = arith.mulf %parallel_loop3A_488, %parallel_loop3A_503 : vector<16xf32>
        %parallel_loop3A_505 = arith.constant 2.555000e+02 : f32
        %parallel_loop3A_506 = vector.broadcast %parallel_loop3A_505 : f32 to vector<16xf32>
        %parallel_loop3A_507 = arith.addf %parallel_loop3A_504, %parallel_loop3A_506 : vector<16xf32>
        %parallel_loop3A_508 = arith.mulf %parallel_loop3A_500, %parallel_loop3A_503 : vector<16xf32>
        %parallel_loop3A_509 = arith.constant 2.555000e+02 : f32
        %parallel_loop3A_510 = vector.broadcast %parallel_loop3A_509 : f32 to vector<16xf32>
        %parallel_loop3A_511 = arith.addf %parallel_loop3A_508, %parallel_loop3A_510 : vector<16xf32>
        %parallel_loop3A_512 = arith.fptosi %parallel_loop3A_507 : vector<16xf32> to vector<16xi32>
        %parallel_loop3A_513 = arith.constant 0 : i32
        %parallel_loop3A_514 = arith.constant 510 : i32
        %parallel_loop3A_515 = vector.broadcast %parallel_loop3A_513 : i32 to vector<16xi32>
        %parallel_loop3A_516 = arith.maxsi %parallel_loop3A_515, %parallel_loop3A_512 : vector<16xi32>
        %parallel_loop3A_517 = vector.broadcast %parallel_loop3A_514 : i32 to vector<16xi32>
        %parallel_loop3A_518 = arith.minsi %parallel_loop3A_517, %parallel_loop3A_516 : vector<16xi32>
        %parallel_loop3A_519 = arith.fptosi %parallel_loop3A_511 : vector<16xf32> to vector<16xi32>
        %parallel_loop3A_520 = arith.constant 0 : i32
        %parallel_loop3A_521 = arith.constant 510 : i32
        %parallel_loop3A_522 = vector.broadcast %parallel_loop3A_520 : i32 to vector<16xi32>
        %parallel_loop3A_523 = arith.maxsi %parallel_loop3A_522, %parallel_loop3A_519 : vector<16xi32>
        %parallel_loop3A_524 = vector.broadcast %parallel_loop3A_521 : i32 to vector<16xi32>
        %parallel_loop3A_525 = arith.minsi %parallel_loop3A_524, %parallel_loop3A_523 : vector<16xi32>
        %parallel_loop3A_526 = arith.constant 0.000000e+00 : f32
        %parallel_loop3A_527 = arith.constant 5.110000e+02 : f32
        %parallel_loop3A_528 = vector.broadcast %parallel_loop3A_526 : f32 to vector<16xf32>
        %parallel_loop3A_529 = arith.maximumf %parallel_loop3A_528, %parallel_loop3A_507 : vector<16xf32>
        %parallel_loop3A_530 = vector.broadcast %parallel_loop3A_527 : f32 to vector<16xf32>
        %parallel_loop3A_531 = arith.minimumf %parallel_loop3A_530, %parallel_loop3A_529 : vector<16xf32>
        %parallel_loop3A_532 = arith.sitofp %parallel_loop3A_518 : vector<16xi32> to vector<16xf32>
        %parallel_loop3A_533 = arith.subf %parallel_loop3A_531, %parallel_loop3A_532 : vector<16xf32>
        %parallel_loop3A_534 = arith.constant 0.000000e+00 : f32
        %parallel_loop3A_535 = arith.constant 5.110000e+02 : f32
        %parallel_loop3A_536 = vector.broadcast %parallel_loop3A_534 : f32 to vector<16xf32>
        %parallel_loop3A_537 = arith.maximumf %parallel_loop3A_536, %parallel_loop3A_511 : vector<16xf32>
        %parallel_loop3A_538 = vector.broadcast %parallel_loop3A_535 : f32 to vector<16xf32>
        %parallel_loop3A_539 = arith.minimumf %parallel_loop3A_538, %parallel_loop3A_537 : vector<16xf32>
        %parallel_loop3A_540 = arith.sitofp %parallel_loop3A_525 : vector<16xi32> to vector<16xf32>
        %parallel_loop3A_541 = arith.subf %parallel_loop3A_539, %parallel_loop3A_540 : vector<16xf32>
        %parallel_loop3A_542 = arith.constant 16 : i32
        %parallel_loop3A_543 = arith.muli %parallel_loop3A_418, %parallel_loop3A_542 : i32
        %parallel_loop3A_544 = arith.addi %mul3A_299, %parallel_loop3A_543 : i32
        %parallel_loop3A_545 = arith.constant 18 : i32
        %parallel_loop3A_546 = vector.broadcast %parallel_loop3A_545 : i32 to vector<16xi32>
        %parallel_loop3A_547 = arith.shli %parallel_loop3A_473, %parallel_loop3A_546 : vector<16xi32>
        %parallel_loop3A_548 = arith.constant 9 : i32
        %parallel_loop3A_549 = vector.broadcast %parallel_loop3A_548 : i32 to vector<16xi32>
        %parallel_loop3A_550 = arith.shli %parallel_loop3A_525, %parallel_loop3A_549 : vector<16xi32>
        %parallel_loop3A_551 = arith.ori %parallel_loop3A_547, %parallel_loop3A_550 : vector<16xi32>
        %parallel_loop3A_552 = arith.ori %parallel_loop3A_551, %parallel_loop3A_518 : vector<16xi32>
        %parallel_loop3A_553 = arith.index_cast %parallel_loop3A_544 : i32 to index
        %parallel_loop3A_554 = tpu.vector_load %arg9[%parallel_loop3A_553] {strides = array<i32>} : memref<2880xi32, #tpu.memory_space<vmem>>, vector<16xi32>,
        tpu.vector_store %arg9[%parallel_loop3A_553], %parallel_loop3A_552 {strides = array<i32>} : memref<2880xi32, #tpu.memory_space<vmem>>, vector<16xi32>,
        %parallel_loop3A_555 = arith.constant 512 : i32
        %parallel_loop3A_556 = vector.broadcast %parallel_loop3A_555 : i32 to vector<16xi32>
        %parallel_loop3A_557 = arith.addi %parallel_loop3A_552, %parallel_loop3A_556 : vector<16xi32>
        %parallel_loop3A_558 = arith.index_cast %parallel_loop3A_544 : i32 to index
        %parallel_loop3A_559 = tpu.vector_load %arg10[%parallel_loop3A_558] {strides = array<i32>} : memref<2880xi32, #tpu.memory_space<vmem>>, vector<16xi32>,
        tpu.vector_store %arg10[%parallel_loop3A_558], %parallel_loop3A_557 {strides = array<i32>} : memref<2880xi32, #tpu.memory_space<vmem>>, vector<16xi32>,
        %parallel_loop3A_560 = arith.index_cast %parallel_loop3A_544 : i32 to index
        %parallel_loop3A_561 = tpu.vector_load %arg11[%parallel_loop3A_560] {strides = array<i32>} : memref<2880xf32, #tpu.memory_space<vmem>>, vector<16xf32>,
        tpu.vector_store %arg11[%parallel_loop3A_560], %parallel_loop3A_533 {strides = array<i32>} : memref<2880xf32, #tpu.memory_space<vmem>>, vector<16xf32>,
        %parallel_loop3A_562 = arith.index_cast %parallel_loop3A_544 : i32 to index
        %parallel_loop3A_563 = tpu.vector_load %arg12[%parallel_loop3A_562] {strides = array<i32>} : memref<2880xf32, #tpu.memory_space<vmem>>, vector<16xf32>,
        tpu.vector_store %arg12[%parallel_loop3A_562], %parallel_loop3A_541 {strides = array<i32>} : memref<2880xf32, #tpu.memory_space<vmem>>, vector<16xf32>,
      } {sc.loop_unroll_factor = 2 : i64, sc.parallel_access}
      %sub3A = arith.constant 1440 : i32
      %sub3A_319 = arith.subi %sub3A, %mul3A_299 : i32
      %dma_wait3A_320 = arith.constant 0 : i32
      %dma_wait3A_321 = tpu.memref_slice %arg13[%sub3A_319, %dma_wait3A_320] : memref<2880x8xf32, #tpu.memory_space<vmem>> -> memref<1440x8xf32, #tpu.memory_space<vmem>>
      %dma_wait3A_322 = arith.constant 0 : i32
      %dma_wait3A_323 = arith.constant 0 : i32
      %dma_wait3A_324 = tpu.memref_slice %arg5[%dma_wait3A_322, %dma_wait3A_323] : memref<1572864x8xf32, #tpu.memory_space<hbm>> -> memref<1440x8xf32, #tpu.memory_space<hbm>>
      %dma_wait3A_325 = arith.constant 0 : i32
      %dma_wait3A_326 = tpu.memref_slice %arg13[%sub3A_319, %dma_wait3A_325] : memref<2880x8xf32, #tpu.memory_space<vmem>> -> memref<1440x8xf32, #tpu.memory_space<vmem>>
      %dma_wait3A_327 = arith.constant 0 : i32
      %dma_wait3A_328 = arith.constant 0 : i32
      %dma_wait3A_329 = tpu.memref_slice %arg5[%dma_wait3A_327, %dma_wait3A_328] : memref<1572864x8xf32, #tpu.memory_space<hbm>> -> memref<1440x8xf32, #tpu.memory_space<hbm>>
      tpu.wait_dma2 semaphore(%arg16 : memref<!tpu.dma_semaphore, #tpu.memory_space<semaphore_mem>>) src(%dma_wait3A_329 : memref<1440x8xf32, #tpu.memory_space<hbm>>) dst(%dma_wait3A_326 : memref<1440x8xf32, #tpu.memory_space<vmem>>)
      %dma_wait3A_330 = arith.constant 0 : i32
      %dma_wait3A_331 = tpu.memref_slice %arg14[%sub3A_319, %dma_wait3A_330] : memref<2880x8xf32, #tpu.memory_space<vmem>> -> memref<1440x8xf32, #tpu.memory_space<vmem>>
      %dma_wait3A_332 = arith.constant 0 : i32
      %dma_wait3A_333 = arith.constant 0 : i32
      %dma_wait3A_334 = tpu.memref_slice %arg5[%dma_wait3A_332, %dma_wait3A_333] : memref<1572864x8xf32, #tpu.memory_space<hbm>> -> memref<1440x8xf32, #tpu.memory_space<hbm>>
      %dma_wait3A_335 = arith.constant 0 : i32
      %dma_wait3A_336 = tpu.memref_slice %arg14[%sub3A_319, %dma_wait3A_335] : memref<2880x8xf32, #tpu.memory_space<vmem>> -> memref<1440x8xf32, #tpu.memory_space<vmem>>
      %dma_wait3A_337 = arith.constant 0 : i32
      %dma_wait3A_338 = arith.constant 0 : i32
      %dma_wait3A_339 = tpu.memref_slice %arg5[%dma_wait3A_337, %dma_wait3A_338] : memref<1572864x8xf32, #tpu.memory_space<hbm>> -> memref<1440x8xf32, #tpu.memory_space<hbm>>
      tpu.wait_dma2 semaphore(%arg16 : memref<!tpu.dma_semaphore, #tpu.memory_space<semaphore_mem>>) src(%dma_wait3A_339 : memref<1440x8xf32, #tpu.memory_space<hbm>>) dst(%dma_wait3A_336 : memref<1440x8xf32, #tpu.memory_space<vmem>>)
      %add3A_340 = arith.constant 0 : i32
      %add3A_341 = arith.addi %mul3A_299, %add3A_340 : i32
      %dma_start3A_342 = arith.constant 0 : i32
      %dma_start3A_343 = tpu.memref_slice %arg13[%add3A_341, %dma_start3A_342] : memref<2880x8xf32, #tpu.memory_space<vmem>> -> memref<720x8xf32, #tpu.memory_space<vmem>>
      %dma_start3A_344 = tpu.memref_slice %arg9[%add3A_341] : memref<2880xi32, #tpu.memory_space<vmem>> -> memref<720xi32, #tpu.memory_space<vmem>>
      %dma_start3A_345 = arith.constant 0 : i32
      %dma_start3A_346 = arith.constant 0 : i32
      %dma_start3A_347 = tpu.memref_slice %arg5[%dma_start3A_345, %dma_start3A_346] : memref<1572864x8xf32, #tpu.memory_space<hbm>> -> memref<1572864x8xf32, #tpu.memory_space<hbm>>
      tpu.enqueue_indirect_dma source(%dma_start3A_347 : memref<1572864x8xf32, #tpu.memory_space<hbm>>) target(%dma_start3A_343 : memref<720x8xf32, #tpu.memory_space<vmem>>) offsets(%dma_start3A_344 : memref<720xi32, #tpu.memory_space<vmem>>) semaphore(%arg16 : memref<!tpu.dma_semaphore, #tpu.memory_space<semaphore_mem>>)
      %dma_start3A_348 = arith.constant 0 : i32
      %dma_start3A_349 = tpu.memref_slice %arg14[%add3A_341, %dma_start3A_348] : memref<2880x8xf32, #tpu.memory_space<vmem>> -> memref<720x8xf32, #tpu.memory_space<vmem>>
      %dma_start3A_350 = tpu.memref_slice %arg10[%add3A_341] : memref<2880xi32, #tpu.memory_space<vmem>> -> memref<720xi32, #tpu.memory_space<vmem>>
      %dma_start3A_351 = arith.constant 0 : i32
      %dma_start3A_352 = arith.constant 0 : i32
      %dma_start3A_353 = tpu.memref_slice %arg5[%dma_start3A_351, %dma_start3A_352] : memref<1572864x8xf32, #tpu.memory_space<hbm>> -> memref<1572864x8xf32, #tpu.memory_space<hbm>>
      tpu.enqueue_indirect_dma source(%dma_start3A_353 : memref<1572864x8xf32, #tpu.memory_space<hbm>>) target(%dma_start3A_349 : memref<720x8xf32, #tpu.memory_space<vmem>>) offsets(%dma_start3A_350 : memref<720xi32, #tpu.memory_space<vmem>>) semaphore(%arg16 : memref<!tpu.dma_semaphore, #tpu.memory_space<semaphore_mem>>)
      %add3A_354 = arith.constant 720 : i32
      %add3A_355 = arith.addi %mul3A_299, %add3A_354 : i32
      %dma_start3A_356 = arith.constant 0 : i32
      %dma_start3A_357 = tpu.memref_slice %arg13[%add3A_355, %dma_start3A_356] : memref<2880x8xf32, #tpu.memory_space<vmem>> -> memref<720x8xf32, #tpu.memory_space<vmem>>
      %dma_start3A_358 = tpu.memref_slice %arg9[%add3A_355] : memref<2880xi32, #tpu.memory_space<vmem>> -> memref<720xi32, #tpu.memory_space<vmem>>
      %dma_start3A_359 = arith.constant 0 : i32
      %dma_start3A_360 = arith.constant 0 : i32
      %dma_start3A_361 = tpu.memref_slice %arg5[%dma_start3A_359, %dma_start3A_360] : memref<1572864x8xf32, #tpu.memory_space<hbm>> -> memref<1572864x8xf32, #tpu.memory_space<hbm>>
      tpu.enqueue_indirect_dma source(%dma_start3A_361 : memref<1572864x8xf32, #tpu.memory_space<hbm>>) target(%dma_start3A_357 : memref<720x8xf32, #tpu.memory_space<vmem>>) offsets(%dma_start3A_358 : memref<720xi32, #tpu.memory_space<vmem>>) semaphore(%arg16 : memref<!tpu.dma_semaphore, #tpu.memory_space<semaphore_mem>>)
      %dma_start3A_362 = arith.constant 0 : i32
      %dma_start3A_363 = tpu.memref_slice %arg14[%add3A_355, %dma_start3A_362] : memref<2880x8xf32, #tpu.memory_space<vmem>> -> memref<720x8xf32, #tpu.memory_space<vmem>>
      %dma_start3A_364 = tpu.memref_slice %arg10[%add3A_355] : memref<2880xi32, #tpu.memory_space<vmem>> -> memref<720xi32, #tpu.memory_space<vmem>>
      %dma_start3A_365 = arith.constant 0 : i32
      %dma_start3A_366 = arith.constant 0 : i32
      %dma_start3A_367 = tpu.memref_slice %arg5[%dma_start3A_365, %dma_start3A_366] : memref<1572864x8xf32, #tpu.memory_space<hbm>> -> memref<1572864x8xf32, #tpu.memory_space<hbm>>
      tpu.enqueue_indirect_dma source(%dma_start3A_367 : memref<1572864x8xf32, #tpu.memory_space<hbm>>) target(%dma_start3A_363 : memref<720x8xf32, #tpu.memory_space<vmem>>) offsets(%dma_start3A_364 : memref<720xi32, #tpu.memory_space<vmem>>) semaphore(%arg16 : memref<!tpu.dma_semaphore, #tpu.memory_space<semaphore_mem>>)
      %ge3A = arith.constant 3 : i32
      %ge3A_368 = arith.cmpi sge, %scan3A_295, %ge3A : i32
      %convert_element_type3A_369 = arith.extui %ge3A_368 : i1 to i32
      %cond3A_370 = arith.constant 0 : i32
      %cond3A_371 = arith.cmpi ne, %convert_element_type3A_369, %cond3A_370 : i32
      scf.if %cond3A_371 {
        %dma_wait3A_418 = arith.constant 0 : i32
        %dma_wait3A_419 = tpu.memref_slice %arg15[%dma_wait3A_418] : memref<8640xf32, #tpu.memory_space<vmem>> -> memref<4320xf32, #tpu.memory_space<vmem>>
        %dma_wait3A_420 = arith.constant 0 : i32
        %dma_wait3A_421 = tpu.memref_slice %arg3[%dma_wait3A_420] : memref<6220800xf32, #tpu.memory_space<hbm>> -> memref<4320xf32, #tpu.memory_space<hbm>>
        %dma_wait3A_422 = arith.constant 0 : i32
        %dma_wait3A_423 = tpu.memref_slice %arg15[%dma_wait3A_422] : memref<8640xf32, #tpu.memory_space<vmem>> -> memref<4320xf32, #tpu.memory_space<vmem>>
        %dma_wait3A_424 = arith.constant 0 : i32
        %dma_wait3A_425 = tpu.memref_slice %arg3[%dma_wait3A_424] : memref<6220800xf32, #tpu.memory_space<hbm>> -> memref<4320xf32, #tpu.memory_space<hbm>>
        tpu.wait_dma2 semaphore(%arg20 : memref<!tpu.dma_semaphore, #tpu.memory_space<semaphore_mem>>) src(%dma_wait3A_425 : memref<4320xf32, #tpu.memory_space<hbm>>) dst(%dma_wait3A_423 : memref<4320xf32, #tpu.memory_space<vmem>>)
      } else {
      }
      %sub3A_372 = arith.constant 1 : i32
      %sub3A_373 = arith.subi %scan3A_295, %sub3A_372 : i32
      %sub3A_374 = arith.constant 1440 : i32
      %sub3A_375 = arith.subi %sub3A_374, %mul3A_299 : i32
      %and3A_376 = arith.constant 1 : i32
      %and3A_377 = arith.andi %sub3A_373, %and3A_376 : i32
      %mul3A_378 = arith.constant 4320 : i32
      %mul3A_379 = arith.muli %and3A_377, %mul3A_378 : i32
      %parallel_loop3A_380 = arith.constant 0 : i32
      %parallel_loop3A_381 = arith.constant 90 : i32
      %parallel_loop3A_382 = arith.constant 1 : i32
      scf.for %parallel_loop3A_418 = %parallel_loop3A_380 to %parallel_loop3A_381 step %parallel_loop3A_382  : i32 {
        %parallel_loop3A_419 = arith.constant 16 : i32
        %parallel_loop3A_420 = arith.muli %parallel_loop3A_418, %parallel_loop3A_419 : i32
        %parallel_loop3A_421 = arith.addi %sub3A_375, %parallel_loop3A_420 : i32
        %parallel_loop3A_422 = arith.constant 16 : i32
        %parallel_loop3A_423 = arith.muli %parallel_loop3A_418, %parallel_loop3A_422 : i32
        %parallel_loop3A_424 = arith.addi %sub3A_375, %parallel_loop3A_423 : i32
        %parallel_loop3A_425 = vector.broadcast %parallel_loop3A_424 : i32 to vector<16xi32>
        %parallel_loop3A_426 = arith.addi %iota3A, %parallel_loop3A_425 : vector<16xi32>
        %parallel_loop3A_427 = arith.index_cast %parallel_loop3A_421 : i32 to index
        %parallel_loop3A_428 = tpu.vector_load %arg11[%parallel_loop3A_427] {strides = array<i32>} : memref<2880xf32, #tpu.memory_space<vmem>>, vector<16xf32>,
        %parallel_loop3A_429 = arith.index_cast %parallel_loop3A_421 : i32 to index
        %parallel_loop3A_430 = tpu.vector_load %arg12[%parallel_loop3A_429] {strides = array<i32>} : memref<2880xf32, #tpu.memory_space<vmem>>, vector<16xf32>,
        %parallel_loop3A_431 = arith.constant 0 : i32
        %parallel_loop3A_432 = vector.broadcast %parallel_loop3A_431 : i32 to vector<16xi32>
        %parallel_loop3A_433 = arith.addi %mul3A_3, %parallel_loop3A_432 : vector<16xi32>
        %parallel_loop3A_434 = tpu.vector_load_idx %arg13[%parallel_loop3A_426, %parallel_loop3A_433] : memref<2880x8xf32, #tpu.memory_space<vmem>>[vector<16xi32>, vector<16xi32>], vector<16xf32>,
        %parallel_loop3A_435 = arith.constant 4 : i32
        %parallel_loop3A_436 = vector.broadcast %parallel_loop3A_435 : i32 to vector<16xi32>
        %parallel_loop3A_437 = arith.addi %mul3A_3, %parallel_loop3A_436 : vector<16xi32>
        %parallel_loop3A_438 = tpu.vector_load_idx %arg13[%parallel_loop3A_426, %parallel_loop3A_437] : memref<2880x8xf32, #tpu.memory_space<vmem>>[vector<16xi32>, vector<16xi32>], vector<16xf32>,
        %parallel_loop3A_439 = arith.constant 0 : i32
        %parallel_loop3A_440 = vector.broadcast %parallel_loop3A_439 : i32 to vector<16xi32>
        %parallel_loop3A_441 = arith.addi %mul3A_3, %parallel_loop3A_440 : vector<16xi32>
        %parallel_loop3A_442 = tpu.vector_load_idx %arg14[%parallel_loop3A_426, %parallel_loop3A_441] : memref<2880x8xf32, #tpu.memory_space<vmem>>[vector<16xi32>, vector<16xi32>], vector<16xf32>,
        %parallel_loop3A_443 = arith.constant 4 : i32
        %parallel_loop3A_444 = vector.broadcast %parallel_loop3A_443 : i32 to vector<16xi32>
        %parallel_loop3A_445 = arith.addi %mul3A_3, %parallel_loop3A_444 : vector<16xi32>
        %parallel_loop3A_446 = tpu.vector_load_idx %arg14[%parallel_loop3A_426, %parallel_loop3A_445] : memref<2880x8xf32, #tpu.memory_space<vmem>>[vector<16xi32>, vector<16xi32>], vector<16xf32>,
        %parallel_loop3A_447 = arith.subf %parallel_loop3A_438, %parallel_loop3A_434 : vector<16xf32>
        %parallel_loop3A_448 = arith.mulf %parallel_loop3A_428, %parallel_loop3A_447 : vector<16xf32>
        %parallel_loop3A_449 = arith.addf %parallel_loop3A_434, %parallel_loop3A_448 : vector<16xf32>
        %parallel_loop3A_450 = arith.subf %parallel_loop3A_446, %parallel_loop3A_442 : vector<16xf32>
        %parallel_loop3A_451 = arith.mulf %parallel_loop3A_428, %parallel_loop3A_450 : vector<16xf32>
        %parallel_loop3A_452 = arith.addf %parallel_loop3A_442, %parallel_loop3A_451 : vector<16xf32>
        %parallel_loop3A_453 = arith.subf %parallel_loop3A_452, %parallel_loop3A_449 : vector<16xf32>
        %parallel_loop3A_454 = arith.mulf %parallel_loop3A_430, %parallel_loop3A_453 : vector<16xf32>
        %parallel_loop3A_455 = arith.addf %parallel_loop3A_449, %parallel_loop3A_454 : vector<16xf32>
        %parallel_loop3A_456 = arith.constant 0.000000e+00 : f32
        %parallel_loop3A_457 = arith.constant 1.000000e+00 : f32
        %parallel_loop3A_458 = vector.broadcast %parallel_loop3A_456 : f32 to vector<16xf32>
        %parallel_loop3A_459 = arith.maximumf %parallel_loop3A_458, %parallel_loop3A_455 : vector<16xf32>
        %parallel_loop3A_460 = vector.broadcast %parallel_loop3A_457 : f32 to vector<16xf32>
        %parallel_loop3A_461 = arith.minimumf %parallel_loop3A_460, %parallel_loop3A_459 : vector<16xf32>
        %parallel_loop3A_462 = arith.constant 0 : i32
        %parallel_loop3A_463 = arith.addi %mul3A_379, %parallel_loop3A_462 : i32
        %parallel_loop3A_464 = arith.constant 16 : i32
        %parallel_loop3A_465 = arith.muli %parallel_loop3A_418, %parallel_loop3A_464 : i32
        %parallel_loop3A_466 = arith.addi %parallel_loop3A_463, %parallel_loop3A_465 : i32
        %parallel_loop3A_467 = arith.index_cast %parallel_loop3A_466 : i32 to index
        %parallel_loop3A_468 = tpu.vector_load %arg15[%parallel_loop3A_467] {strides = array<i32>} : memref<8640xf32, #tpu.memory_space<vmem>>, vector<16xf32>,
        tpu.vector_store %arg15[%parallel_loop3A_467], %parallel_loop3A_461 {strides = array<i32>} : memref<8640xf32, #tpu.memory_space<vmem>>, vector<16xf32>,
        %parallel_loop3A_469 = arith.constant 1 : i32
        %parallel_loop3A_470 = vector.broadcast %parallel_loop3A_469 : i32 to vector<16xi32>
        %parallel_loop3A_471 = arith.addi %mul3A_3, %parallel_loop3A_470 : vector<16xi32>
        %parallel_loop3A_472 = tpu.vector_load_idx %arg13[%parallel_loop3A_426, %parallel_loop3A_471] : memref<2880x8xf32, #tpu.memory_space<vmem>>[vector<16xi32>, vector<16xi32>], vector<16xf32>,
        %parallel_loop3A_473 = arith.constant 5 : i32
        %parallel_loop3A_474 = vector.broadcast %parallel_loop3A_473 : i32 to vector<16xi32>
        %parallel_loop3A_475 = arith.addi %mul3A_3, %parallel_loop3A_474 : vector<16xi32>
        %parallel_loop3A_476 = tpu.vector_load_idx %arg13[%parallel_loop3A_426, %parallel_loop3A_475] : memref<2880x8xf32, #tpu.memory_space<vmem>>[vector<16xi32>, vector<16xi32>], vector<16xf32>,
        %parallel_loop3A_477 = arith.constant 1 : i32
        %parallel_loop3A_478 = vector.broadcast %parallel_loop3A_477 : i32 to vector<16xi32>
        %parallel_loop3A_479 = arith.addi %mul3A_3, %parallel_loop3A_478 : vector<16xi32>
        %parallel_loop3A_480 = tpu.vector_load_idx %arg14[%parallel_loop3A_426, %parallel_loop3A_479] : memref<2880x8xf32, #tpu.memory_space<vmem>>[vector<16xi32>, vector<16xi32>], vector<16xf32>,
        %parallel_loop3A_481 = arith.constant 5 : i32
        %parallel_loop3A_482 = vector.broadcast %parallel_loop3A_481 : i32 to vector<16xi32>
        %parallel_loop3A_483 = arith.addi %mul3A_3, %parallel_loop3A_482 : vector<16xi32>
        %parallel_loop3A_484 = tpu.vector_load_idx %arg14[%parallel_loop3A_426, %parallel_loop3A_483] : memref<2880x8xf32, #tpu.memory_space<vmem>>[vector<16xi32>, vector<16xi32>], vector<16xf32>,
        %parallel_loop3A_485 = arith.subf %parallel_loop3A_476, %parallel_loop3A_472 : vector<16xf32>
        %parallel_loop3A_486 = arith.mulf %parallel_loop3A_428, %parallel_loop3A_485 : vector<16xf32>
        %parallel_loop3A_487 = arith.addf %parallel_loop3A_472, %parallel_loop3A_486 : vector<16xf32>
        %parallel_loop3A_488 = arith.subf %parallel_loop3A_484, %parallel_loop3A_480 : vector<16xf32>
        %parallel_loop3A_489 = arith.mulf %parallel_loop3A_428, %parallel_loop3A_488 : vector<16xf32>
        %parallel_loop3A_490 = arith.addf %parallel_loop3A_480, %parallel_loop3A_489 : vector<16xf32>
        %parallel_loop3A_491 = arith.subf %parallel_loop3A_490, %parallel_loop3A_487 : vector<16xf32>
        %parallel_loop3A_492 = arith.mulf %parallel_loop3A_430, %parallel_loop3A_491 : vector<16xf32>
        %parallel_loop3A_493 = arith.addf %parallel_loop3A_487, %parallel_loop3A_492 : vector<16xf32>
        %parallel_loop3A_494 = arith.constant 0.000000e+00 : f32
        %parallel_loop3A_495 = arith.constant 1.000000e+00 : f32
        %parallel_loop3A_496 = vector.broadcast %parallel_loop3A_494 : f32 to vector<16xf32>
        %parallel_loop3A_497 = arith.maximumf %parallel_loop3A_496, %parallel_loop3A_493 : vector<16xf32>
        %parallel_loop3A_498 = vector.broadcast %parallel_loop3A_495 : f32 to vector<16xf32>
        %parallel_loop3A_499 = arith.minimumf %parallel_loop3A_498, %parallel_loop3A_497 : vector<16xf32>
        %parallel_loop3A_500 = arith.constant 1440 : i32
        %parallel_loop3A_501 = arith.addi %mul3A_379, %parallel_loop3A_500 : i32
        %parallel_loop3A_502 = arith.constant 16 : i32
        %parallel_loop3A_503 = arith.muli %parallel_loop3A_418, %parallel_loop3A_502 : i32
        %parallel_loop3A_504 = arith.addi %parallel_loop3A_501, %parallel_loop3A_503 : i32
        %parallel_loop3A_505 = arith.index_cast %parallel_loop3A_504 : i32 to index
        %parallel_loop3A_506 = tpu.vector_load %arg15[%parallel_loop3A_505] {strides = array<i32>} : memref<8640xf32, #tpu.memory_space<vmem>>, vector<16xf32>,
        tpu.vector_store %arg15[%parallel_loop3A_505], %parallel_loop3A_499 {strides = array<i32>} : memref<8640xf32, #tpu.memory_space<vmem>>, vector<16xf32>,
        %parallel_loop3A_507 = arith.constant 2 : i32
        %parallel_loop3A_508 = vector.broadcast %parallel_loop3A_507 : i32 to vector<16xi32>
        %parallel_loop3A_509 = arith.addi %mul3A_3, %parallel_loop3A_508 : vector<16xi32>
        %parallel_loop3A_510 = tpu.vector_load_idx %arg13[%parallel_loop3A_426, %parallel_loop3A_509] : memref<2880x8xf32, #tpu.memory_space<vmem>>[vector<16xi32>, vector<16xi32>], vector<16xf32>,
        %parallel_loop3A_511 = arith.constant 6 : i32
        %parallel_loop3A_512 = vector.broadcast %parallel_loop3A_511 : i32 to vector<16xi32>
        %parallel_loop3A_513 = arith.addi %mul3A_3, %parallel_loop3A_512 : vector<16xi32>
        %parallel_loop3A_514 = tpu.vector_load_idx %arg13[%parallel_loop3A_426, %parallel_loop3A_513] : memref<2880x8xf32, #tpu.memory_space<vmem>>[vector<16xi32>, vector<16xi32>], vector<16xf32>,
        %parallel_loop3A_515 = arith.constant 2 : i32
        %parallel_loop3A_516 = vector.broadcast %parallel_loop3A_515 : i32 to vector<16xi32>
        %parallel_loop3A_517 = arith.addi %mul3A_3, %parallel_loop3A_516 : vector<16xi32>
        %parallel_loop3A_518 = tpu.vector_load_idx %arg14[%parallel_loop3A_426, %parallel_loop3A_517] : memref<2880x8xf32, #tpu.memory_space<vmem>>[vector<16xi32>, vector<16xi32>], vector<16xf32>,
        %parallel_loop3A_519 = arith.constant 6 : i32
        %parallel_loop3A_520 = vector.broadcast %parallel_loop3A_519 : i32 to vector<16xi32>
        %parallel_loop3A_521 = arith.addi %mul3A_3, %parallel_loop3A_520 : vector<16xi32>
        %parallel_loop3A_522 = tpu.vector_load_idx %arg14[%parallel_loop3A_426, %parallel_loop3A_521] : memref<2880x8xf32, #tpu.memory_space<vmem>>[vector<16xi32>, vector<16xi32>], vector<16xf32>,
        %parallel_loop3A_523 = arith.subf %parallel_loop3A_514, %parallel_loop3A_510 : vector<16xf32>
        %parallel_loop3A_524 = arith.mulf %parallel_loop3A_428, %parallel_loop3A_523 : vector<16xf32>
        %parallel_loop3A_525 = arith.addf %parallel_loop3A_510, %parallel_loop3A_524 : vector<16xf32>
        %parallel_loop3A_526 = arith.subf %parallel_loop3A_522, %parallel_loop3A_518 : vector<16xf32>
        %parallel_loop3A_527 = arith.mulf %parallel_loop3A_428, %parallel_loop3A_526 : vector<16xf32>
        %parallel_loop3A_528 = arith.addf %parallel_loop3A_518, %parallel_loop3A_527 : vector<16xf32>
        %parallel_loop3A_529 = arith.subf %parallel_loop3A_528, %parallel_loop3A_525 : vector<16xf32>
        %parallel_loop3A_530 = arith.mulf %parallel_loop3A_430, %parallel_loop3A_529 : vector<16xf32>
        %parallel_loop3A_531 = arith.addf %parallel_loop3A_525, %parallel_loop3A_530 : vector<16xf32>
        %parallel_loop3A_532 = arith.constant 0.000000e+00 : f32
        %parallel_loop3A_533 = arith.constant 1.000000e+00 : f32
        %parallel_loop3A_534 = vector.broadcast %parallel_loop3A_532 : f32 to vector<16xf32>
        %parallel_loop3A_535 = arith.maximumf %parallel_loop3A_534, %parallel_loop3A_531 : vector<16xf32>
        %parallel_loop3A_536 = vector.broadcast %parallel_loop3A_533 : f32 to vector<16xf32>
        %parallel_loop3A_537 = arith.minimumf %parallel_loop3A_536, %parallel_loop3A_535 : vector<16xf32>
        %parallel_loop3A_538 = arith.constant 2880 : i32
        %parallel_loop3A_539 = arith.addi %mul3A_379, %parallel_loop3A_538 : i32
        %parallel_loop3A_540 = arith.constant 16 : i32
        %parallel_loop3A_541 = arith.muli %parallel_loop3A_418, %parallel_loop3A_540 : i32
        %parallel_loop3A_542 = arith.addi %parallel_loop3A_539, %parallel_loop3A_541 : i32
        %parallel_loop3A_543 = arith.index_cast %parallel_loop3A_542 : i32 to index
        %parallel_loop3A_544 = tpu.vector_load %arg15[%parallel_loop3A_543] {strides = array<i32>} : memref<8640xf32, #tpu.memory_space<vmem>>, vector<16xf32>,
        tpu.vector_store %arg15[%parallel_loop3A_543], %parallel_loop3A_537 {strides = array<i32>} : memref<8640xf32, #tpu.memory_space<vmem>>, vector<16xf32>,
      } {sc.loop_unroll_factor = 2 : i64, sc.parallel_access}
      %sub3A_383 = arith.constant 1 : i32
      %sub3A_384 = arith.subi %scan3A_295, %sub3A_383 : i32
      %mul3A_385 = arith.constant 64800 : i32
      %mul3A_386 = arith.muli %add3A, %mul3A_385 : i32
      %mul3A_387 = arith.constant 1440 : i32
      %mul3A_388 = arith.muli %sub3A_384, %mul3A_387 : i32
      %add3A_389 = arith.addi %mul3A_386, %mul3A_388 : i32
      %and3A_390 = arith.constant 1 : i32
      %and3A_391 = arith.andi %sub3A_384, %and3A_390 : i32
      %mul3A_392 = arith.constant 4320 : i32
      %mul3A_393 = arith.muli %and3A_391, %mul3A_392 : i32
      %add3A_394 = arith.constant 0 : i32
      %add3A_395 = arith.addi %mul3A_393, %add3A_394 : i32
      %add3A_396 = arith.constant 0 : i32
      %add3A_397 = arith.addi %add3A_396, %add3A_389 : i32
      %dma_start3A_398 = tpu.memref_slice %arg15[%add3A_395] : memref<8640xf32, #tpu.memory_space<vmem>> -> memref<1440xf32, #tpu.memory_space<vmem>>
      %dma_start3A_399 = tpu.memref_slice %arg4[%add3A_397] : memref<6220800xf32, #tpu.memory_space<hbm>> -> memref<1440xf32, #tpu.memory_space<hbm>>
      %dma_start3A_400 = tpu.memref_slice %arg4[%add3A_397] : memref<6220800xf32, #tpu.memory_space<hbm>> -> memref<1440xf32, #tpu.memory_space<hbm>>
      %dma_start3A_401 = tpu.memref_slice %arg15[%add3A_395] : memref<8640xf32, #tpu.memory_space<vmem>> -> memref<1440xf32, #tpu.memory_space<vmem>>
      tpu.enqueue_dma source(%dma_start3A_401 : memref<1440xf32, #tpu.memory_space<vmem>>) target(%dma_start3A_400 : memref<1440xf32, #tpu.memory_space<hbm>>) target_semaphore(%arg20 : memref<!tpu.dma_semaphore, #tpu.memory_space<semaphore_mem>>)
      %add3A_402 = arith.constant 1440 : i32
      %add3A_403 = arith.addi %mul3A_393, %add3A_402 : i32
      %add3A_404 = arith.constant 2073600 : i32
      %add3A_405 = arith.addi %add3A_404, %add3A_389 : i32
      %dma_start3A_406 = tpu.memref_slice %arg15[%add3A_403] : memref<8640xf32, #tpu.memory_space<vmem>> -> memref<1440xf32, #tpu.memory_space<vmem>>
      %dma_start3A_407 = tpu.memref_slice %arg4[%add3A_405] : memref<6220800xf32, #tpu.memory_space<hbm>> -> memref<1440xf32, #tpu.memory_space<hbm>>
      %dma_start3A_408 = tpu.memref_slice %arg4[%add3A_405] : memref<6220800xf32, #tpu.memory_space<hbm>> -> memref<1440xf32, #tpu.memory_space<hbm>>
      %dma_start3A_409 = tpu.memref_slice %arg15[%add3A_403] : memref<8640xf32, #tpu.memory_space<vmem>> -> memref<1440xf32, #tpu.memory_space<vmem>>
      tpu.enqueue_dma source(%dma_start3A_409 : memref<1440xf32, #tpu.memory_space<vmem>>) target(%dma_start3A_408 : memref<1440xf32, #tpu.memory_space<hbm>>) target_semaphore(%arg20 : memref<!tpu.dma_semaphore, #tpu.memory_space<semaphore_mem>>)
      %add3A_410 = arith.constant 2880 : i32
      %add3A_411 = arith.addi %mul3A_393, %add3A_410 : i32
      %add3A_412 = arith.constant 4147200 : i32
      %add3A_413 = arith.addi %add3A_412, %add3A_389 : i32
      %dma_start3A_414 = tpu.memref_slice %arg15[%add3A_411] : memref<8640xf32, #tpu.memory_space<vmem>> -> memref<1440xf32, #tpu.memory_space<vmem>>
      %dma_start3A_415 = tpu.memref_slice %arg4[%add3A_413] : memref<6220800xf32, #tpu.memory_space<hbm>> -> memref<1440xf32, #tpu.memory_space<hbm>>
      %dma_start3A_416 = tpu.memref_slice %arg4[%add3A_413] : memref<6220800xf32, #tpu.memory_space<hbm>> -> memref<1440xf32, #tpu.memory_space<hbm>>
      %dma_start3A_417 = tpu.memref_slice %arg15[%add3A_411] : memref<8640xf32, #tpu.memory_space<vmem>> -> memref<1440xf32, #tpu.memory_space<vmem>>
      tpu.enqueue_dma source(%dma_start3A_417 : memref<1440xf32, #tpu.memory_space<vmem>>) target(%dma_start3A_416 : memref<1440xf32, #tpu.memory_space<hbm>>) target_semaphore(%arg20 : memref<!tpu.dma_semaphore, #tpu.memory_space<semaphore_mem>>)
    }
    %scan3A_215 = arith.constant 44 : i32
    %dma_wait3A_216 = arith.constant 0 : i32
    %dma_wait3A_217 = arith.constant 0 : i32
    %dma_wait3A_218 = tpu.memref_slice %arg13[%dma_wait3A_216, %dma_wait3A_217] : memref<2880x8xf32, #tpu.memory_space<vmem>> -> memref<1440x8xf32, #tpu.memory_space<vmem>>
    %dma_wait3A_219 = arith.constant 0 : i32
    %dma_wait3A_220 = arith.constant 0 : i32
    %dma_wait3A_221 = tpu.memref_slice %arg5[%dma_wait3A_219, %dma_wait3A_220] : memref<1572864x8xf32, #tpu.memory_space<hbm>> -> memref<1440x8xf32, #tpu.memory_space<hbm>>
    %dma_wait3A_222 = arith.constant 0 : i32
    %dma_wait3A_223 = arith.constant 0 : i32
    %dma_wait3A_224 = tpu.memref_slice %arg13[%dma_wait3A_222, %dma_wait3A_223] : memref<2880x8xf32, #tpu.memory_space<vmem>> -> memref<1440x8xf32, #tpu.memory_space<vmem>>
    %dma_wait3A_225 = arith.constant 0 : i32
    %dma_wait3A_226 = arith.constant 0 : i32
    %dma_wait3A_227 = tpu.memref_slice %arg5[%dma_wait3A_225, %dma_wait3A_226] : memref<1572864x8xf32, #tpu.memory_space<hbm>> -> memref<1440x8xf32, #tpu.memory_space<hbm>>
    tpu.wait_dma2 semaphore(%arg16 : memref<!tpu.dma_semaphore, #tpu.memory_space<semaphore_mem>>) src(%dma_wait3A_227 : memref<1440x8xf32, #tpu.memory_space<hbm>>) dst(%dma_wait3A_224 : memref<1440x8xf32, #tpu.memory_space<vmem>>)
    %dma_wait3A_228 = arith.constant 0 : i32
    %dma_wait3A_229 = arith.constant 0 : i32
    %dma_wait3A_230 = tpu.memref_slice %arg14[%dma_wait3A_228, %dma_wait3A_229] : memref<2880x8xf32, #tpu.memory_space<vmem>> -> memref<1440x8xf32, #tpu.memory_space<vmem>>
    %dma_wait3A_231 = arith.constant 0 : i32
    %dma_wait3A_232 = arith.constant 0 : i32
    %dma_wait3A_233 = tpu.memref_slice %arg5[%dma_wait3A_231, %dma_wait3A_232] : memref<1572864x8xf32, #tpu.memory_space<hbm>> -> memref<1440x8xf32, #tpu.memory_space<hbm>>
    %dma_wait3A_234 = arith.constant 0 : i32
    %dma_wait3A_235 = arith.constant 0 : i32
    %dma_wait3A_236 = tpu.memref_slice %arg14[%dma_wait3A_234, %dma_wait3A_235] : memref<2880x8xf32, #tpu.memory_space<vmem>> -> memref<1440x8xf32, #tpu.memory_space<vmem>>
    %dma_wait3A_237 = arith.constant 0 : i32
    %dma_wait3A_238 = arith.constant 0 : i32
    %dma_wait3A_239 = tpu.memref_slice %arg5[%dma_wait3A_237, %dma_wait3A_238] : memref<1572864x8xf32, #tpu.memory_space<hbm>> -> memref<1440x8xf32, #tpu.memory_space<hbm>>
    tpu.wait_dma2 semaphore(%arg16 : memref<!tpu.dma_semaphore, #tpu.memory_space<semaphore_mem>>) src(%dma_wait3A_239 : memref<1440x8xf32, #tpu.memory_space<hbm>>) dst(%dma_wait3A_236 : memref<1440x8xf32, #tpu.memory_space<vmem>>)
    %dma_wait3A_240 = arith.constant 0 : i32
    %dma_wait3A_241 = tpu.memref_slice %arg15[%dma_wait3A_240] : memref<8640xf32, #tpu.memory_space<vmem>> -> memref<4320xf32, #tpu.memory_space<vmem>>
    %dma_wait3A_242 = arith.constant 0 : i32
    %dma_wait3A_243 = tpu.memref_slice %arg3[%dma_wait3A_242] : memref<6220800xf32, #tpu.memory_space<hbm>> -> memref<4320xf32, #tpu.memory_space<hbm>>
    %dma_wait3A_244 = arith.constant 0 : i32
    %dma_wait3A_245 = tpu.memref_slice %arg15[%dma_wait3A_244] : memref<8640xf32, #tpu.memory_space<vmem>> -> memref<4320xf32, #tpu.memory_space<vmem>>
    %dma_wait3A_246 = arith.constant 0 : i32
    %dma_wait3A_247 = tpu.memref_slice %arg3[%dma_wait3A_246] : memref<6220800xf32, #tpu.memory_space<hbm>> -> memref<4320xf32, #tpu.memory_space<hbm>>
    tpu.wait_dma2 semaphore(%arg20 : memref<!tpu.dma_semaphore, #tpu.memory_space<semaphore_mem>>) src(%dma_wait3A_247 : memref<4320xf32, #tpu.memory_space<hbm>>) dst(%dma_wait3A_245 : memref<4320xf32, #tpu.memory_space<vmem>>)
    %parallel_loop3A_248 = arith.constant 0 : i32
    %parallel_loop3A_249 = arith.constant 90 : i32
    %parallel_loop3A_250 = arith.constant 1 : i32
    scf.for %parallel_loop3A_295 = %parallel_loop3A_248 to %parallel_loop3A_249 step %parallel_loop3A_250  : i32 {
      %parallel_loop3A_296 = arith.constant 16 : i32
      %parallel_loop3A_297 = arith.muli %parallel_loop3A_295, %parallel_loop3A_296 : i32
      %parallel_loop3A_298 = arith.constant 0 : i32
      %parallel_loop3A_299 = arith.addi %parallel_loop3A_298, %parallel_loop3A_297 : i32
      %parallel_loop3A_300 = arith.constant 16 : i32
      %parallel_loop3A_301 = arith.muli %parallel_loop3A_295, %parallel_loop3A_300 : i32
      %parallel_loop3A_302 = arith.constant 0 : i32
      %parallel_loop3A_303 = arith.addi %parallel_loop3A_302, %parallel_loop3A_301 : i32
      %parallel_loop3A_304 = vector.broadcast %parallel_loop3A_303 : i32 to vector<16xi32>
      %parallel_loop3A_305 = arith.addi %iota3A, %parallel_loop3A_304 : vector<16xi32>
      %parallel_loop3A_306 = arith.index_cast %parallel_loop3A_299 : i32 to index
      %parallel_loop3A_307 = tpu.vector_load %arg11[%parallel_loop3A_306] {strides = array<i32>} : memref<2880xf32, #tpu.memory_space<vmem>>, vector<16xf32>,
      %parallel_loop3A_308 = arith.index_cast %parallel_loop3A_299 : i32 to index
      %parallel_loop3A_309 = tpu.vector_load %arg12[%parallel_loop3A_308] {strides = array<i32>} : memref<2880xf32, #tpu.memory_space<vmem>>, vector<16xf32>,
      %parallel_loop3A_310 = arith.constant 0 : i32
      %parallel_loop3A_311 = vector.broadcast %parallel_loop3A_310 : i32 to vector<16xi32>
      %parallel_loop3A_312 = arith.addi %mul3A_3, %parallel_loop3A_311 : vector<16xi32>
      %parallel_loop3A_313 = tpu.vector_load_idx %arg13[%parallel_loop3A_305, %parallel_loop3A_312] : memref<2880x8xf32, #tpu.memory_space<vmem>>[vector<16xi32>, vector<16xi32>], vector<16xf32>,
      %parallel_loop3A_314 = arith.constant 4 : i32
      %parallel_loop3A_315 = vector.broadcast %parallel_loop3A_314 : i32 to vector<16xi32>
      %parallel_loop3A_316 = arith.addi %mul3A_3, %parallel_loop3A_315 : vector<16xi32>
      %parallel_loop3A_317 = tpu.vector_load_idx %arg13[%parallel_loop3A_305, %parallel_loop3A_316] : memref<2880x8xf32, #tpu.memory_space<vmem>>[vector<16xi32>, vector<16xi32>], vector<16xf32>,
      %parallel_loop3A_318 = arith.constant 0 : i32
      %parallel_loop3A_319 = vector.broadcast %parallel_loop3A_318 : i32 to vector<16xi32>
      %parallel_loop3A_320 = arith.addi %mul3A_3, %parallel_loop3A_319 : vector<16xi32>
      %parallel_loop3A_321 = tpu.vector_load_idx %arg14[%parallel_loop3A_305, %parallel_loop3A_320] : memref<2880x8xf32, #tpu.memory_space<vmem>>[vector<16xi32>, vector<16xi32>], vector<16xf32>,
      %parallel_loop3A_322 = arith.constant 4 : i32
      %parallel_loop3A_323 = vector.broadcast %parallel_loop3A_322 : i32 to vector<16xi32>
      %parallel_loop3A_324 = arith.addi %mul3A_3, %parallel_loop3A_323 : vector<16xi32>
      %parallel_loop3A_325 = tpu.vector_load_idx %arg14[%parallel_loop3A_305, %parallel_loop3A_324] : memref<2880x8xf32, #tpu.memory_space<vmem>>[vector<16xi32>, vector<16xi32>], vector<16xf32>,
      %parallel_loop3A_326 = arith.subf %parallel_loop3A_317, %parallel_loop3A_313 : vector<16xf32>
      %parallel_loop3A_327 = arith.mulf %parallel_loop3A_307, %parallel_loop3A_326 : vector<16xf32>
      %parallel_loop3A_328 = arith.addf %parallel_loop3A_313, %parallel_loop3A_327 : vector<16xf32>
      %parallel_loop3A_329 = arith.subf %parallel_loop3A_325, %parallel_loop3A_321 : vector<16xf32>
      %parallel_loop3A_330 = arith.mulf %parallel_loop3A_307, %parallel_loop3A_329 : vector<16xf32>
      %parallel_loop3A_331 = arith.addf %parallel_loop3A_321, %parallel_loop3A_330 : vector<16xf32>
      %parallel_loop3A_332 = arith.subf %parallel_loop3A_331, %parallel_loop3A_328 : vector<16xf32>
      %parallel_loop3A_333 = arith.mulf %parallel_loop3A_309, %parallel_loop3A_332 : vector<16xf32>
      %parallel_loop3A_334 = arith.addf %parallel_loop3A_328, %parallel_loop3A_333 : vector<16xf32>
      %parallel_loop3A_335 = arith.constant 0.000000e+00 : f32
      %parallel_loop3A_336 = arith.constant 1.000000e+00 : f32
      %parallel_loop3A_337 = vector.broadcast %parallel_loop3A_335 : f32 to vector<16xf32>
      %parallel_loop3A_338 = arith.maximumf %parallel_loop3A_337, %parallel_loop3A_334 : vector<16xf32>
      %parallel_loop3A_339 = vector.broadcast %parallel_loop3A_336 : f32 to vector<16xf32>
      %parallel_loop3A_340 = arith.minimumf %parallel_loop3A_339, %parallel_loop3A_338 : vector<16xf32>
      %parallel_loop3A_341 = arith.constant 16 : i32
      %parallel_loop3A_342 = arith.muli %parallel_loop3A_295, %parallel_loop3A_341 : i32
      %parallel_loop3A_343 = arith.constant 0 : i32
      %parallel_loop3A_344 = arith.addi %parallel_loop3A_343, %parallel_loop3A_342 : i32
      %parallel_loop3A_345 = arith.index_cast %parallel_loop3A_344 : i32 to index
      %parallel_loop3A_346 = tpu.vector_load %arg15[%parallel_loop3A_345] {strides = array<i32>} : memref<8640xf32, #tpu.memory_space<vmem>>, vector<16xf32>,
      tpu.vector_store %arg15[%parallel_loop3A_345], %parallel_loop3A_340 {strides = array<i32>} : memref<8640xf32, #tpu.memory_space<vmem>>, vector<16xf32>,
      %parallel_loop3A_347 = arith.constant 1 : i32
      %parallel_loop3A_348 = vector.broadcast %parallel_loop3A_347 : i32 to vector<16xi32>
      %parallel_loop3A_349 = arith.addi %mul3A_3, %parallel_loop3A_348 : vector<16xi32>
      %parallel_loop3A_350 = tpu.vector_load_idx %arg13[%parallel_loop3A_305, %parallel_loop3A_349] : memref<2880x8xf32, #tpu.memory_space<vmem>>[vector<16xi32>, vector<16xi32>], vector<16xf32>,
      %parallel_loop3A_351 = arith.constant 5 : i32
      %parallel_loop3A_352 = vector.broadcast %parallel_loop3A_351 : i32 to vector<16xi32>
      %parallel_loop3A_353 = arith.addi %mul3A_3, %parallel_loop3A_352 : vector<16xi32>
      %parallel_loop3A_354 = tpu.vector_load_idx %arg13[%parallel_loop3A_305, %parallel_loop3A_353] : memref<2880x8xf32, #tpu.memory_space<vmem>>[vector<16xi32>, vector<16xi32>], vector<16xf32>,
      %parallel_loop3A_355 = arith.constant 1 : i32
      %parallel_loop3A_356 = vector.broadcast %parallel_loop3A_355 : i32 to vector<16xi32>
      %parallel_loop3A_357 = arith.addi %mul3A_3, %parallel_loop3A_356 : vector<16xi32>
      %parallel_loop3A_358 = tpu.vector_load_idx %arg14[%parallel_loop3A_305, %parallel_loop3A_357] : memref<2880x8xf32, #tpu.memory_space<vmem>>[vector<16xi32>, vector<16xi32>], vector<16xf32>,
      %parallel_loop3A_359 = arith.constant 5 : i32
      %parallel_loop3A_360 = vector.broadcast %parallel_loop3A_359 : i32 to vector<16xi32>
      %parallel_loop3A_361 = arith.addi %mul3A_3, %parallel_loop3A_360 : vector<16xi32>
      %parallel_loop3A_362 = tpu.vector_load_idx %arg14[%parallel_loop3A_305, %parallel_loop3A_361] : memref<2880x8xf32, #tpu.memory_space<vmem>>[vector<16xi32>, vector<16xi32>], vector<16xf32>,
      %parallel_loop3A_363 = arith.subf %parallel_loop3A_354, %parallel_loop3A_350 : vector<16xf32>
      %parallel_loop3A_364 = arith.mulf %parallel_loop3A_307, %parallel_loop3A_363 : vector<16xf32>
      %parallel_loop3A_365 = arith.addf %parallel_loop3A_350, %parallel_loop3A_364 : vector<16xf32>
      %parallel_loop3A_366 = arith.subf %parallel_loop3A_362, %parallel_loop3A_358 : vector<16xf32>
      %parallel_loop3A_367 = arith.mulf %parallel_loop3A_307, %parallel_loop3A_366 : vector<16xf32>
      %parallel_loop3A_368 = arith.addf %parallel_loop3A_358, %parallel_loop3A_367 : vector<16xf32>
      %parallel_loop3A_369 = arith.subf %parallel_loop3A_368, %parallel_loop3A_365 : vector<16xf32>
      %parallel_loop3A_370 = arith.mulf %parallel_loop3A_309, %parallel_loop3A_369 : vector<16xf32>
      %parallel_loop3A_371 = arith.addf %parallel_loop3A_365, %parallel_loop3A_370 : vector<16xf32>
      %parallel_loop3A_372 = arith.constant 0.000000e+00 : f32
      %parallel_loop3A_373 = arith.constant 1.000000e+00 : f32
      %parallel_loop3A_374 = vector.broadcast %parallel_loop3A_372 : f32 to vector<16xf32>
      %parallel_loop3A_375 = arith.maximumf %parallel_loop3A_374, %parallel_loop3A_371 : vector<16xf32>
      %parallel_loop3A_376 = vector.broadcast %parallel_loop3A_373 : f32 to vector<16xf32>
      %parallel_loop3A_377 = arith.minimumf %parallel_loop3A_376, %parallel_loop3A_375 : vector<16xf32>
      %parallel_loop3A_378 = arith.constant 16 : i32
      %parallel_loop3A_379 = arith.muli %parallel_loop3A_295, %parallel_loop3A_378 : i32
      %parallel_loop3A_380 = arith.constant 1440 : i32
      %parallel_loop3A_381 = arith.addi %parallel_loop3A_380, %parallel_loop3A_379 : i32
      %parallel_loop3A_382 = arith.index_cast %parallel_loop3A_381 : i32 to index
      %parallel_loop3A_383 = tpu.vector_load %arg15[%parallel_loop3A_382] {strides = array<i32>} : memref<8640xf32, #tpu.memory_space<vmem>>, vector<16xf32>,
      tpu.vector_store %arg15[%parallel_loop3A_382], %parallel_loop3A_377 {strides = array<i32>} : memref<8640xf32, #tpu.memory_space<vmem>>, vector<16xf32>,
      %parallel_loop3A_384 = arith.constant 2 : i32
      %parallel_loop3A_385 = vector.broadcast %parallel_loop3A_384 : i32 to vector<16xi32>
      %parallel_loop3A_386 = arith.addi %mul3A_3, %parallel_loop3A_385 : vector<16xi32>
      %parallel_loop3A_387 = tpu.vector_load_idx %arg13[%parallel_loop3A_305, %parallel_loop3A_386] : memref<2880x8xf32, #tpu.memory_space<vmem>>[vector<16xi32>, vector<16xi32>], vector<16xf32>,
      %parallel_loop3A_388 = arith.constant 6 : i32
      %parallel_loop3A_389 = vector.broadcast %parallel_loop3A_388 : i32 to vector<16xi32>
      %parallel_loop3A_390 = arith.addi %mul3A_3, %parallel_loop3A_389 : vector<16xi32>
      %parallel_loop3A_391 = tpu.vector_load_idx %arg13[%parallel_loop3A_305, %parallel_loop3A_390] : memref<2880x8xf32, #tpu.memory_space<vmem>>[vector<16xi32>, vector<16xi32>], vector<16xf32>,
      %parallel_loop3A_392 = arith.constant 2 : i32
      %parallel_loop3A_393 = vector.broadcast %parallel_loop3A_392 : i32 to vector<16xi32>
      %parallel_loop3A_394 = arith.addi %mul3A_3, %parallel_loop3A_393 : vector<16xi32>
      %parallel_loop3A_395 = tpu.vector_load_idx %arg14[%parallel_loop3A_305, %parallel_loop3A_394] : memref<2880x8xf32, #tpu.memory_space<vmem>>[vector<16xi32>, vector<16xi32>], vector<16xf32>,
      %parallel_loop3A_396 = arith.constant 6 : i32
      %parallel_loop3A_397 = vector.broadcast %parallel_loop3A_396 : i32 to vector<16xi32>
      %parallel_loop3A_398 = arith.addi %mul3A_3, %parallel_loop3A_397 : vector<16xi32>
      %parallel_loop3A_399 = tpu.vector_load_idx %arg14[%parallel_loop3A_305, %parallel_loop3A_398] : memref<2880x8xf32, #tpu.memory_space<vmem>>[vector<16xi32>, vector<16xi32>], vector<16xf32>,
      %parallel_loop3A_400 = arith.subf %parallel_loop3A_391, %parallel_loop3A_387 : vector<16xf32>
      %parallel_loop3A_401 = arith.mulf %parallel_loop3A_307, %parallel_loop3A_400 : vector<16xf32>
      %parallel_loop3A_402 = arith.addf %parallel_loop3A_387, %parallel_loop3A_401 : vector<16xf32>
      %parallel_loop3A_403 = arith.subf %parallel_loop3A_399, %parallel_loop3A_395 : vector<16xf32>
      %parallel_loop3A_404 = arith.mulf %parallel_loop3A_307, %parallel_loop3A_403 : vector<16xf32>
      %parallel_loop3A_405 = arith.addf %parallel_loop3A_395, %parallel_loop3A_404 : vector<16xf32>
      %parallel_loop3A_406 = arith.subf %parallel_loop3A_405, %parallel_loop3A_402 : vector<16xf32>
      %parallel_loop3A_407 = arith.mulf %parallel_loop3A_309, %parallel_loop3A_406 : vector<16xf32>
      %parallel_loop3A_408 = arith.addf %parallel_loop3A_402, %parallel_loop3A_407 : vector<16xf32>
      %parallel_loop3A_409 = arith.constant 0.000000e+00 : f32
      %parallel_loop3A_410 = arith.constant 1.000000e+00 : f32
      %parallel_loop3A_411 = vector.broadcast %parallel_loop3A_409 : f32 to vector<16xf32>
      %parallel_loop3A_412 = arith.maximumf %parallel_loop3A_411, %parallel_loop3A_408 : vector<16xf32>
      %parallel_loop3A_413 = vector.broadcast %parallel_loop3A_410 : f32 to vector<16xf32>
      %parallel_loop3A_414 = arith.minimumf %parallel_loop3A_413, %parallel_loop3A_412 : vector<16xf32>
      %parallel_loop3A_415 = arith.constant 16 : i32
      %parallel_loop3A_416 = arith.muli %parallel_loop3A_295, %parallel_loop3A_415 : i32
      %parallel_loop3A_417 = arith.constant 2880 : i32
      %parallel_loop3A_418 = arith.addi %parallel_loop3A_417, %parallel_loop3A_416 : i32
      %parallel_loop3A_419 = arith.index_cast %parallel_loop3A_418 : i32 to index
      %parallel_loop3A_420 = tpu.vector_load %arg15[%parallel_loop3A_419] {strides = array<i32>} : memref<8640xf32, #tpu.memory_space<vmem>>, vector<16xf32>,
      tpu.vector_store %arg15[%parallel_loop3A_419], %parallel_loop3A_414 {strides = array<i32>} : memref<8640xf32, #tpu.memory_space<vmem>>, vector<16xf32>,
    } {sc.loop_unroll_factor = 2 : i64, sc.parallel_access}
    %mul3A_251 = arith.constant 64800 : i32
    %mul3A_252 = arith.muli %add3A, %mul3A_251 : i32
    %add3A_253 = arith.constant 63360 : i32
    %add3A_254 = arith.addi %mul3A_252, %add3A_253 : i32
    %add3A_255 = arith.constant 0 : i32
    %add3A_256 = arith.addi %add3A_255, %add3A_254 : i32
    %dma_start3A_257 = arith.constant 0 : i32
    %dma_start3A_258 = tpu.memref_slice %arg15[%dma_start3A_257] : memref<8640xf32, #tpu.memory_space<vmem>> -> memref<1440xf32, #tpu.memory_space<vmem>>
    %dma_start3A_259 = tpu.memref_slice %arg4[%add3A_256] : memref<6220800xf32, #tpu.memory_space<hbm>> -> memref<1440xf32, #tpu.memory_space<hbm>>
    %dma_start3A_260 = tpu.memref_slice %arg4[%add3A_256] : memref<6220800xf32, #tpu.memory_space<hbm>> -> memref<1440xf32, #tpu.memory_space<hbm>>
    %dma_start3A_261 = arith.constant 0 : i32
    %dma_start3A_262 = tpu.memref_slice %arg15[%dma_start3A_261] : memref<8640xf32, #tpu.memory_space<vmem>> -> memref<1440xf32, #tpu.memory_space<vmem>>
    tpu.enqueue_dma source(%dma_start3A_262 : memref<1440xf32, #tpu.memory_space<vmem>>) target(%dma_start3A_260 : memref<1440xf32, #tpu.memory_space<hbm>>) target_semaphore(%arg20 : memref<!tpu.dma_semaphore, #tpu.memory_space<semaphore_mem>>)
    %add3A_263 = arith.constant 2073600 : i32
    %add3A_264 = arith.addi %add3A_263, %add3A_254 : i32
    %dma_start3A_265 = arith.constant 1440 : i32
    %dma_start3A_266 = tpu.memref_slice %arg15[%dma_start3A_265] : memref<8640xf32, #tpu.memory_space<vmem>> -> memref<1440xf32, #tpu.memory_space<vmem>>
    %dma_start3A_267 = tpu.memref_slice %arg4[%add3A_264] : memref<6220800xf32, #tpu.memory_space<hbm>> -> memref<1440xf32, #tpu.memory_space<hbm>>
    %dma_start3A_268 = tpu.memref_slice %arg4[%add3A_264] : memref<6220800xf32, #tpu.memory_space<hbm>> -> memref<1440xf32, #tpu.memory_space<hbm>>
    %dma_start3A_269 = arith.constant 1440 : i32
    %dma_start3A_270 = tpu.memref_slice %arg15[%dma_start3A_269] : memref<8640xf32, #tpu.memory_space<vmem>> -> memref<1440xf32, #tpu.memory_space<vmem>>
    tpu.enqueue_dma source(%dma_start3A_270 : memref<1440xf32, #tpu.memory_space<vmem>>) target(%dma_start3A_268 : memref<1440xf32, #tpu.memory_space<hbm>>) target_semaphore(%arg20 : memref<!tpu.dma_semaphore, #tpu.memory_space<semaphore_mem>>)
    %add3A_271 = arith.constant 4147200 : i32
    %add3A_272 = arith.addi %add3A_271, %add3A_254 : i32
    %dma_start3A_273 = arith.constant 2880 : i32
    %dma_start3A_274 = tpu.memref_slice %arg15[%dma_start3A_273] : memref<8640xf32, #tpu.memory_space<vmem>> -> memref<1440xf32, #tpu.memory_space<vmem>>
    %dma_start3A_275 = tpu.memref_slice %arg4[%add3A_272] : memref<6220800xf32, #tpu.memory_space<hbm>> -> memref<1440xf32, #tpu.memory_space<hbm>>
    %dma_start3A_276 = tpu.memref_slice %arg4[%add3A_272] : memref<6220800xf32, #tpu.memory_space<hbm>> -> memref<1440xf32, #tpu.memory_space<hbm>>
    %dma_start3A_277 = arith.constant 2880 : i32
    %dma_start3A_278 = tpu.memref_slice %arg15[%dma_start3A_277] : memref<8640xf32, #tpu.memory_space<vmem>> -> memref<1440xf32, #tpu.memory_space<vmem>>
    tpu.enqueue_dma source(%dma_start3A_278 : memref<1440xf32, #tpu.memory_space<vmem>>) target(%dma_start3A_276 : memref<1440xf32, #tpu.memory_space<hbm>>) target_semaphore(%arg20 : memref<!tpu.dma_semaphore, #tpu.memory_space<semaphore_mem>>)
    %dma_wait3A_279 = arith.constant 0 : i32
    %dma_wait3A_280 = tpu.memref_slice %arg15[%dma_wait3A_279] : memref<8640xf32, #tpu.memory_space<vmem>> -> memref<4320xf32, #tpu.memory_space<vmem>>
    %dma_wait3A_281 = arith.constant 0 : i32
    %dma_wait3A_282 = tpu.memref_slice %arg3[%dma_wait3A_281] : memref<6220800xf32, #tpu.memory_space<hbm>> -> memref<4320xf32, #tpu.memory_space<hbm>>
    %dma_wait3A_283 = arith.constant 0 : i32
    %dma_wait3A_284 = tpu.memref_slice %arg15[%dma_wait3A_283] : memref<8640xf32, #tpu.memory_space<vmem>> -> memref<4320xf32, #tpu.memory_space<vmem>>
    %dma_wait3A_285 = arith.constant 0 : i32
    %dma_wait3A_286 = tpu.memref_slice %arg3[%dma_wait3A_285] : memref<6220800xf32, #tpu.memory_space<hbm>> -> memref<4320xf32, #tpu.memory_space<hbm>>
    tpu.wait_dma2 semaphore(%arg20 : memref<!tpu.dma_semaphore, #tpu.memory_space<semaphore_mem>>) src(%dma_wait3A_286 : memref<4320xf32, #tpu.memory_space<hbm>>) dst(%dma_wait3A_284 : memref<4320xf32, #tpu.memory_space<vmem>>)
    %dma_wait3A_287 = arith.constant 0 : i32
    %dma_wait3A_288 = tpu.memref_slice %arg15[%dma_wait3A_287] : memref<8640xf32, #tpu.memory_space<vmem>> -> memref<4320xf32, #tpu.memory_space<vmem>>
    %dma_wait3A_289 = arith.constant 0 : i32
    %dma_wait3A_290 = tpu.memref_slice %arg3[%dma_wait3A_289] : memref<6220800xf32, #tpu.memory_space<hbm>> -> memref<4320xf32, #tpu.memory_space<hbm>>
    %dma_wait3A_291 = arith.constant 0 : i32
    %dma_wait3A_292 = tpu.memref_slice %arg15[%dma_wait3A_291] : memref<8640xf32, #tpu.memory_space<vmem>> -> memref<4320xf32, #tpu.memory_space<vmem>>
    %dma_wait3A_293 = arith.constant 0 : i32
    %dma_wait3A_294 = tpu.memref_slice %arg3[%dma_wait3A_293] : memref<6220800xf32, #tpu.memory_space<hbm>> -> memref<4320xf32, #tpu.memory_space<hbm>>
    tpu.wait_dma2 semaphore(%arg20 : memref<!tpu.dma_semaphore, #tpu.memory_space<semaphore_mem>>) src(%dma_wait3A_294 : memref<4320xf32, #tpu.memory_space<hbm>>) dst(%dma_wait3A_292 : memref<4320xf32, #tpu.memory_space<vmem>>)
    return
  }
}

</mosaic_0001>

<sc_bundles>
// kernel: kernel.3.cloned.1.call-start
scs
__scs_entry_jumppad:
0x0: {  	(pc) =	sbr.rel $0x88, $3  }
0x1: {  	(tag) =	ssettag $0x0;
	lr =	simm.s32 $0x1  }
0x2: {  	[smem:$0x3F9F] =	sst lr;
	_ =	strace $0xD0000000  }
0x3: {  	_ = 	snop  }
0x4: {  	_ = 	snop  }
0x5: {  	_ = 	snop  }
0x6: {  	_ = 	snop  }
0x7: {  	_ = 	snop  }
__scs_overlays_trampoline_lowered:
0x8: {  	[smem:$0x3FAE] =	sst s0  }
0x9: {  	[smem:$0x3FAF] =	sst s1  }
0xa: {  	[smem:$0x3FB0] =	sst s2  }
0xb: {  	[smem:$0x3FB1] =	sst s3  }
0xc: {  	[smem:$0x3FB2] =	sst s4  }
0xd: {  	[smem:$0x3FB3] =	sst s5  }
0xe: {  	[smem:$0x3FB4] =	sst s6  }
0xf: {  	[smem:$0x3FB5] =	sst s7  }
0x10: {  	[smem:$0x3FB6] =	sst s8  }
0x11: {  	[smem:$0x3FB7] =	sst s9;
	s0 =	simm.s32 @!p0 $0x0  }
0x12: {  	s1 =	sld [smem:$0x3F9D];
	s0 =	simm.s32 @p0 $0x1  }
0x13: {  	[smem:$0x3FB8] =	sst s0;
	s0 =	simm.s32 @!p1 $0x0  }
0x14: {  	s2 =	sld [smem:$0x3F9C];
	s0 =	simm.s32 @p1 $0x1  }
0x15: {  	[smem:$0x3FB9] =	sst s0;
	s0 =	simm.s32 @!p2 $0x0  }
0x16: {  	s3 =	sld [smem:$0x3FDB];
	s0 =	simm.s32 @p2 $0x1  }
0x17: {  	s4 =	simm.s32 $0x1BF5;
	[smem:$0x3FBB] =	sst s0  }
0x18: {  	s0 =	sld [smem:$0x3F9E];
	_ =	swait.ge [sflag:s4], $0x0  }
0x19: {  	s7 =	sld [smem:$0x3F9F]  }
0x1a: {  	s8 =	sadd.s32 $0xFFFFE003, lr  }
0x1b: {  	s9 =	sadd.s32 $0xFFFFFEF7, lr;
	s5 =	simm.s32 $0xFFFFFFFF;
	p2 =	slt.u32 s8, $0xFFFFF086  }
0x1c: {  	p1 =	slt.u32 s9, $0xF7A;
	s5 =	simm.s32 @!p2 $0x0  }
0x1d: {  	s5 =	simm.s32 @p1 $0x1;
	p0 =	seq.s32 s7, s2  }
0x1e: {  	s7 =	smul.u32 @!p0 $0xF7A, s2;
	p2 =	seq.s32 @!p0 s5, $0x0  }
0x1f: {  	s9 =	smul.u32 $0xF7A, s1;
	s8 =	simm.s32 @!p0 $0x1BF5;
	p2 =	por !p2, p0  }
0x20: {  	[sflag:s8] =	ssyncset.s32 @!p0 $0xFFFFF086;
	s6 =	sadd.s32 @!p0 s3, s7;
	s7 =	simm.s32 @!p0 $0x108  }
0x21: {  	s3 =	sadd.s32 s3, s9;
	s6 =	sadd.s32 @!p0 $0x88, s6;
	s7 =	simm.s32 @p2 $0x1082  }
0x22: {  	[simem:s7], [sflag:s8] =	dma.local @!p0 [hbm:s6], $0xF7A  }
0x23: {  	s9 =	sor.u32 $0xD0000000, s2;
	s6 =	simm.s32 $0x108;
	_ =	swait.ge @!p0 [sflag:s8], $0x0  }
0x24: {  	s3 =	sadd.s32 $0x88, s3;
	s6 =	simm.s32 @!p1 $0x1082;
	[sflag:s4] =	ssyncset.s32 $0xFFFFF086  }
0x25: {  	[simem:s6], [sflag:s4] =	dma.local [hbm:s3], $0xF7A  }
0x26: {  	[smem:$0x3F9F] =	sst s1;
	(tag) =	ssettag s2;
	_ =	strace s9  }
0x27: {  	s1 =	sld [smem:$0x3FAF]  }
0x28: {  	s2 =	sld [smem:$0x3FB0]  }
0x29: {  	s4 =	sld [smem:$0x3FB2]  }
0x2a: {  	p0 =	seq.s32 s5, $0x0;
	s5 =	sld [smem:$0x3FB3]  }
0x2b: {  	s6 =	sld [smem:$0x3FB4]  }
0x2c: {  	s7 =	sld [smem:$0x3FB5]  }
0x2d: {  	s3 =	simm.s32 $0x108;
	s8 =	sld [smem:$0x3FB6]  }
0x2e: {  	s3 =	simm.s32 @!p0 $0x1082;
	s9 =	sld [smem:$0x3FB7]  }
0x2f: {  	lr =	sadd.s32 s0, s3;
	s0 =	sld [smem:$0x3FAE]  }
0x30: {  	s3 =	sld [smem:$0x3FB1]  }
0x31: {  	[smem:$0x3FBA] =	sst s10  }
0x32: {  	s10 =	sld [smem:$0x3FB8];
	_ =	sdelay $0x3  }
0x33: {  	p0 =	seq.s32 s10, $0x1;
	s10 =	sld [smem:$0x3FBA];
	_ =	sdelay $0x3  }
0x34: {  	[smem:$0x3FBA] =	sst s10  }
0x35: {  	s10 =	sld [smem:$0x3FB9];
	_ =	sdelay $0x3  }
0x36: {  	p1 =	seq.s32 s10, $0x1;
	s10 =	sld [smem:$0x3FBA];
	_ =	sdelay $0x3  }
0x37: {  	[smem:$0x3FBA] =	sst s10  }
0x38: {  	s10 =	sld [smem:$0x3FBB]  }
0x39: {  	_ = 	snop;
	(pc) =	sbr.ind lr, $3  }
0x3a: {  	_ = 	snop  }
0x3b: {  	_ = 	snop  }
0x3c: {  	p2 =	seq.s32 s10, $0x1;
	s10 =	sld [smem:$0x3FBA]  }
0x3d: {  	_ =	shalt  }
0x3e: {  	_ =	shalt  }
0x3f: {  	_ =	shalt  }
0x40: {  	_ =	shalt  }
0x41: {  	_ =	shalt  }
0x42: {  	_ =	shalt  }
0x43: {  	_ =	shalt  }
0x44: {  	_ =	shalt  }
0x45: {  	_ =	shalt  }
0x46: {  	_ =	shalt  }
0x47: {  	_ =	shalt  }
0x48: {  	_ =	shalt  }
0x49: {  	_ =	shalt  }
0x4a: {  	_ =	shalt  }
0x4b: {  	_ =	shalt  }
0x4c: {  	_ =	shalt  }
0x4d: {  	_ =	shalt  }
0x4e: {  	_ =	shalt  }
0x4f: {  	_ =	shalt  }
0x50: {  	_ =	shalt  }
0x51: {  	_ =	shalt  }
0x52: {  	_ =	shalt  }
0x53: {  	_ =	shalt  }
0x54: {  	_ =	shalt  }
0x55: {  	_ =	shalt  }
0x56: {  	_ =	shalt  }
0x57: {  	_ =	shalt  }
0x58: {  	_ =	shalt  }
0x59: {  	_ =	shalt  }
0x5a: {  	_ =	shalt  }
0x5b: {  	_ =	shalt  }
0x5c: {  	_ =	shalt  }
0x5d: {  	_ =	shalt  }
0x5e: {  	_ =	shalt  }
0x5f: {  	_ =	shalt  }
0x60: {  	_ =	shalt  }
0x61: {  	_ =	shalt  }
0x62: {  	_ =	shalt  }
0x63: {  	_ =	shalt  }
0x64: {  	_ =	shalt  }
0x65: {  	_ =	shalt  }
0x66: {  	_ =	shalt  }
0x67: {  	_ =	shalt  }
0x68: {  	_ =	shalt  }
0x69: {  	_ =	shalt  }
0x6a: {  	_ =	shalt  }
0x6b: {  	_ =	shalt  }
0x6c: {  	_ =	shalt  }
0x6d: {  	_ =	shalt  }
0x6e: {  	_ =	shalt  }
0x6f: {  	_ =	shalt  }
0x70: {  	_ =	shalt  }
0x71: {  	_ =	shalt  }
0x72: {  	_ =	shalt  }
0x73: {  	_ =	shalt  }
0x74: {  	_ =	shalt  }
0x75: {  	_ =	shalt  }
0x76: {  	_ =	shalt  }
0x77: {  	_ =	shalt  }
0x78: {  	_ =	shalt  }
0x79: {  	_ =	shalt  }
0x7a: {  	_ =	shalt  }
0x7b: {  	_ =	shalt  }
0x7c: {  	_ =	shalt  }
0x7d: {  	_ =	shalt  }
0x7e: {  	_ =	shalt  }
0x7f: {  	_ =	shalt  }
0x80: {  	_ =	shalt  }
0x81: {  	_ =	shalt  }
0x82: {  	_ =	shalt  }
0x83: {  	_ =	shalt  }
0x84: {  	_ =	shalt  }
0x85: {  	_ =	shalt  }
0x86: {  	_ =	shalt  }
0x87: {  	_ =	shalt  }
.Lfunc_end0:
.L_simem_size_0:
called_computation_lowered:
.L_overlay_start_0:
0x88: {  	s2 =	sld [smem:$0x3FD9]  }
0x89: {  	s3 =	sld [smem:$0x3FFE];
	_ =	sdelay $0x1  }
0x8a: {  	s1 =	srdreg.scid  }
0x8b: {  	s0 =	sand.u32 $0x1, s1  }
0x8c: {  	s18 =	sshll.u32 s0, $0xA;
	s2 =	sadd.s32 s3, s2  }
0x8d: {  	s3 =	sadd.s32 s2, s18  }
0x8e: {  	[smem:$0x3FC6] =	sst s3  }
0x8f: {  	_ = 	snop  }
0x90: {  	s3 =	sld [smem:$0x3FD0];
	(tm) =	ssettm $0x1  }
0x91: {  	s4 =	sld [smem:$0x3FFB];
	_ =	sdelay $0x3  }
0x92: {  	_ =	strace s4  }
0x93: {  	s4 =	sld [smem:$0x3FFC];
	_ =	sdelay $0x3  }
0x94: {  	_ =	strace s4  }
0x95: {  	s4 =	sld [smem:$0x3FFD];
	_ =	sdelay $0x3  }
0x96: {  	_ =	strace s4  }
0x97: {  	_ =	strace $0x8FFFFFFF  }
0x98: {  	s19 =	sld [smem:$0x3FDB];
	_ =	sdelay $0x1  }
0x99: {  	s5 =	simm.s32 $_scs_section_size  }
0x9a: {  	s6 =	simm.s32 $_size__tile_overlayer_lowered;
	s7 =	simm.s32 $_tile_overlayer_lowered  }
0x9b: {  	s22 =	simm.s32 $0x1BFF;
	s21 =	sshll.u32 s7, $0x1;
	s4 =	sadd.s32 s5, s19  }
0x9c: {  	s8 =	simm.s32 $0x0;
	s20 =	sshll.u32 s6, $0x1;
	s6 =	sadd.s32 s21, s4  }
0x9d: {  	[timem:s8], [sflag:s22] =	dma.local [hbm:s6], s20  }
0x9e: {  	_ =	swait.ge [sflag:s22], s20  }
0x9f: {  	s5 =	ssub.s32 $0x0, s20;
	[sflag:s22] =	ssyncset.done $0x0  }
0xa0: {  	[sflag:s22] =	ssyncadd.s32 s5;
	_ =	sdelay $0x1  }
0xa1: {  	s23 =	simm.s32 $0x1B8B  }
0xa2: {  	_ =	swait.ge [sflag:s23], $0x1  }
0xa3: {  	[sflag:s23] =	ssyncset.done $0x0  }
0xa4: {  	s25 =	simm.s32 $0x1B8E;
	s24 =	sld [smem:$0x3FFE];
	[sflag:s23] =	ssyncadd.s32 $0xFFFFFFFF  }
0xa5: {  	s26 =	simm.s32 $execute0_lowered;
	[smem:$0x3FD2] =	sst s25  }
0xa6: {  	s6 =	sshll.u32 s26, $0x1;
	_ =	strace $0x80000046;
	[dreg:$0x1] =	wrdreg $0xFFFFFFFF  }
0xa7: {  	s28 =	simm.s32 $_size_execute0_lowered;
	s4 =	sadd.s32 s4, s6;
	[dreg:$0x0] =	wrdreg $0x0  }
0xa8: {  	s6 =	sshll.u32 s28, $0x1;
	[dreg:$0x2] =	wrdreg s4  }
0xa9: {  	[dreg:$0x3] =	wrdreg s6  }
0xaa: {  	[dreg:$0x4] =	wrdreg $0xC0  }
0xab: {  	_ =	task [dreg:s8], $0x5FFFF  }
0xac: {  	[dreg:$0x1] =	wrdreg $0xFFFFFFFF  }
0xad: {  	[dreg:$0x0] =	wrdreg $0x60  }
0xae: {  	[dreg:$0x2] =	wrdreg s24  }
0xaf: {  	s2 =	sadd.s32 $0x800, s2;
	[dreg:$0x3] =	wrdreg s3  }
0xb0: {  	[dreg:$0x4] =	wrdreg s2  }
0xb1: {  	[dreg:$0x5] =	wrdreg $0x9  }
0xb2: {  	_ =	task.clear_ibuf [dreg:s8], $0x6FFFF;
	_ =	strace $0x90000046  }
0xb3: {  	s29 =	simm.s32 $0x9;
	_ =	strace $0x80000048  }
0xb4: {  	_ =	swait.ge [sflag:s29], $0x1  }
0xb5: {  	[sflag:s29] =	ssyncadd.s32 $0xFFFFFFFF  }
0xb6: {  	_ =	strace $0x90000048  }
0xb7: {  	_ =	sfence  }
0xb8: {  	s30 =	sld [smem:$0x0];
	_ =	sdelay $0x2  }
0xb9: {  	s31 =	sshll.u32 s1, $0xD;
	s1 =	sshrl.u32 s1, $0x2  }
0xba: {  	s3 =	sand.u32 $0x4000, s31;
	s1 =	sadd.s32 s1, s30  }
0xbb: {  	s0 =	sor.u32 s3, s0;
	s1 =	sshll.u32 s1, $0x11  }
0xbc: {  	s0 =	sor.u32 s1, s0  }
0xbd: {  	s0 =	sadd.s32 $0x8F2B, s0  }
0xbe: {  	[sflag:s0] =	ssyncadd.remote.s32 $0x1  }
0xbf: {  	_ =	sfence.sel $0xFFFF  }
0xc0: {  	[dreg:$0x0] =	wrdreg $0xFFFFFFFF;
	(pc) =	sbr.abs _section_cstart, $3  }
0xc1: {  	[dreg:$0x1] =	wrdreg $0xFFFFFFFF  }
0xc2: {  	_ =	task.clear_ibuf [dreg:s8], $0x2FFFF;
	_ =	strace $0x9FFFFFFF  }
0xc3: {  	(tm) =	ssettm $0x7FFFFFFF  }
tec
execute0_lowered:
.L_overlay_start_1:
0x0: {  	(tag) =	ssettag $0x1  }
0x1: {  	s0 =	rddreg [dreg:$0x0]  }
0x2: {  	s11 =	rddreg [dreg:$0x1]  }
0x3: {  	s3 =	rddreg [dreg:$0x2]  }
0x4: {  	s10 =	stileid.u32;
	s7 =	srdreg.scid  }
0x5: {  	s4 =	simm.s32 $0x0;
	s7 =	sand.u32 $0x1, s7;
	s8 =	sshll.u32 s10, $0x1  }
0x6: {  	s5 =	smul.u32 $0xC0, s10;
	s9 =	ssub.s32 $0x2, s7;
	s7 =	sor.u32 s7, s8  }
0x7: {  	[smem:$0x7FF] =	sst s4;
	s13 =	sshrl.u32 s9, $0x1;
	s7 =	smul.u32 $0xFD20, s7  }
0x8: {  	s2 =	smul.u32 $0x18000, s10;
	s6 =	sadd.s32 $0x600, s0;
	s14 =	ssub.s32 s9, s13  }
0x9: {  	s8 =	sadd.s32 $0x90600, s0;
	s17 =	sshrl.u32 s7, $0x3;
	s0 =	smax.u32 s14, $0x1  }
0xa: {  	_ =	strace $0x80000047;
	s20 =	sadd.s32 s11, s17;
	[dreg:$0x13] =	wrdreg s0  }
0xb: {  	s1 =	sshrl.u32 s5, $0x9;
	s21 =	sadd.s32 $0x3F480, s20;
	[dreg:$0x9] =	wrdreg s20  }
0xc: {  	s1 =	smul.u32 $0xC0000, s1;
	s22 =	sadd.s32 $0x7E900, s20;
	[dreg:$0xb] =	wrdreg s21  }
0xd: {  	s2 =	sand.u32 $0x38000, s2;
	s23 =	sadd.s32 $0xB4, s20;
	[dreg:$0xc] =	wrdreg s22  }
0xe: {  	s1 =	sor.u32 s2, s1;
	s24 =	sadd.s32 $0x3F534, s20;
	[dreg:$0xd] =	wrdreg s23  }
0xf: {  	s1 =	sshrl.u32 s1, $0x3;
	s25 =	sadd.s32 $0x7E9B4, s20;
	[dreg:$0xe] =	wrdreg s24  }
0x10: {  	s15 =	sadd.s32 s6, s1;
	[dreg:$0xf] =	wrdreg s25  }
0x11: {  	s29 =	simm.s32 $0x4;
	s1 =	sadd.s32 $0x8000, s15;
	[dreg:$0x4] =	wrdreg s15  }
0x12: {  	s31 =	simm.s32 $0x2D0;
	s16 =	sadd.s32 $0x10000, s15;
	[dreg:$0x5] =	wrdreg s1  }
0x13: {  	s30 =	simm.s32 $0x11708;
	s18 =	sadd.s32 $0x100, s15;
	[dreg:$0x6] =	wrdreg s16  }
0x14: {  	s9 =	simm.s32 $0x0;
	s19 =	sadd.s32 $0x8100, s15;
	[dreg:$0x7] =	wrdreg s18  }
0x15: {  	s2 =	sadd.s32 $0x10100, s15;
	[dreg:$0x8] =	wrdreg s19;
	s1 =	sadd.s32 s8, s17  }
0x16: {  	s0 =	simm.s32 $0x1;
	[dreg:$0xa] =	wrdreg s2;
	s26 =	sadd.s32 $0x1EF0, s1  }
0x17: {  	s16 =	smul.u32 $0xC0000, s10;
	s28 =	sadd.s32 $0x41370, s1;
	[dreg:$0x10] =	wrdreg s26  }
0x18: {  	v0 =	vlaneseq.u32;
	v1 =	vimm.s32 $0x0;
	s10 =	simm.s32 $0x17108;
	s1 =	sadd.s32 $0x807F0, s1;
	[dreg:$0x11] =	wrdreg s28  }
0x19: {  	v2 =	vimm.s32 $0x3;
	v3 =	vimm.s32 $0x5;
	v0 =	vmul.u32 $0x8, v0;
	[dreg:$0x12] =	wrdreg s1;
	s1 =	simm.s32 $0x2;
	s26 =	simm.s32 $0x4848  }
.LBB2_1:
0x1a: {  	[dreg:$0x14] =	wrdreg s9  }
0x1b: {  	s2 =	rddreg [dreg:$0x4]  }
0x1c: {  	s17 =	rddreg [dreg:$0x5]  }
0x1d: {  	[tilespmem:s4], [sflag:$0x2] =	stream.linear.gather [hbm4b:s2+s4], $0x800, $0x38;
	[tilespmem:$0x1ECC8] =	vst v63  }
0x1e: {  	s18 =	simm.s32 $0x808;
	s19 =	rddreg [dreg:$0x6]  }
0x1f: {  	[tilespmem:s18], [sflag:$0x2] =	stream.linear.gather [hbm4b:s17+s4], $0x800, $0x38;
	[tilespmem:$0x1ECC8] =	vst v63  }
0x20: {  	s20 =	simm.s32 $0x1010;
	s21 =	rddreg [dreg:$0x7]  }
0x21: {  	[tilespmem:s20], [sflag:$0x2] =	stream.linear.gather [hbm4b:s19+s4], $0x800, $0x38;
	[tilespmem:$0x1ECC8] =	vst v63  }
0x22: {  	s22 =	simm.s32 $0x1818;
	s23 =	rddreg [dreg:$0x8]  }
0x23: {  	[tilespmem:s22], [sflag:$0x2] =	stream.linear.gather [hbm4b:s21+s4], $0x800, $0x38;
	[tilespmem:$0x1ECC8] =	vst v63  }
0x24: {  	s24 =	simm.s32 $0x2020;
	s25 =	rddreg [dreg:$0xa];
	s28 =	simm.s32 $0x2828  }
0x25: {  	[tilespmem:s24], [sflag:$0x2] =	stream.linear.gather [hbm4b:s23+s4], $0x800, $0x38;
	[tilespmem:$0x1ECC8] =	vst v63  }
0x26: {  	p0 =	por $0x0, $0x0;
	s13 =	simm.s32 $0x0;
	s15 =	simm.s32 $0x0  }
0x27: {  	[tilespmem:s28], [sflag:$0x2] =	stream.linear.gather [hbm4b:s25+s4], $0x800, $0x38;
	[tilespmem:$0x1ECC8] =	vst v63  }
.LBB2_2:
0x28: {  	p1 =	sgt.u32 s15, $0x2D  }
0x29: {  	s2 =	sadd.s32 @!p1 $0x2, s15  }
0x2a: {  	s9 =	smul.u32 @!p1 $0xAB, s2;
	_ =	sdelay $0x1  }
0x2b: {  	s9 =	sshrl.u32 @!p1 s9, $0x9  }
0x2c: {  	s11 =	sshll.u32 @!p1 s2, $0x2;
	s9 =	sand.u32 @!p1 $0x7F, s9  }
0x2d: {  	s11 =	sadd.s32 @!p1 s5, s11;
	s9 =	smul.u32 @!p1 $0x3, s9  }
0x2e: {  	s12 =	sshrl.u32 @!p1 s11, $0x9  }
0x2f: {  	s11 =	sshll.u32 @!p1 s11, $0x9;
	s12 =	smul.u32 @!p1 $0xC0000, s12;
	s2 =	ssub.s32 @!p1 s2, s9  }
0x30: {  	s9 =	sand.u32 @!p1 $0x3F800, s11;
	s2 =	sand.u32 @!p1 $0xFF, s2  }
0x31: {  	s9 =	sor.u32 @!p1 s9, s12;
	s2 =	smul.u32 @!p1 $0x6060, s2  }
0x32: {  	s18 =	smulhi.u32 $0xAAAAAAAB, s15;
	s9 =	sshrl.u32 @!p1 s9, $0x3  }
0x33: {  	s12 =	simm.s32 @!p1 $0x0;
	s9 =	sadd.s32 @!p1 s6, s9;
	s2 =	sshrl.u32 @!p1 s2, $0x2  }
0x34: {  	[tilespmem:s2], [sflag:$0x2] =	stream.linear.gather @!p1 [hbm4b:s9+s12], $0x800, $0x38;
	[tilespmem:$0x1ECC8] =	vst v63  }
0x35: {  	s11 =	sshrl.u32 s18, $0x1;
	s17 =	sadd.s32 @!p1 $0x8000, s9;
	s14 =	sadd.s32 @!p1 $0x808, s2  }
0x36: {  	[tilespmem:s14], [sflag:$0x2] =	stream.linear.gather @!p1 [hbm4b:s17+s12], $0x800, $0x38;
	[tilespmem:$0x1ECC8] =	vst v63  }
0x37: {  	s11 =	smul.u32 $0xFFFEDEE0, s11;
	s2 =	sadd.s32 @!p1 $0x1010, s2;
	s9 =	sadd.s32 @!p1 $0x10000, s9  }
0x38: {  	[tilespmem:s2], [sflag:$0x2] =	stream.linear.gather @!p1 [hbm4b:s9+s12], $0x800, $0x38;
	[tilespmem:$0x1ECC8] =	vst v63  }
0x39: {  	s19 =	sshra.s32 s11, $0x2;
	s2 =	simm.s32 $0x1;
	_ =	swait.ge [sflag:s1], $0x1800  }
0x3a: {  	v4 =	vmov s19;
	p1 =	slt.u32 s15, $0x2;
	s2 =	simm.s32 @!p0 $0x0;
	[sflag:s1] =	ssyncset.done $0x0  }
0x3b: {  	s9 =	simm.s32 @!p1 $0x3;
	s2 =	sshll.u32 s2, $0xB;
	[sflag:s1] =	ssyncadd.s32 $0xFFFFE800  }
0x3c: {  	s20 =	sadd.s32 $0x10, s2;
	_ =	swait.ge @!p1 [sflag:s9], $0x4000  }
0x3d: {  	v5 =	vmov s20;
	[sflag:s9] =	ssyncset.done @!p1 $0x0  }
0x3e: {  	s21 =	sadd.s32 $0x30, s2;
	v5 =	vshll.u32 v5, $0x3;
	[sflag:s9] =	ssyncadd.s32 @!p1 $0xFFFFC000  }
0x3f: {  	v6 =	vmov s21;
	v21 =	vor.u32 v0, v5;
	v7 =	vld.idx.msk [tilespmem:v4+s13+$0x10 ss:$0x1], $0xffff  }
0x40: {  	v5 =	vshll.u32 v6, $0x3;
	v8 =	vld.idx.msk [tilespmem:v4+s13+$0x11 ss:$0x1], $0xffff;
	v10 =	vor.u32 $0x4, v21  }
0x41: {  	s22 =	sadd.s32 $0x20, s2;
	v6 =	vld.idx.msk [tilespmem:v4+s13+$0x30 ss:$0x1], $0xffff;
	v9 =	vor.u32 v0, v5  }
0x42: {  	v5 =	vmov s22;
	v11 =	vld.idx.msk [tilespmem:v4+s13+$0x31 ss:$0x1], $0xffff  }
0x43: {  	v13 =	vld.idx.msk [tilespmem:v4+s13+$0x20 ss:$0x1], $0xffff;
	v5 =	vshll.u32 v5, $0x3;
	v12 =	vor.u32 $0x4, v9  }
0x44: {  	v15 =	vld.idx.msk [tilespmem:v4+s13+$0x1 ss:$0x1], $0xffff;
	v22 =	vor.u32 v0, v5;
	[tilespmem:v21+s26+$0x0] =	vst.idx.msk $0xffff, v7  }
0x45: {  	v5 =	vld.idx.msk [tilespmem:v4+s13+$0x21 ss:$0x1], $0xffff;
	v7 =	vor.u32 $0x4, v22;
	[tilespmem:v10+s26+$0x0] =	vst.idx.msk $0xffff, v8  }
0x46: {  	[tilespmem:v9+s26+$0x0] =	vst.idx.msk $0xffff, v6;
	v8 =	vor.u32 $0x1, v21;
	v6 =	vld.idx.msk [tilespmem:v4+s13+$0x818 ss:$0x1], $0xffff  }
0x47: {  	v16 =	vld.idx.msk [tilespmem:v4+s13+$0x0 ss:$0x1], $0xffff  }
0x48: {  	s9 =	sadd.s32 $0x40, s13;
	[tilespmem:v12+s26+$0x0] =	vst.idx.msk $0xffff, v11;
	v11 =	vor.u32 $0x5, v21;
	v10 =	vld.idx.msk [tilespmem:v4+s13+$0x819 ss:$0x1], $0xffff  }
0x49: {  	v17 =	vld.idx.msk [tilespmem:v4+s9+$0x30 ss:$0x1], $0xffff;
	[tilespmem:v22+s26+$0x0] =	vst.idx.msk $0xffff, v13  }
0x4a: {  	v18 =	vmov s2;
	v12 =	vld.idx.msk [tilespmem:v4+s13+$0x838 ss:$0x1], $0xffff;
	v13 =	vor.u32 $0x1, v9;
	[tilespmem:v7+s26+$0x0] =	vst.idx.msk $0xffff, v5  }
0x4b: {  	v18 =	vshll.u32 v18, $0x3;
	v5 =	vld.idx.msk [tilespmem:v4+s13+$0x828 ss:$0x1], $0xffff;
	[tilespmem:v8+s26+$0x0] =	vst.idx.msk $0xffff, v6;
	v6 =	vor.u32 $0x1, v22  }
0x4c: {  	v23 =	vor.u32 v0, v18;
	v19 =	vld.idx.msk [tilespmem:v4+s9+$0x11 ss:$0x1], $0xffff  }
0x4d: {  	s11 =	sadd.s32 $0x40, s2;
	v14 =	vld.idx.msk [tilespmem:v4+s13+$0x839 ss:$0x1], $0xffff;
	[tilespmem:v11+s26+$0x0] =	vst.idx.msk $0xffff, v10;
	v10 =	vor.u32 $0x5, v9  }
0x4e: {  	s23 =	sadd.s32 $0x10, s11;
	v7 =	vld.idx.msk [tilespmem:v4+s13+$0x829 ss:$0x1], $0xffff;
	v11 =	vor.u32 $0x5, v22  }
0x4f: {  	s24 =	sadd.s32 $0x30, s11;
	v18 =	vor.u32 $0x4, v23;
	[tilespmem:v13+s26+$0x0] =	vst.idx.msk $0xffff, v12;
	v12 =	vmov s23;
	v13 =	vld.idx.msk [tilespmem:v4+s9+$0x31 ss:$0x1], $0xffff  }
0x50: {  	v8 =	vld.idx.msk [tilespmem:v4+s13+$0x1020 ss:$0x1], $0xffff;
	[tilespmem:v6+s26+$0x0] =	vst.idx.msk $0xffff, v5;
	v5 =	vshll.u32 v12, $0x3;
	v6 =	vmov s24  }
0x51: {  	[tilespmem:v23+s26+$0x0] =	vst.idx.msk $0xffff, v16;
	v12 =	vld.idx.msk [tilespmem:v4+s9+$0x10 ss:$0x1], $0xffff;
	v5 =	vor.u32 v0, v5;
	v6 =	vshll.u32 v6, $0x3  }
0x52: {  	[tilespmem:v10+s26+$0x0] =	vst.idx.msk $0xffff, v14;
	v14 =	vld.idx.msk [tilespmem:v4+s9+$0x20 ss:$0x1], $0xffff;
	v6 =	vor.u32 v0, v6  }
0x53: {  	[tilespmem:v11+s26+$0x0] =	vst.idx.msk $0xffff, v7;
	v11 =	vld.idx.msk [tilespmem:v4+s13+$0x1021 ss:$0x1], $0xffff;
	v25 =	vor.u32 $0x4, v5  }
0x54: {  	s25 =	sadd.s32 $0x20, s11;
	[tilespmem:v18+s26+$0x0] =	vst.idx.msk $0xffff, v15;
	v18 =	vor.u32 $0x2, v9;
	v15 =	vld.idx.msk [tilespmem:v4+s13+$0x1040 ss:$0x1], $0xffff  }
0x55: {  	v7 =	vmov s25;
	v20 =	vld.idx.msk [tilespmem:v4+s13+$0x1041 ss:$0x1], $0xffff;
	v24 =	vor.u32 $0x4, v6  }
0x56: {  	v10 =	vld.idx.msk [tilespmem:v4+s13+$0x1030 ss:$0x1], $0xffff;
	v7 =	vshll.u32 v7, $0x3;
	[tilespmem:v5+s26+$0x0] =	vst.idx.msk $0xffff, v12  }
0x57: {  	v7 =	vor.u32 v0, v7;
	v12 =	vld.idx.msk [tilespmem:v4+s9+$0x21 ss:$0x1], $0xffff;
	[tilespmem:v6+s26+$0x0] =	vst.idx.msk $0xffff, v17  }
0x58: {  	v16 =	vor.u32 $0x4, v7;
	v17 =	vld.idx.msk [tilespmem:v4+s13+$0x808 ss:$0x1], $0xffff;
	[tilespmem:v25+s26+$0x0] =	vst.idx.msk $0xffff, v19  }
0x59: {  	v9 =	vor.u32 $0x6, v9;
	[tilespmem:v18+s26+$0x0] =	vst.idx.msk $0xffff, v15;
	v18 =	vld.idx.msk [tilespmem:v4+s9+$0x1 ss:$0x1], $0xffff  }
0x5a: {  	[tilespmem:v24+s26+$0x0] =	vst.idx.msk $0xffff, v13;
	v13 =	vld.idx.msk [tilespmem:v4+s13+$0x809 ss:$0x1], $0xffff;
	v24 =	vor.u32 $0x1, v23  }
0x5b: {  	v26 =	vor.u32 $0x5, v23;
	v27 =	vld.idx.msk [tilespmem:v4+s9+$0x819 ss:$0x1], $0xffff  }
0x5c: {  	[tilespmem:v7+s26+$0x0] =	vst.idx.msk $0xffff, v14;
	v14 =	vor.u32 $0x1, v6;
	v25 =	vld.idx.msk [tilespmem:v4+s9+$0x838 ss:$0x1], $0xffff  }
0x5d: {  	v28 =	vld.idx.msk [tilespmem:v4+s9+$0x818 ss:$0x1], $0xffff;
	[tilespmem:v16+s26+$0x0] =	vst.idx.msk $0xffff, v12;
	v12 =	vor.u32 $0x1, v5  }
0x5e: {  	v15 =	vor.u32 $0x5, v5;
	[tilespmem:v9+s26+$0x0] =	vst.idx.msk $0xffff, v20;
	v19 =	vld.idx.msk [tilespmem:v4+s9+$0x839 ss:$0x1], $0xffff  }
0x5f: {  	v31 =	vor.u32 $0x1, v7;
	v30 =	vld.idx.msk [tilespmem:v4+s9+$0x828 ss:$0x1], $0xffff;
	[tilespmem:v24+s26+$0x0] =	vst.idx.msk $0xffff, v17  }
0x60: {  	v29 =	vld.idx.msk [tilespmem:v4+s9+$0x829 ss:$0x1], $0xffff;
	[tilespmem:v26+s26+$0x0] =	vst.idx.msk $0xffff, v13;
	v26 =	vor.u32 $0x5, v7  }
0x61: {  	v17 =	vld.idx.msk [tilespmem:v4+s13+$0x1031 ss:$0x1], $0xffff;
	v24 =	vor.u32 $0x2, v21;
	[tilespmem:v14+s26+$0x0] =	vst.idx.msk $0xffff, v25  }
0x62: {  	v13 =	vor.u32 $0x6, v22;
	v25 =	vor.u32 $0x2, v22;
	v22 =	vor.u32 $0x6, v21;
	v21 =	vld.idx.msk [tilespmem:v4+s9+$0x0 ss:$0x1], $0xffff;
	[tilespmem:v12+s26+$0x0] =	vst.idx.msk $0xffff, v28  }
0x63: {  	v20 =	vor.u32 $0x5, v6;
	v16 =	vld.idx.msk [tilespmem:v4+s13+$0x1010 ss:$0x1], $0xffff;
	[tilespmem:v15+s26+$0x0] =	vst.idx.msk $0xffff, v27  }
0x64: {  	s28 =	sshll.u32 s15, $0xB;
	s12 =	simm.s32 $0x4;
	v14 =	vld.idx.msk [tilespmem:v4+s13+$0x1011 ss:$0x1], $0xffff;
	[tilespmem:v31+s26+$0x0] =	vst.idx.msk $0xffff, v30  }
0x65: {  	s2 =	sand.u32 $0x800, s28;
	s14 =	sadd.s32 $0x40, s11;
	s17 =	sadd.s32 $0x40, s9;
	v9 =	vor.u32 $0x6, v7;
	v12 =	vor.u32 $0x6, v23;
	v23 =	vor.u32 $0x2, v23;
	v15 =	vld.idx.msk [tilespmem:v4+s9+$0x1020 ss:$0x1], $0xffff;
	[tilespmem:v26+s26+$0x0] =	vst.idx.msk $0xffff, v29  }
.LBB2_3:
0x66: {  	s18 =	sadd.s32 $0x10, s14;
	s19 =	sadd.s32 $0x20, s14;
	v26 =	vld.idx.msk [tilespmem:v4+s17+$0x30 ss:$0x1], $0xffff;
	s12 =	sadd.s32 $0x4, s12;
	v27 =	vmov s11;
	[tilespmem:v24+s26+$0x0] =	vst.idx.msk $0xffff, v8  }
0x67: {  	s11 =	smov.u32 s14;
	v8 =	vmov s18;
	v24 =	vmov s19;
	v28 =	vld.idx.msk [tilespmem:v4+s17+$0x31 ss:$0x1], $0xffff;
	p1 =	slt.u32 s12, $0x7C;
	v27 =	vshll.u32 v27, $0x3;
	[tilespmem:v25+s26+$0x0] =	vst.idx.msk $0xffff, v10  }
0x68: {  	s18 =	sadd.s32 $0x30, s14;
	v8 =	vshll.u32 v8, $0x3;
	v25 =	vld.idx.msk [tilespmem:v4+s17+$0x10 ss:$0x1], $0xffff;
	v10 =	vshll.u32 v24, $0x3;
	v27 =	vor.u32 v0, v27;
	[tilespmem:v20+s26+$0x0] =	vst.idx.msk $0xffff, v19  }
0x69: {  	v29 =	vor.u32 v0, v8;
	v19 =	vld.idx.msk [tilespmem:v4+s17+$0x20 ss:$0x1], $0xffff;
	v8 =	vmov s18;
	v20 =	vor.u32 $0x6, v27;
	[tilespmem:v22+s26+$0x0] =	vst.idx.msk $0xffff, v11  }
0x6a: {  	v22 =	vor.u32 v0, v10;
	v24 =	vor.u32 $0x4, v27;
	v11 =	vshll.u32 v8, $0x3;
	v30 =	vld.idx.msk [tilespmem:v4+s9+$0x1041 ss:$0x1], $0xffff;
	[tilespmem:v23+s26+$0x0] =	vst.idx.msk $0xffff, v16  }
0x6b: {  	v16 =	vor.u32 v0, v11;
	v10 =	vld.idx.msk [tilespmem:v4+s9+$0x1030 ss:$0x1], $0xffff;
	[tilespmem:v13+s26+$0x0] =	vst.idx.msk $0xffff, v17;
	v13 =	vmov v9;
	v9 =	vor.u32 $0x6, v22  }
0x6c: {  	v17 =	vld.idx.msk [tilespmem:v4+s17+$0x11 ss:$0x1], $0xffff;
	v23 =	vor.u32 $0x4, v16;
	[tilespmem:v12+s26+$0x0] =	vst.idx.msk $0xffff, v14;
	v12 =	vmov v20;
	v8 =	vmov v15  }
0x6d: {  	v14 =	vor.u32 $0x4, v29;
	[tilespmem:v27+s26+$0x0] =	vst.idx.msk $0xffff, v21;
	v11 =	vld.idx.msk [tilespmem:v4+s9+$0x1021 ss:$0x1], $0xffff  }
0x6e: {  	[tilespmem:v29+s26+$0x0] =	vst.idx.msk $0xffff, v25;
	v15 =	vld.idx.msk [tilespmem:v4+s17+$0x21 ss:$0x1], $0xffff  }
0x6f: {  	v20 =	vor.u32 $0x4, v22;
	[tilespmem:v24+s26+$0x0] =	vst.idx.msk $0xffff, v18;
	v18 =	vld.idx.msk [tilespmem:v4+s9+$0x1040 ss:$0x1], $0xffff  }
0x70: {  	v24 =	vor.u32 $0x2, v6;
	[tilespmem:v16+s26+$0x0] =	vst.idx.msk $0xffff, v26;
	v21 =	vld.idx.msk [tilespmem:v4+s9+$0x808 ss:$0x1], $0xffff  }
0x71: {  	v25 =	vor.u32 $0x1, v27;
	[tilespmem:v23+s26+$0x0] =	vst.idx.msk $0xffff, v28;
	v23 =	vld.idx.msk [tilespmem:v4+s9+$0x809 ss:$0x1], $0xffff  }
0x72: {  	[tilespmem:v14+s26+$0x0] =	vst.idx.msk $0xffff, v17;
	v14 =	vld.idx.msk [tilespmem:v4+s17+$0x838 ss:$0x1], $0xffff;
	v17 =	vor.u32 $0x5, v27  }
0x73: {  	v28 =	vor.u32 $0x1, v16;
	v26 =	vld.idx.msk [tilespmem:v4+s17+$0x819 ss:$0x1], $0xffff;
	[tilespmem:v22+s26+$0x0] =	vst.idx.msk $0xffff, v19  }
0x74: {  	v31 =	vld.idx.msk [tilespmem:v4+s17+$0x818 ss:$0x1], $0xffff;
	[tilespmem:v20+s26+$0x0] =	vst.idx.msk $0xffff, v15;
	v20 =	vor.u32 $0x5, v16;
	v15 =	vor.u32 $0x6, v6;
	v6 =	vmov v16  }
0x75: {  	v32 =	vor.u32 $0x1, v29;
	v33 =	vld.idx.msk [tilespmem:v4+s17+$0x829 ss:$0x1], $0xffff;
	[tilespmem:v24+s26+$0x0] =	vst.idx.msk $0xffff, v18  }
0x76: {  	v34 =	vor.u32 $0x5, v29;
	v36 =	vor.u32 $0x1, v22;
	v35 =	vld.idx.msk [tilespmem:v4+s17+$0x828 ss:$0x1], $0xffff;
	[tilespmem:v25+s26+$0x0] =	vst.idx.msk $0xffff, v21  }
0x77: {  	v37 =	vor.u32 $0x5, v22;
	v19 =	vld.idx.msk [tilespmem:v4+s17+$0x839 ss:$0x1], $0xffff;
	[tilespmem:v17+s26+$0x0] =	vst.idx.msk $0xffff, v23  }
0x78: {  	[tilespmem:v28+s26+$0x0] =	vst.idx.msk $0xffff, v14;
	v16 =	vld.idx.msk [tilespmem:v4+s9+$0x1010 ss:$0x1], $0xffff  }
.Ltmp0:
0x79: {  	v24 =	vor.u32 $0x2, v5;
	v14 =	vld.idx.msk [tilespmem:v4+s9+$0x1011 ss:$0x1], $0xffff;
	[tilespmem:v15+s26+$0x0] =	vst.idx.msk $0xffff, v30;
	(pc) =	sbr.rel @p1 .LBB2_3-.Ltmp0, $4  }
0x7a: {  	v25 =	vor.u32 $0x2, v7;
	v7 =	vmov v22;
	[tilespmem:v32+s26+$0x0] =	vst.idx.msk $0xffff, v31;
	v17 =	vld.idx.msk [tilespmem:v4+s9+$0x1031 ss:$0x1], $0xffff;
	s9 =	smov.u32 s17  }
0x7b: {  	v18 =	vld.idx.msk [tilespmem:v4+s17+$0x1 ss:$0x1], $0xffff;
	[tilespmem:v34+s26+$0x0] =	vst.idx.msk $0xffff, v26  }
0x7c: {  	v22 =	vor.u32 $0x6, v5;
	v5 =	vmov v29;
	v15 =	vld.idx.msk [tilespmem:v4+s17+$0x1020 ss:$0x1], $0xffff;
	[tilespmem:v36+s26+$0x0] =	vst.idx.msk $0xffff, v35  }
0x7d: {  	s14 =	sadd.s32 $0x40, s14;
	v23 =	vor.u32 $0x2, v27;
	s17 =	sadd.s32 $0x40, s17;
	v21 =	vld.idx.msk [tilespmem:v4+s9+$0x0 ss:$0x1], $0xffff;
	[tilespmem:v37+s26+$0x0] =	vst.idx.msk $0xffff, v33  }
0x7e: {  	v26 =	vmov s11  }
0x7f: {  	v26 =	vshll.u32 v26, $0x3  }
0x80: {  	v26 =	vor.u32 v0, v26  }
0x81: {  	v27 =	vor.u32 $0x4, v26  }
0x82: {  	[tilespmem:v24+s26+$0x0] =	vst.idx.msk $0xffff, v8  }
0x83: {  	[tilespmem:v25+s26+$0x0] =	vst.idx.msk $0xffff, v10  }
0x84: {  	[tilespmem:v20+s26+$0x0] =	vst.idx.msk $0xffff, v19  }
0x85: {  	[tilespmem:v26+s26+$0x0] =	vst.idx.msk $0xffff, v21  }
0x86: {  	v58 =	vor.u32 $0x2, v5;
	[tilespmem:v27+s26+$0x0] =	vst.idx.msk $0xffff, v18  }
0x87: {  	[tilespmem:v23+s26+$0x0] =	vst.idx.msk $0xffff, v16;
	v52 =	vor.u32 $0x1, v26;
	v51 =	vld.idx.msk [tilespmem:v4+s9+$0x808 ss:$0x1], $0xffff  }
0x88: {  	[tilespmem:v22+s26+$0x0] =	vst.idx.msk $0xffff, v11;
	v54 =	vor.u32 $0x5, v26;
	v53 =	vld.idx.msk [tilespmem:v4+s9+$0x809 ss:$0x1], $0xffff  }
0x89: {  	v59 =	vld.idx.msk [tilespmem:v4+s9+$0x1030 ss:$0x1], $0xffff;
	v7 =	vor.u32 $0x2, v7;
	[tilespmem:v13+s26+$0x0] =	vst.idx.msk $0xffff, v17  }
0x8a: {  	v56 =	vor.u32 $0x2, v6;
	v55 =	vld.idx.msk [tilespmem:v4+s9+$0x1040 ss:$0x1], $0xffff;
	[tilespmem:v12+s26+$0x0] =	vst.idx.msk $0xffff, v14  }
0x8b: {  	v60 =	vld.idx.msk [tilespmem:v4+s9+$0x1021 ss:$0x1], $0xffff;
	v5 =	vor.u32 $0x6, v5;
	[tilespmem:v58+s26+$0x0] =	vst.idx.msk $0xffff, v15  }
0x8c: {  	v62 =	vld.idx.msk [tilespmem:v4+s9+$0x1031 ss:$0x1], $0xffff;
	[tilespmem:v52+s26+$0x0] =	vst.idx.msk $0xffff, v51  }
0x8d: {  	v57 =	vor.u32 $0x6, v6;
	v20 =	vld.idx.msk [tilespmem:v4+s9+$0x1041 ss:$0x1], $0xffff;
	[tilespmem:v54+s26+$0x0] =	vst.idx.msk $0xffff, v53  }
0x8e: {  	v61 =	vor.u32 $0x2, v26;
	[tilespmem:v7+s26+$0x0] =	vst.idx.msk $0xffff, v59;
	v10 =	vld.idx.msk [tilespmem:v4+s9+$0x1010 ss:$0x1], $0xffff  }
0x8f: {  	s28 =	sshll.u32 s15, $0xE;
	s15 =	sadd.s32 $0x1, s15;
	v63 =	vor.u32 $0x6, v26;
	[tilespmem:v56+s26+$0x0] =	vst.idx.msk $0xffff, v55;
	v4 =	vld.idx.msk [tilespmem:v4+s9+$0x1011 ss:$0x1], $0xffff  }
0x90: {  	p1 =	sne.s32 s15, $0x30;
	[tilespmem:v5+s26+$0x0] =	vst.idx.msk $0xffff, v60  }
.Ltmp1:
0x91: {  	[tilespmem:v9+s26+$0x0] =	vst.idx.msk $0xffff, v62;
	(pc) =	sbr.rel @p1 .LBB2_2-.Ltmp1, $4  }
0x92: {  	[tilespmem:v57+s26+$0x0] =	vst.idx.msk $0xffff, v20;
	s9 =	sadd.s32 s16, s28  }
0x93: {  	s2 =	sshll.u32 s2, $0x3;
	p0 =	por !p0, !p0;
	s9 =	sshrl.u32 s9, $0x3;
	[tilespmem:v61+s26+$0x0] =	vst.idx.msk $0xffff, v10  }
0x94: {  	s13 =	sadd.s32 $0x1818, s13;
	s2 =	sadd.s32 $0x4848, s2;
	s9 =	sadd.s32 s9, s3;
	[tilespmem:v63+s26+$0x0] =	vst.idx.msk $0xffff, v4  }
0x95: {  	[hbm4b:s9+s4] =	stream.linear.scatter [tilespmem:s2], [sflag:$0x3], $0x4000, $0x38;
	[tilespmem:$0x1ECC8] =	vst v63  }
0x96: {  	s2 =	simm.s32 $0x3  }
0x97: {  	_ =	swait.ge [sflag:s2], $0x4000  }
0x98: {  	[sflag:s2] =	ssyncset.done $0x0  }
0x99: {  	[sflag:s2] =	ssyncadd.s32 $0xFFFFC000  }
0x9a: {  	_ =	swait.ge [sflag:s2], $0x4000  }
0x9b: {  	[sflag:s2] =	ssyncset.done $0x0  }
0x9c: {  	[sflag:s2] =	ssyncadd.s32 $0xFFFFC000  }
0x9d: {  	[bflag:$0x0] =	sbarrier.arrive $0xFFFF  }
0x9e: {  	s9 =	simm.s32 $0xC848;
	s13 =	rddreg [dreg:$0x9]  }
0x9f: {  	[tilespmem:s9], [sflag:$0x4] =	stream.linear.gather [hbm4b:s13+s4], $0x5A0, $0x38;
	[tilespmem:$0x1ECC8] =	vst v63  }
0xa0: {  	s15 =	simm.s32 $0xCDE8;
	s14 =	rddreg [dreg:$0xb]  }
0xa1: {  	[tilespmem:s15], [sflag:$0x4] =	stream.linear.gather [hbm4b:s14+s4], $0x5A0, $0x38;
	[tilespmem:$0x1ECC8] =	vst v63  }
0xa2: {  	s18 =	simm.s32 $0xD388;
	s17 =	rddreg [dreg:$0xc]  }
0xa3: {  	[tilespmem:s18], [sflag:$0x4] =	stream.linear.gather [hbm4b:s17+s4], $0x5A0, $0x38;
	[tilespmem:$0x1ECC8] =	vst v63  }
0xa4: {  	_ =	swait.ge [sflag:s29], $0x10E0  }
0xa5: {  	[sflag:s29] =	ssyncset.done $0x0  }
0xa6: {  	s20 =	simm.s32 $0xD928;
	s19 =	rddreg [dreg:$0xd];
	[sflag:s29] =	ssyncadd.s32 $0xFFFFEF20  }
0xa7: {  	[tilespmem:s20], [sflag:$0x4] =	stream.linear.gather [hbm4b:s19+s4], $0x5A0, $0x38;
	[tilespmem:$0x1ECC8] =	vst v63  }
0xa8: {  	s22 =	simm.s32 $0xDEC8;
	s21 =	rddreg [dreg:$0xe]  }
0xa9: {  	[tilespmem:s22], [sflag:$0x4] =	stream.linear.gather [hbm4b:s21+s4], $0x5A0, $0x38;
	[tilespmem:$0x1ECC8] =	vst v63  }
0xaa: {  	s24 =	simm.s32 $0xE468;
	s25 =	simm.s32 $0xCDF8;
	s23 =	rddreg [dreg:$0xf]  }
0xab: {  	[tilespmem:s24], [sflag:$0x4] =	stream.linear.gather [hbm4b:s23+s4], $0x5A0, $0x38;
	[tilespmem:$0x1ECC8] =	vst v63  }
0xac: {  	v4 =	vld [tilespmem:s25+$0xFFFFFA60]  }
0xad: {  	v5 =	vld [tilespmem:s25+$0x0]  }
0xae: {  	v6 =	vld [tilespmem:s25+$0x5A0]  }
0xaf: {  	v7 =	vld [tilespmem:s25+$0xFFFFFFF0]  }
0xb0: {  	v8 =	vld [tilespmem:s25+$0xFFFFFA50]  }
0xb1: {  	v9 =	vld [tilespmem:s25+$0x590]  }
0xb2: {  	s28 =	simm.s32 $0xCE18  }
0xb3: {  	v19 =	vld [tilespmem:s28+$0xFFFFFA50];
	v10 =	vand.u32 $0x7FFFFFFF, v4  }
0xb4: {  	v20 =	vld [tilespmem:s28+$0x590];
	v11 =	vand.u32 $0x7FFFFFFF, v5;
	v12 =	vand.u32 $0x7FFFFFFF, v6;
	v14 =	vand.u32 $0x7FFFFFFF, v7  }
0xb5: {  	vm3 =	vge.f32 v7, $0.0e+00;
	v15 =	vand.u32 $0x7FFFFFFF, v8;
	vm4 =	vge.f32 v8, $0.0e+00  }
0xb6: {  	v16 =	vand.u32 $0x7FFFFFFF, v9;
	vm2 =	vge.f32 v9, $0.0e+00;
	vm5 =	vge.f32 v5, $0.0e+00  }
0xb7: {  	v5 =	vsub.f32 $0.0e+00, v5;
	vm8 =	vge.f32 v4, $0.0e+00;
	vm7 =	vge.f32 v6, $0.0e+00  }
0xb8: {  	v7 =	vsub.f32 $0.0e+00, v7;
	v24 =	vand.u32 $0x7FFFFFFF, v19;
	v13 =	vmax.f32 v10, v11  }
0xb9: {  	v47 =	vand.u32 $0x7FFFFFFF, v20;
	v52 =	vsub.f32 $0.0e+00, v20;
	v13 =	vmax.f32 v13, v12  }
0xba: {  	v53 =	vsub.f32 $0.0e+00, v19;
	v17 =	vmax.f32 v15, v14;
	v13 =	vmax.f32 v13, $9.999999960e-13  }
0xbb: {  	vm0 =	vge.f32 v15, v14;
	vm1 =	vge.f32 v15, v16;
	(erf) = vrcp.f32 v13  }
0xbc: {  	vm13 =	vge.f32 v14, v16;
	v14 =	vsub.f32 $0.0e+00, v8;
	vm6 =	vge.f32 v10, v11  }
0xbd: {  	v43 =	vld [tilespmem:s28+$0xFFFFFFF0];
	vm9 =	vge.f32 v10, v12;
	vm14 =	vge.f32 v11, v12;
	v10 =	vsub.f32 $0.0e+00, v6  }
0xbe: {  	vm8 =	vmneg vm8;
	v11 =	vsub.f32 $0.0e+00, v4;
	vm0 =	vmneg vm0  }
0xbf: {  	vm1 =	vmneg vm1;
	vm6 =	vmneg vm6;
	vm9 =	vmneg vm9  }
0xc0: {  	vm4 =	vmneg vm4;
	vm0 =	vmor vm0, vm1;
	vm6 =	vmor vm6, vm9  }
0xc1: {  	v15 =	vsel vm5, v6, v10;
	v6 =	vsel vm8, v6, v10;
	v13 =	vmax.f32 v17, v16  }
0xc2: {  	vm1 =	vmand vm13, vm0;
	vm9 =	vmand vm14, vm6;
	v16 =	vsub.f32 $0.0e+00, v43  }
0xc3: {  	v13 =	vmax.f32 v13, $9.999999960e-13;
	vm10 =	vmor vm9, vm7;
	v5 =	vsel vm9, v15, v5  }
0xc4: {  	vm15 =	vmor vm1, vm2;
	(erf) = vrcp.f32 v13;
	v13 =	vsub.f32 $0.0e+00, v9;
	v12 =	vpop (erf)  }
0xc5: {  	v15 =	vld [tilespmem:s28+$0x5A0];
	v4 =	vsel vm10, v4, v11;
	v8 =	vsel vm15, v8, v14;
	v12 =	vmul.f32 $2.560000000e+02, v12  }
0xc6: {  	v14 =	vsel vm8, $0x1, v1;
	vm8 =	vge.f32 v24, v47;
	v4 =	vsel vm6, v4, v6  }
0xc7: {  	v10 =	vsel vm4, v9, v13;
	v9 =	vsel vm3, v9, v13;
	v5 =	vmul.f32 v12, v5  }
0xc8: {  	v13 =	vsel vm7, $0x4, v3;
	v8 =	vsel vm0, v8, v10;
	v4 =	vmul.f32 v4, v12  }
0xc9: {  	v7 =	vsel vm1, v9, v7;
	v10 =	vsel vm3, $0x2, v2;
	v5 =	vadd.f32 $2.555000000e+02, v5  }
0xca: {  	vm3 =	vge.f32 v19, $0.0e+00;
	v23 =	vand.u32 $0x7FFFFFFF, v15;
	v4 =	vadd.f32 $2.555000000e+02, v4  }
0xcb: {  	v49 =	vsub.f32 $0.0e+00, v15;
	vm3 =	vmneg vm3;
	v9 =	vtrunc.f32 v5  }
0xcc: {  	v12 =	vsel vm5, $0x2, v2;
	v11 =	vtrunc.f32 v4;
	v9 =	vcvt.f32.s32 v9  }
0xcd: {  	v55 =	vsel vm3, v20, v52;
	v6 =	vpop (erf);
	v12 =	vsel vm9, v12, v13;
	v11 =	vcvt.f32.s32 v11  }
0xce: {  	v6 =	vmul.f32 $2.560000000e+02, v6;
	v12 =	vsel vm6, v12, v14;
	vm11 =	vgt.s32 v9, $0x0  }
0xcf: {  	v12 =	vshll.u32 v12, $0x12;
	vm12 =	vgt.s32 v11, $0x0;
	v9 =	vnsel vm11, $0x0, v9  }
0xd0: {  	v4 =	vmax.f32 v4, $0.0e+00;
	v11 =	vnsel vm12, $0x0, v11;
	v9 =	vmin.u32 v9, $0x1FE  }
0xd1: {  	v5 =	vmax.f32 v5, $0.0e+00;
	v11 =	vmin.u32 v11, $0x1FE;
	v13 =	vshll.u32 v9, $0x9  }
0xd2: {  	v4 =	vmin.f32 v4, $5.110000000e+02;
	v14 =	vcvt.s32.f32 v11;
	v12 =	vor.u32 v12, v13  }
0xd3: {  	v5 =	vmin.f32 v5, $5.110000000e+02;
	v9 =	vcvt.s32.f32 v9;
	v11 =	vor.u32 v11, v12  }
0xd4: {  	v13 =	vld [tilespmem:s28+$0xFFFFFA60];
	v12 =	vsub.f32 v4, v14;
	v4 =	vmul.f32 v8, v6;
	v8 =	vsel vm2, $0x4, v3  }
0xd5: {  	v6 =	vmul.f32 v6, v7;
	v7 =	vsel vm4, $0x1, v1;
	v8 =	vsel vm1, v10, v8;
	v10 =	vld [tilespmem:s28+$0x0]  }
0xd6: {  	v9 =	vsub.f32 v5, v9;
	vm4 =	vge.f32 v43, $0.0e+00;
	vm2 =	vge.f32 v20, $0.0e+00  }
0xd7: {  	v14 =	vadd.s32 $0x200, v11;
	v4 =	vadd.f32 $2.555000000e+02, v4;
	v6 =	vadd.f32 $2.555000000e+02, v6  }
0xd8: {  	vm1 =	vmneg vm8;
	v20 =	vsel vm4, v20, v52;
	v5 =	vsel vm0, v8, v7  }
0xd9: {  	v7 =	vtrunc.f32 v4;
	v8 =	vtrunc.f32 v6;
	v4 =	vmax.f32 v4, $0.0e+00  }
0xda: {  	v21 =	vand.u32 $0x7FFFFFFF, v13;
	v18 =	vcvt.f32.s32 v8;
	v22 =	vand.u32 $0x7FFFFFFF, v10  }
0xdb: {  	v6 =	vmax.f32 v6, $0.0e+00;
	v8 =	vshll.u32 v5, $0x12;
	v5 =	vmax.f32 v21, v22  }
0xdc: {  	v48 =	vsub.f32 $0.0e+00, v13;
	vm14 =	vgt.s32 v18, $0x0;
	v46 =	vmax.f32 v5, v23  }
0xdd: {  	v44 =	vcvt.f32.s32 v7;
	v45 =	vnsel vm14, $0x0, v18;
	v18 =	vmax.f32 v46, $9.999999960e-13  }
0xde: {  	v7 =	vmin.f32 v4, $5.110000000e+02;
	vm11 =	vge.f32 v21, v23;
	(erf) = vrcp.f32 v18  }
0xdf: {  	v4 =	vmin.f32 v6, $5.110000000e+02;
	vm7 =	vmneg vm11;
	vm6 =	vge.f32 v10, $0.0e+00  }
0xe0: {  	v10 =	vsub.f32 $0.0e+00, v10;
	vm13 =	vgt.s32 v44, $0x0;
	vm10 =	vge.f32 v21, v22  }
0xe1: {  	v51 =	vsel vm6, v15, v49;
	v6 =	vnsel vm13, $0x0, v44;
	vm12 =	vmneg vm10  }
0xe2: {  	vm13 =	vge.f32 v22, v23;
	v5 =	vmin.u32 v6, $0x1FE;
	v6 =	vand.u32 $0x7FFFFFFF, v43  }
0xe3: {  	vm14 =	vge.f32 v15, $0.0e+00;
	vm5 =	vmor vm12, vm7;
	vm15 =	vge.f32 v24, v6  }
0xe4: {  	v24 =	vmax.f32 v24, v6;
	vm9 =	vge.f32 v6, v47;
	vm7 =	vmand vm13, vm5  }
0xe5: {  	v18 =	vmax.f32 v24, v47;
	vm0 =	vmneg vm15;
	vm15 =	vge.f32 v13, $0.0e+00  }
0xe6: {  	vm12 =	vmor vm7, vm14;
	v18 =	vmax.f32 v18, $9.999999960e-13;
	vm0 =	vmor vm0, vm1  }
0xe7: {  	v13 =	vsel vm12, v13, v48;
	vm1 =	vmand vm9, vm0;
	vm9 =	vmneg vm15;
	v50 =	vpop (erf)  }
0xe8: {  	(erf) = vrcp.f32 v18;
	v15 =	vsel vm9, v15, v49;
	v18 =	vmul.f32 $2.560000000e+02, v50  }
0xe9: {  	v57 =	vsel vm4, $0x2, v2;
	v10 =	vsel vm7, v51, v10;
	v13 =	vsel vm5, v13, v15  }
0xea: {  	v59 =	vsel vm6, $0x2, v2;
	v10 =	vmul.f32 v18, v10;
	v13 =	vmul.f32 v13, v18  }
0xeb: {  	v17 =	vmin.u32 v45, $0x1FE;
	v60 =	vsel vm14, $0x4, v3;
	v25 =	vcvt.s32.f32 v5  }
0xec: {  	v6 =	vcvt.s32.f32 v17;
	v10 =	vadd.f32 $2.555000000e+02, v10;
	v13 =	vadd.f32 $2.555000000e+02, v13  }
0xed: {  	v22 =	vsel vm7, v59, v60;
	vm13 =	vmor vm1, vm2;
	v61 =	vsel vm9, $0x1, v1  }
0xee: {  	v54 =	vsel vm13, v19, v53;
	v56 =	vtrunc.f32 v10;
	v58 =	vtrunc.f32 v13  }
0xef: {  	v22 =	vsel vm5, v22, v61;
	v19 =	vcvt.f32.s32 v56;
	v21 =	vcvt.f32.s32 v58  }
0xf0: {  	v63 =	vshll.u32 v17, $0x9;
	v16 =	vsel vm1, v20, v16;
	v22 =	vshll.u32 v22, $0x12  }
0xf1: {  	v15 =	vpop (erf);
	v18 =	vsel vm0, v54, v55;
	vm14 =	vgt.s32 v19, $0x0;
	vm15 =	vgt.s32 v21, $0x0  }
0xf2: {  	s9 =	simm.s32 $0xEA18;
	v15 =	vmul.f32 $2.560000000e+02, v15;
	v19 =	vnsel vm14, $0x0, v19;
	v21 =	vnsel vm15, $0x0, v21  }
0xf3: {  	s13 =	simm.s32 $0xF558;
	[tilespmem:s9+$0x0] =	vst v11;
	v13 =	vmax.f32 v13, $0.0e+00;
	v19 =	vmin.u32 v19, $0x1FE;
	v11 =	vmin.u32 v21, $0x1FE  }
0xf4: {  	s15 =	simm.s32 $0x10098;
	[tilespmem:s13+$0x0] =	vst v14;
	v10 =	vmax.f32 v10, $0.0e+00;
	v62 =	vshll.u32 v19, $0x9;
	v14 =	vcvt.s32.f32 v11  }
0xf5: {  	s17 =	simm.s32 $0x10BD8;
	[tilespmem:s15+$0x0] =	vst v12;
	v12 =	vmin.f32 v13, $5.110000000e+02;
	v10 =	vmin.f32 v10, $5.110000000e+02;
	v21 =	vor.u32 v22, v62  }
0xf6: {  	s18 =	simm.s32 $0xEA38;
	[tilespmem:s17+$0x0] =	vst v9;
	v13 =	vcvt.s32.f32 v19;
	v11 =	vor.u32 v11, v21;
	v9 =	vsub.f32 v12, v14  }
0xf7: {  	s14 =	simm.s32 $0xF578;
	v14 =	vmul.f32 v15, v16;
	v12 =	vadd.s32 $0x200, v11;
	[tilespmem:s18+$0x0] =	vst v11;
	v11 =	vmul.f32 v18, v15  }
0xf8: {  	s19 =	simm.s32 $0x100B8;
	v15 =	vsub.f32 v10, v13;
	v10 =	vsel vm2, $0x4, v3;
	[tilespmem:s14+$0x0] =	vst v12;
	v12 =	vsel vm3, $0x1, v1  }
0xf9: {  	s11 =	simm.s32 $0x10BF8;
	[tilespmem:s19+$0x0] =	vst v9;
	v9 =	vsel vm1, v57, v10;
	v13 =	vadd.f32 $2.555000000e+02, v11;
	v10 =	vadd.f32 $2.555000000e+02, v14  }
0xfa: {  	s12 =	simm.s32 $0xCE38;
	s20 =	simm.s32 $0x2;
	v11 =	vsub.f32 v7, v25;
	[tilespmem:s11+$0x0] =	vst v15;
	v12 =	vsel vm0, v9, v12;
	v9 =	vor.u32 v8, v63  }
.LBB2_6:
0xfb: {  	v14 =	vld [tilespmem:s12+$0xFFFFFA60];
	v7 =	vtrunc.f32 v13;
	v8 =	vtrunc.f32 v10;
	v13 =	vmax.f32 v13, $0.0e+00  }
0xfc: {  	v15 =	vld [tilespmem:s12+$0x0];
	v16 =	vcvt.f32.s32 v7;
	v17 =	vcvt.f32.s32 v8;
	v8 =	vmax.f32 v10, $0.0e+00  }
0xfd: {  	v7 =	vmin.f32 v13, $5.110000000e+02;
	v18 =	vld [tilespmem:s12+$0x5A0];
	v10 =	vmin.f32 v8, $5.110000000e+02;
	v8 =	vshll.u32 v12, $0x12  }
0xfe: {  	s20 =	sadd.s32 $0x2, s20;
	v13 =	vsub.f32 v4, v6;
	v12 =	vld [tilespmem:s12+$0xFFFFFFF0];
	vm0 =	vgt.s32 v16, $0x0;
	vm1 =	vgt.s32 v17, $0x0;
	v4 =	vmovc v10  }
0xff: {  	v9 =	vor.u32 v5, v9;
	p0 =	slt.u32 s20, $0x58;
	v19 =	vld [tilespmem:s12+$0xFFFFFA50];
	v6 =	vnsel vm0, $0x0, v16;
	v10 =	vnsel vm1, $0x0, v17  }
0x100: {  	v16 =	vld [tilespmem:s12+$0x590];
	v5 =	vmin.u32 v6, $0x1FE;
	v10 =	vmin.u32 v10, $0x1FE;
	[tilespmem:s9+$0xFFFFFFF0] =	vst v9;
	v6 =	vadd.s32 $0x200, v9;
	s9 =	smov.u32 s18  }
0x101: {  	v17 =	vand.u32 $0x7FFFFFFF, v14;
	v20 =	vand.u32 $0x7FFFFFFF, v15;
	v9 =	vcvt.s32.f32 v5;
	[tilespmem:s13+$0xFFFFFFF0] =	vst v6;
	s13 =	smov.u32 s14  }
0x102: {  	v6 =	vcvt.s32.f32 v10;
	v21 =	vand.u32 $0x7FFFFFFF, v18;
	v22 =	vmax.f32 v17, v20;
	[tilespmem:s15+$0xFFFFFFF0] =	vst v11;
	s15 =	smov.u32 s19  }
0x103: {  	v11 =	vand.u32 $0x7FFFFFFF, v12;
	vm3 =	vge.f32 v12, $0.0e+00;
	v22 =	vmax.f32 v22, v21;
	[tilespmem:s17+$0xFFFFFFF0] =	vst v13;
	s17 =	smov.u32 s11  }
0x104: {  	v13 =	vand.u32 $0x7FFFFFFF, v19;
	vm4 =	vge.f32 v19, $0.0e+00;
	v22 =	vmax.f32 v22, $9.999999960e-13  }
0x105: {  	v23 =	vand.u32 $0x7FFFFFFF, v16;
	v24 =	vmax.f32 v13, v11;
	(erf) = vrcp.f32 v22  }
0x106: {  	vm0 =	vge.f32 v13, v11;
	vm1 =	vge.f32 v13, v23;
	v13 =	vmax.f32 v24, v23  }
0x107: {  	vm0 =	vmneg vm0;
	vm1 =	vmneg vm1;
	v13 =	vmax.f32 v13, $9.999999960e-13  }
0x108: {  	vm0 =	vmor vm0, vm1;
	vm1 =	vge.f32 v11, v23;
	(erf) = vrcp.f32 v13  }
0x109: {  	vm2 =	vge.f32 v16, $0.0e+00;
	v11 =	vsub.f32 $0.0e+00, v16;
	vm1 =	vmand vm1, vm0  }
0x10a: {  	vm5 =	vge.f32 v15, $0.0e+00;
	v15 =	vsub.f32 $0.0e+00, v15;
	v13 =	vsub.f32 $0.0e+00, v19  }
0x10b: {  	vm8 =	vge.f32 v14, $0.0e+00;
	vm6 =	vge.f32 v17, v20;
	vm9 =	vge.f32 v17, v21  }
0x10c: {  	vm7 =	vge.f32 v18, $0.0e+00;
	vm6 =	vmneg vm6;
	vm9 =	vmneg vm9  }
0x10d: {  	v17 =	vsub.f32 $0.0e+00, v18;
	vm6 =	vmor vm6, vm9;
	vm9 =	vge.f32 v20, v21  }
0x10e: {  	vm8 =	vmneg vm8;
	v20 =	vsub.f32 $0.0e+00, v14;
	vm9 =	vmand vm9, vm6;
	v21 =	vpop (erf)  }
0x10f: {  	v22 =	vsel vm5, v18, v17;
	vm10 =	vmor vm9, vm7;
	v21 =	vmul.f32 $2.560000000e+02, v21  }
0x110: {  	v18 =	vsel vm8, v18, v17;
	v15 =	vsel vm9, v22, v15;
	v14 =	vsel vm10, v14, v20  }
0x111: {  	v14 =	vsel vm6, v14, v18;
	vm10 =	vmor vm1, vm2;
	v15 =	vmul.f32 v21, v15;
	v17 =	vpop (erf)  }
0x112: {  	v12 =	vsub.f32 $0.0e+00, v12;
	vm4 =	vmneg vm4;
	v14 =	vmul.f32 v14, v21  }
0x113: {  	v13 =	vsel vm10, v19, v13;
	v17 =	vmul.f32 $2.560000000e+02, v17;
	v15 =	vadd.f32 $2.555000000e+02, v15  }
0x114: {  	v18 =	vsel vm4, v16, v11;
	v11 =	vsel vm3, v16, v11;
	v14 =	vadd.f32 $2.555000000e+02, v14  }
0x115: {  	v11 =	vsel vm1, v11, v12;
	v13 =	vsel vm0, v13, v18;
	v12 =	vtrunc.f32 v15  }
0x116: {  	v16 =	vsel vm3, $0x2, v2;
	v18 =	vtrunc.f32 v14;
	v12 =	vcvt.f32.s32 v12  }
0x117: {  	v20 =	vsel vm7, $0x4, v3;
	v19 =	vsel vm5, $0x2, v2;
	v18 =	vcvt.f32.s32 v18  }
0x118: {  	v19 =	vsel vm9, v19, v20;
	v21 =	vsel vm8, $0x1, v1;
	vm3 =	vgt.s32 v12, $0x0  }
0x119: {  	v19 =	vsel vm6, v19, v21;
	vm5 =	vgt.s32 v18, $0x0;
	v12 =	vnsel vm3, $0x0, v12  }
0x11a: {  	v19 =	vshll.u32 v19, $0x12;
	v18 =	vnsel vm5, $0x0, v18;
	v12 =	vmin.u32 v12, $0x1FE  }
0x11b: {  	v14 =	vmax.f32 v14, $0.0e+00;
	v18 =	vmin.u32 v18, $0x1FE;
	v20 =	vshll.u32 v12, $0x9  }
0x11c: {  	v15 =	vmax.f32 v15, $0.0e+00;
	v21 =	vcvt.s32.f32 v18;
	v19 =	vor.u32 v19, v20  }
0x11d: {  	s18 =	sadd.s32 $0x20, s18;
	v14 =	vmin.f32 v14, $5.110000000e+02;
	v12 =	vcvt.s32.f32 v12;
	v18 =	vor.u32 v18, v19  }
.Ltmp2:
0x11e: {  	s14 =	sadd.s32 $0x20, s14;
	v15 =	vmin.f32 v15, $5.110000000e+02;
	v14 =	vsub.f32 v14, v21;
	[tilespmem:s18+$0x0] =	vst v18;
	v18 =	vadd.s32 $0x200, v18;
	(pc) =	sbr.rel @p0 .LBB2_6-.Ltmp2, $4  }
0x11f: {  	s19 =	sadd.s32 $0x20, s19;
	v13 =	vmul.f32 v13, v17;
	v11 =	vmul.f32 v17, v11;
	v12 =	vsub.f32 v15, v12;
	[tilespmem:s14+$0x0] =	vst v18  }
0x120: {  	s11 =	sadd.s32 $0x20, s11;
	v17 =	vsel vm2, $0x4, v3;
	v15 =	vsel vm4, $0x1, v1;
	[tilespmem:s19+$0x0] =	vst v14;
	v14 =	vshll.u32 v10, $0x9  }
0x121: {  	v16 =	vsel vm1, v16, v17;
	v13 =	vadd.f32 $2.555000000e+02, v13;
	v10 =	vadd.f32 $2.555000000e+02, v11;
	[tilespmem:s11+$0x0] =	vst v12  }
0x122: {  	s12 =	sadd.s32 $0x20, s12;
	v11 =	vsub.f32 v7, v9;
	v12 =	vsel vm0, v16, v15;
	v9 =	vor.u32 v8, v14  }
0x123: {  	v7 =	vtrunc.f32 v10  }
0x124: {  	v8 =	vtrunc.f32 v13;
	v7 =	vcvt.f32.s32 v7  }
0x125: {  	v8 =	vcvt.f32.s32 v8  }
0x126: {  	v58 =	vmax.f32 v13, $0.0e+00;
	v12 =	vshll.u32 v12, $0x12;
	vm0 =	vgt.s32 v7, $0x0  }
0x127: {  	v5 =	vor.u32 v5, v9;
	vm1 =	vgt.s32 v8, $0x0;
	v7 =	vnsel vm0, $0x0, v7  }
0x128: {  	[tilespmem:s9+$0xFFFFFFF0] =	vst v5;
	v5 =	vadd.s32 $0x200, v5;
	v8 =	vnsel vm1, $0x0, v8;
	v7 =	vmin.u32 v7, $0x1FE  }
0x129: {  	v4 =	vsub.f32 v4, v6;
	[tilespmem:s13+$0xFFFFFFF0] =	vst v5;
	v59 =	vmin.u32 v8, $0x1FE;
	v5 =	vshll.u32 v7, $0x9  }
0x12a: {  	v60 =	vmax.f32 v10, $0.0e+00;
	[tilespmem:s15+$0xFFFFFFF0] =	vst v11;
	v61 =	vcvt.s32.f32 v59;
	v5 =	vor.u32 v12, v5  }
0x12b: {  	v62 =	vmin.f32 v58, $5.110000000e+02;
	[tilespmem:s17+$0xFFFFFFF0] =	vst v4;
	v7 =	vcvt.s32.f32 v7;
	v4 =	vor.u32 v59, v5  }
0x12c: {  	v5 =	vmin.f32 v60, $5.110000000e+02;
	v63 =	vsub.f32 v62, v61;
	[tilespmem:s18+$0xFFFFFFF0] =	vst v4;
	v4 =	vadd.s32 $0x200, v4  }
0x12d: {  	v5 =	vsub.f32 v5, v7;
	[tilespmem:s14+$0xFFFFFFF0] =	vst v4  }
0x12e: {  	[tilespmem:s19+$0xFFFFFFF0] =	vst v63  }
0x12f: {  	s2 =	simm.s32 $0xEA08;
	[tilespmem:s11+$0xFFFFFFF0] =	vst v5  }
0x130: {  	[tilespmem:s30], [sflag:$0x1] =	stream.indirect.gather [hbm4b:s3+s31], $0x8, s2, s31, $0xb8;
	[tilespmem:$0x1ECC8] =	vst v63  }
0x131: {  	s22 =	simm.s32 $0xF548  }
0x132: {  	[tilespmem:s10], [sflag:$0x1] =	stream.indirect.gather [hbm4b:s3+s31], $0x8, s22, s31, $0xb8;
	[tilespmem:$0x1ECC8] =	vst v63  }
0x133: {  	s23 =	simm.s32 $0xECD8;
	s24 =	simm.s32 $0x12D88;
	s25 =	simm.s32 $0xF818  }
0x134: {  	[tilespmem:s24], [sflag:$0x1] =	stream.indirect.gather [hbm4b:s3+s31], $0x8, s23, s31, $0xb8;
	[tilespmem:$0x1ECC8] =	vst v63  }
0x135: {  	s28 =	simm.s32 $0x18788;
	p0 =	por $0x1, $0x1;
	s15 =	simm.s32 $0x1  }
0x136: {  	[tilespmem:s28], [sflag:$0x1] =	stream.indirect.gather [hbm4b:s3+s31], $0x8, s25, s31, $0xb8;
	[tilespmem:$0x1ECC8] =	vst v63  }
.LBB2_8:
0x137: {  	s13 =	sadd.s32 $0x1, s15;
	p1 =	seq.s32 s15, $0x2C  }
0x138: {  	s2 =	smul.u32 @!p1 $0x5A0, s13;
	s9 =	sand.u32 @!p1 $0x1, s13  }
0x139: {  	s14 =	rddreg [dreg:$0x1];
	p2 =	seq.s32 @!p1 s9, $0x1  }
0x13a: {  	s11 =	simm.s32 @!p1 $0x10E0;
	s2 =	sadd.s32 @!p1 s7, s2;
	p2 =	por !p2, p1  }
0x13b: {  	s9 =	simm.s32 $0x1;
	s11 =	simm.s32 @p2 $0x0;
	s2 =	sshrl.u32 @!p1 s2, $0x3  }
0x13c: {  	s12 =	sadd.s32 @!p1 $0xC848, s11;
	s2 =	sadd.s32 @!p1 s14, s2;
	s14 =	simm.s32 @!p1 $0x0  }
0x13d: {  	[tilespmem:s12], [sflag:$0x4] =	stream.linear.gather @!p1 [hbm4b:s2+s14], $0x5A0, $0x38;
	[tilespmem:$0x1ECC8] =	vst v63  }
0x13e: {  	s9 =	simm.s32 @!p0 $0x0;
	s12 =	sadd.s32 @!p1 $0xCDE8, s11;
	s17 =	sadd.s32 @!p1 $0x3F480, s2  }
0x13f: {  	[tilespmem:s12], [sflag:$0x4] =	stream.linear.gather @!p1 [hbm4b:s17+s14], $0x5A0, $0x38;
	[tilespmem:$0x1ECC8] =	vst v63  }
0x140: {  	s25 =	smul.u32 $0x4380, s9;
	s11 =	sadd.s32 @!p1 $0xD388, s11;
	s2 =	sadd.s32 @!p1 $0x7E900, s2  }
0x141: {  	[tilespmem:s11], [sflag:$0x4] =	stream.linear.gather @!p1 [hbm4b:s2+s14], $0x5A0, $0x38;
	[tilespmem:$0x1ECC8] =	vst v63  }
0x142: {  	_ =	swait.ge [sflag:s29], $0x10E0  }
0x143: {  	s17 =	sshrl.u32 s25, $0x2;
	[sflag:s29] =	ssyncset.done $0x0  }
0x144: {  	s2 =	sadd.s32 $0xCDF8, s17;
	[sflag:s29] =	ssyncadd.s32 $0xFFFFEF20  }
0x145: {  	v4 =	vld [tilespmem:s2+$0xFFFFFA60]  }
0x146: {  	v5 =	vld [tilespmem:s2+$0x0]  }
0x147: {  	v6 =	vld [tilespmem:s2+$0x5A0]  }
0x148: {  	v7 =	vld [tilespmem:s2+$0xFFFFFFF0]  }
0x149: {  	v8 =	vld [tilespmem:s2+$0xFFFFFA50]  }
0x14a: {  	v9 =	vld [tilespmem:s2+$0x590];
	_ =	sdelay $0x1  }
0x14b: {  	v10 =	vand.u32 $0x7FFFFFFF, v4  }
0x14c: {  	v11 =	vand.u32 $0x7FFFFFFF, v5;
	v12 =	vand.u32 $0x7FFFFFFF, v6;
	v14 =	vand.u32 $0x7FFFFFFF, v7  }
0x14d: {  	vm3 =	vge.f32 v7, $0.0e+00;
	v15 =	vand.u32 $0x7FFFFFFF, v8;
	vm4 =	vge.f32 v8, $0.0e+00  }
0x14e: {  	v16 =	vand.u32 $0x7FFFFFFF, v9;
	vm2 =	vge.f32 v9, $0.0e+00;
	vm5 =	vge.f32 v5, $0.0e+00  }
0x14f: {  	s2 =	sadd.s32 $0x20, s2;
	v5 =	vsub.f32 $0.0e+00, v5;
	vm8 =	vge.f32 v4, $0.0e+00;
	vm7 =	vge.f32 v6, $0.0e+00  }
0x150: {  	v19 =	vld [tilespmem:s2+$0xFFFFFA50];
	v7 =	vsub.f32 $0.0e+00, v7;
	v13 =	vmax.f32 v10, v11;
	v17 =	vmax.f32 v15, v14  }
0x151: {  	v20 =	vld [tilespmem:s2+$0x590];
	vm0 =	vge.f32 v15, v14;
	vm1 =	vge.f32 v15, v16;
	v13 =	vmax.f32 v13, v12  }
0x152: {  	vm13 =	vge.f32 v14, v16;
	v14 =	vsub.f32 $0.0e+00, v8;
	v13 =	vmax.f32 v13, $9.999999960e-13  }
0x153: {  	vm6 =	vge.f32 v10, v11;
	vm9 =	vge.f32 v10, v12;
	(erf) = vrcp.f32 v13  }
0x154: {  	vm14 =	vge.f32 v11, v12;
	v10 =	vsub.f32 $0.0e+00, v6;
	vm8 =	vmneg vm8  }
0x155: {  	v43 =	vld [tilespmem:s2+$0xFFFFFFF0];
	v11 =	vsub.f32 $0.0e+00, v4;
	vm4 =	vmneg vm4;
	v24 =	vand.u32 $0x7FFFFFFF, v19  }
0x156: {  	v47 =	vand.u32 $0x7FFFFFFF, v20;
	v52 =	vsub.f32 $0.0e+00, v20;
	vm0 =	vmneg vm0  }
0x157: {  	vm1 =	vmneg vm1;
	vm6 =	vmneg vm6;
	vm9 =	vmneg vm9  }
0x158: {  	v53 =	vsub.f32 $0.0e+00, v19;
	vm0 =	vmor vm0, vm1;
	vm6 =	vmor vm6, vm9  }
0x159: {  	v15 =	vsel vm5, v6, v10;
	v6 =	vsel vm8, v6, v10;
	v13 =	vmax.f32 v17, v16  }
0x15a: {  	vm1 =	vmand vm13, vm0;
	vm9 =	vmand vm14, vm6;
	v16 =	vsub.f32 $0.0e+00, v43  }
0x15b: {  	v13 =	vmax.f32 v13, $9.999999960e-13;
	vm10 =	vmor vm9, vm7;
	v5 =	vsel vm9, v15, v5  }
0x15c: {  	vm15 =	vmor vm1, vm2;
	(erf) = vrcp.f32 v13;
	v13 =	vsub.f32 $0.0e+00, v9;
	v12 =	vpop (erf)  }
0x15d: {  	v15 =	vld [tilespmem:s2+$0x5A0];
	v4 =	vsel vm10, v4, v11;
	v8 =	vsel vm15, v8, v14;
	v12 =	vmul.f32 $2.560000000e+02, v12  }
0x15e: {  	v14 =	vsel vm8, $0x1, v1;
	vm8 =	vge.f32 v24, v47;
	v4 =	vsel vm6, v4, v6  }
0x15f: {  	v10 =	vsel vm4, v9, v13;
	v9 =	vsel vm3, v9, v13;
	v5 =	vmul.f32 v12, v5  }
0x160: {  	v13 =	vsel vm7, $0x4, v3;
	v8 =	vsel vm0, v8, v10;
	v4 =	vmul.f32 v4, v12  }
0x161: {  	v7 =	vsel vm1, v9, v7;
	v10 =	vsel vm3, $0x2, v2;
	v5 =	vadd.f32 $2.555000000e+02, v5  }
0x162: {  	vm3 =	vge.f32 v19, $0.0e+00;
	v23 =	vand.u32 $0x7FFFFFFF, v15;
	v4 =	vadd.f32 $2.555000000e+02, v4  }
0x163: {  	v49 =	vsub.f32 $0.0e+00, v15;
	vm3 =	vmneg vm3;
	v9 =	vtrunc.f32 v5  }
0x164: {  	v12 =	vsel vm5, $0x2, v2;
	v11 =	vtrunc.f32 v4;
	v9 =	vcvt.f32.s32 v9  }
0x165: {  	v55 =	vsel vm3, v20, v52;
	v6 =	vpop (erf);
	v12 =	vsel vm9, v12, v13;
	v11 =	vcvt.f32.s32 v11  }
0x166: {  	v6 =	vmul.f32 $2.560000000e+02, v6;
	v12 =	vsel vm6, v12, v14;
	vm11 =	vgt.s32 v9, $0x0  }
0x167: {  	v12 =	vshll.u32 v12, $0x12;
	vm12 =	vgt.s32 v11, $0x0;
	v9 =	vnsel vm11, $0x0, v9  }
0x168: {  	v4 =	vmax.f32 v4, $0.0e+00;
	v11 =	vnsel vm12, $0x0, v11;
	v9 =	vmin.u32 v9, $0x1FE  }
0x169: {  	v5 =	vmax.f32 v5, $0.0e+00;
	v11 =	vmin.u32 v11, $0x1FE;
	v13 =	vshll.u32 v9, $0x9  }
0x16a: {  	v4 =	vmin.f32 v4, $5.110000000e+02;
	v14 =	vcvt.s32.f32 v11;
	v12 =	vor.u32 v12, v13  }
0x16b: {  	v5 =	vmin.f32 v5, $5.110000000e+02;
	v13 =	vcvt.s32.f32 v9;
	v11 =	vor.u32 v11, v12  }
0x16c: {  	v9 =	vsub.f32 v4, v14;
	v4 =	vmul.f32 v8, v6;
	v8 =	vsel vm2, $0x4, v3;
	v12 =	vld [tilespmem:s2+$0xFFFFFA60]  }
0x16d: {  	v6 =	vmul.f32 v6, v7;
	v7 =	vsel vm4, $0x1, v1;
	v8 =	vsel vm1, v10, v8;
	v10 =	vld [tilespmem:s2+$0x0]  }
0x16e: {  	vm4 =	vge.f32 v43, $0.0e+00;
	vm2 =	vge.f32 v20, $0.0e+00;
	v13 =	vsub.f32 v5, v13  }
0x16f: {  	v14 =	vadd.s32 $0x200, v11;
	v4 =	vadd.f32 $2.555000000e+02, v4;
	v6 =	vadd.f32 $2.555000000e+02, v6  }
0x170: {  	vm1 =	vmneg vm8;
	v20 =	vsel vm4, v20, v52;
	v5 =	vsel vm0, v8, v7  }
0x171: {  	v7 =	vtrunc.f32 v4;
	v8 =	vtrunc.f32 v6;
	v4 =	vmax.f32 v4, $0.0e+00  }
0x172: {  	v18 =	vcvt.f32.s32 v8;
	v21 =	vand.u32 $0x7FFFFFFF, v12;
	v22 =	vand.u32 $0x7FFFFFFF, v10  }
0x173: {  	v6 =	vmax.f32 v6, $0.0e+00;
	v8 =	vshll.u32 v5, $0x12;
	v5 =	vmax.f32 v21, v22  }
0x174: {  	v44 =	vcvt.f32.s32 v7;
	vm14 =	vgt.s32 v18, $0x0;
	v46 =	vmax.f32 v5, v23  }
0x175: {  	v7 =	vmin.f32 v4, $5.110000000e+02;
	v45 =	vnsel vm14, $0x0, v18;
	v18 =	vmax.f32 v46, $9.999999960e-13  }
0x176: {  	v4 =	vmin.f32 v6, $5.110000000e+02;
	v48 =	vsub.f32 $0.0e+00, v12;
	(erf) = vrcp.f32 v18  }
0x177: {  	vm11 =	vge.f32 v21, v23;
	vm6 =	vge.f32 v10, $0.0e+00;
	v10 =	vsub.f32 $0.0e+00, v10  }
0x178: {  	vm13 =	vgt.s32 v44, $0x0;
	vm10 =	vge.f32 v21, v22;
	vm7 =	vmneg vm11  }
0x179: {  	v51 =	vsel vm6, v15, v49;
	v6 =	vnsel vm13, $0x0, v44;
	vm12 =	vmneg vm10  }
0x17a: {  	vm13 =	vge.f32 v22, v23;
	v5 =	vmin.u32 v6, $0x1FE;
	v6 =	vand.u32 $0x7FFFFFFF, v43  }
0x17b: {  	vm14 =	vge.f32 v15, $0.0e+00;
	vm5 =	vmor vm12, vm7;
	vm15 =	vge.f32 v24, v6  }
0x17c: {  	v24 =	vmax.f32 v24, v6;
	vm9 =	vge.f32 v6, v47;
	vm7 =	vmand vm13, vm5  }
0x17d: {  	v18 =	vmax.f32 v24, v47;
	vm0 =	vmneg vm15;
	vm15 =	vge.f32 v12, $0.0e+00  }
0x17e: {  	vm12 =	vmor vm7, vm14;
	v18 =	vmax.f32 v18, $9.999999960e-13;
	vm0 =	vmor vm0, vm1  }
0x17f: {  	v12 =	vsel vm12, v12, v48;
	vm1 =	vmand vm9, vm0;
	vm9 =	vmneg vm15;
	v50 =	vpop (erf)  }
0x180: {  	(erf) = vrcp.f32 v18;
	v15 =	vsel vm9, v15, v49;
	v18 =	vmul.f32 $2.560000000e+02, v50  }
0x181: {  	v57 =	vsel vm4, $0x2, v2;
	v10 =	vsel vm7, v51, v10;
	v12 =	vsel vm5, v12, v15  }
0x182: {  	v59 =	vsel vm6, $0x2, v2;
	v10 =	vmul.f32 v18, v10;
	v12 =	vmul.f32 v12, v18  }
0x183: {  	v17 =	vmin.u32 v45, $0x1FE;
	v60 =	vsel vm14, $0x4, v3;
	v25 =	vcvt.s32.f32 v5  }
0x184: {  	v6 =	vcvt.s32.f32 v17;
	v10 =	vadd.f32 $2.555000000e+02, v10;
	v12 =	vadd.f32 $2.555000000e+02, v12  }
0x185: {  	v22 =	vsel vm7, v59, v60;
	vm13 =	vmor vm1, vm2;
	v61 =	vsel vm9, $0x1, v1  }
0x186: {  	v54 =	vsel vm13, v19, v53;
	v56 =	vtrunc.f32 v10;
	v58 =	vtrunc.f32 v12  }
0x187: {  	s18 =	smul.u32 $0x1680, s9;
	v22 =	vsel vm5, v22, v61;
	v19 =	vcvt.f32.s32 v56;
	v21 =	vcvt.f32.s32 v58  }
0x188: {  	v63 =	vshll.u32 v17, $0x9;
	v16 =	vsel vm1, v20, v16;
	v22 =	vshll.u32 v22, $0x12  }
0x189: {  	s11 =	sshrl.u32 s18, $0x2;
	v15 =	vpop (erf);
	v18 =	vsel vm0, v54, v55;
	vm14 =	vgt.s32 v19, $0x0;
	vm15 =	vgt.s32 v21, $0x0  }
0x18a: {  	s21 =	sadd.s32 $0xEA18, s11;
	v15 =	vmul.f32 $2.560000000e+02, v15;
	v19 =	vnsel vm14, $0x0, v19;
	v21 =	vnsel vm15, $0x0, v21  }
0x18b: {  	s20 =	sadd.s32 $0xF558, s11;
	[tilespmem:s21+$0x0] =	vst v11;
	v12 =	vmax.f32 v12, $0.0e+00;
	v19 =	vmin.u32 v19, $0x1FE;
	v11 =	vmin.u32 v21, $0x1FE  }
0x18c: {  	s22 =	sadd.s32 $0x10098, s11;
	[tilespmem:s20+$0x0] =	vst v14;
	v10 =	vmax.f32 v10, $0.0e+00;
	v62 =	vshll.u32 v19, $0x9;
	v14 =	vcvt.s32.f32 v11  }
0x18d: {  	s19 =	smul.u32 $0xFFFFE980, s9;
	s23 =	sadd.s32 $0x10BD8, s11;
	[tilespmem:s22+$0x0] =	vst v9;
	v9 =	vmin.f32 v12, $5.110000000e+02;
	v10 =	vmin.f32 v10, $5.110000000e+02;
	v21 =	vor.u32 v22, v62  }
0x18e: {  	s24 =	smul.u32 $0x5A0, s9;
	s25 =	sadd.s32 $0x20, s21;
	[tilespmem:s23+$0x0] =	vst v13;
	v12 =	vcvt.s32.f32 v19;
	v11 =	vor.u32 v11, v21;
	v9 =	vsub.f32 v9, v14  }
0x18f: {  	s12 =	sshra.s32 s19, $0x2;
	s9 =	sadd.s32 $0x20, s20;
	v14 =	vmul.f32 v15, v16;
	v13 =	vadd.s32 $0x200, v11;
	[tilespmem:s25+$0x0] =	vst v11;
	v11 =	vmul.f32 v18, v15  }
0x190: {  	s19 =	sadd.s32 $0x10638, s12;
	s17 =	ssub.s32 $0x5A0, s24;
	s28 =	sadd.s32 $0x20, s22;
	v12 =	vsub.f32 v10, v12;
	v10 =	vsel vm2, $0x4, v3;
	v15 =	vsel vm3, $0x1, v1;
	[tilespmem:s9+$0x0] =	vst v13  }
0x191: {  	s18 =	sadd.s32 $0x11178, s12;
	s14 =	sand.u32 $0x1, s15;
	s11 =	sadd.s32 $0x20, s23;
	[tilespmem:s28+$0x0] =	vst v9;
	v9 =	vsel vm1, v57, v10;
	v13 =	vadd.f32 $2.555000000e+02, v11;
	v10 =	vadd.f32 $2.555000000e+02, v14  }
0x192: {  	s12 =	simm.s32 $0x2;
	s24 =	smul.u32 $0x5A0, s14;
	s2 =	sadd.s32 $0x20, s2;
	v11 =	vsub.f32 v7, v25;
	[tilespmem:s11+$0x0] =	vst v12;
	v12 =	vsel vm0, v9, v15;
	v9 =	vor.u32 v8, v63  }
.LBB2_9:
0x193: {  	v14 =	vld [tilespmem:s2+$0xFFFFFA60];
	v7 =	vtrunc.f32 v13;
	v8 =	vtrunc.f32 v10;
	v13 =	vmax.f32 v13, $0.0e+00  }
0x194: {  	v15 =	vld [tilespmem:s2+$0x0];
	v16 =	vcvt.f32.s32 v7;
	v17 =	vcvt.f32.s32 v8;
	v8 =	vmax.f32 v10, $0.0e+00  }
0x195: {  	v7 =	vmin.f32 v13, $5.110000000e+02;
	v18 =	vld [tilespmem:s2+$0x5A0];
	v10 =	vmin.f32 v8, $5.110000000e+02;
	v8 =	vshll.u32 v12, $0x12  }
0x196: {  	s12 =	sadd.s32 $0x2, s12;
	v13 =	vsub.f32 v4, v6;
	v12 =	vld [tilespmem:s2+$0xFFFFFFF0];
	vm0 =	vgt.s32 v16, $0x0;
	vm1 =	vgt.s32 v17, $0x0;
	v4 =	vmovc v10  }
0x197: {  	v9 =	vor.u32 v5, v9;
	p1 =	slt.u32 s12, $0x58;
	v19 =	vld [tilespmem:s2+$0xFFFFFA50];
	v6 =	vnsel vm0, $0x0, v16;
	v10 =	vnsel vm1, $0x0, v17  }
0x198: {  	v16 =	vld [tilespmem:s2+$0x590];
	v5 =	vmin.u32 v6, $0x1FE;
	v10 =	vmin.u32 v10, $0x1FE;
	[tilespmem:s21+$0xFFFFFFF0] =	vst v9;
	v6 =	vadd.s32 $0x200, v9;
	s21 =	smov.u32 s25  }
0x199: {  	v17 =	vand.u32 $0x7FFFFFFF, v14;
	v20 =	vand.u32 $0x7FFFFFFF, v15;
	v9 =	vcvt.s32.f32 v5;
	[tilespmem:s20+$0xFFFFFFF0] =	vst v6;
	s20 =	smov.u32 s9  }
0x19a: {  	v6 =	vcvt.s32.f32 v10;
	v21 =	vand.u32 $0x7FFFFFFF, v18;
	v22 =	vmax.f32 v17, v20;
	[tilespmem:s22+$0xFFFFFFF0] =	vst v11;
	s22 =	smov.u32 s28  }
0x19b: {  	v11 =	vand.u32 $0x7FFFFFFF, v12;
	vm3 =	vge.f32 v12, $0.0e+00;
	v22 =	vmax.f32 v22, v21;
	[tilespmem:s23+$0xFFFFFFF0] =	vst v13;
	s23 =	smov.u32 s11  }
0x19c: {  	v13 =	vand.u32 $0x7FFFFFFF, v19;
	vm4 =	vge.f32 v19, $0.0e+00;
	v22 =	vmax.f32 v22, $9.999999960e-13  }
0x19d: {  	v23 =	vand.u32 $0x7FFFFFFF, v16;
	v24 =	vmax.f32 v13, v11;
	(erf) = vrcp.f32 v22  }
0x19e: {  	vm0 =	vge.f32 v13, v11;
	vm1 =	vge.f32 v13, v23;
	v13 =	vmax.f32 v24, v23  }
0x19f: {  	vm0 =	vmneg vm0;
	vm1 =	vmneg vm1;
	v13 =	vmax.f32 v13, $9.999999960e-13  }
0x1a0: {  	vm0 =	vmor vm0, vm1;
	vm1 =	vge.f32 v11, v23;
	(erf) = vrcp.f32 v13  }
0x1a1: {  	vm2 =	vge.f32 v16, $0.0e+00;
	v11 =	vsub.f32 $0.0e+00, v16;
	vm1 =	vmand vm1, vm0  }
0x1a2: {  	vm5 =	vge.f32 v15, $0.0e+00;
	v15 =	vsub.f32 $0.0e+00, v15;
	v13 =	vsub.f32 $0.0e+00, v19  }
0x1a3: {  	vm8 =	vge.f32 v14, $0.0e+00;
	vm6 =	vge.f32 v17, v20;
	vm9 =	vge.f32 v17, v21  }
0x1a4: {  	vm7 =	vge.f32 v18, $0.0e+00;
	vm6 =	vmneg vm6;
	vm9 =	vmneg vm9  }
0x1a5: {  	v17 =	vsub.f32 $0.0e+00, v18;
	vm6 =	vmor vm6, vm9;
	vm9 =	vge.f32 v20, v21  }
0x1a6: {  	vm8 =	vmneg vm8;
	v20 =	vsub.f32 $0.0e+00, v14;
	vm9 =	vmand vm9, vm6;
	v21 =	vpop (erf)  }
0x1a7: {  	v22 =	vsel vm5, v18, v17;
	vm10 =	vmor vm9, vm7;
	v21 =	vmul.f32 $2.560000000e+02, v21  }
0x1a8: {  	v18 =	vsel vm8, v18, v17;
	v15 =	vsel vm9, v22, v15;
	v14 =	vsel vm10, v14, v20  }
0x1a9: {  	v14 =	vsel vm6, v14, v18;
	vm10 =	vmor vm1, vm2;
	v15 =	vmul.f32 v21, v15;
	v17 =	vpop (erf)  }
0x1aa: {  	v12 =	vsub.f32 $0.0e+00, v12;
	vm4 =	vmneg vm4;
	v14 =	vmul.f32 v14, v21  }
0x1ab: {  	v13 =	vsel vm10, v19, v13;
	v17 =	vmul.f32 $2.560000000e+02, v17;
	v15 =	vadd.f32 $2.555000000e+02, v15  }
0x1ac: {  	v18 =	vsel vm4, v16, v11;
	v11 =	vsel vm3, v16, v11;
	v14 =	vadd.f32 $2.555000000e+02, v14  }
0x1ad: {  	v11 =	vsel vm1, v11, v12;
	v13 =	vsel vm0, v13, v18;
	v12 =	vtrunc.f32 v15  }
0x1ae: {  	v16 =	vsel vm3, $0x2, v2;
	v18 =	vtrunc.f32 v14;
	v12 =	vcvt.f32.s32 v12  }
0x1af: {  	v20 =	vsel vm7, $0x4, v3;
	v19 =	vsel vm5, $0x2, v2;
	v18 =	vcvt.f32.s32 v18  }
0x1b0: {  	v19 =	vsel vm9, v19, v20;
	v21 =	vsel vm8, $0x1, v1;
	vm3 =	vgt.s32 v12, $0x0  }
0x1b1: {  	v19 =	vsel vm6, v19, v21;
	vm5 =	vgt.s32 v18, $0x0;
	v12 =	vnsel vm3, $0x0, v12  }
0x1b2: {  	v19 =	vshll.u32 v19, $0x12;
	v18 =	vnsel vm5, $0x0, v18;
	v12 =	vmin.u32 v12, $0x1FE  }
0x1b3: {  	v14 =	vmax.f32 v14, $0.0e+00;
	v18 =	vmin.u32 v18, $0x1FE;
	v20 =	vshll.u32 v12, $0x9  }
0x1b4: {  	v15 =	vmax.f32 v15, $0.0e+00;
	v21 =	vcvt.s32.f32 v18;
	v19 =	vor.u32 v19, v20  }
0x1b5: {  	s25 =	sadd.s32 $0x20, s25;
	v14 =	vmin.f32 v14, $5.110000000e+02;
	v12 =	vcvt.s32.f32 v12;
	v18 =	vor.u32 v18, v19  }
.Ltmp3:
0x1b6: {  	s9 =	sadd.s32 $0x20, s9;
	v15 =	vmin.f32 v15, $5.110000000e+02;
	v14 =	vsub.f32 v14, v21;
	[tilespmem:s25+$0x0] =	vst v18;
	v18 =	vadd.s32 $0x200, v18;
	(pc) =	sbr.rel @p1 .LBB2_9-.Ltmp3, $4  }
0x1b7: {  	s28 =	sadd.s32 $0x20, s28;
	v13 =	vmul.f32 v13, v17;
	v11 =	vmul.f32 v17, v11;
	v12 =	vsub.f32 v15, v12;
	[tilespmem:s9+$0x0] =	vst v18  }
0x1b8: {  	s11 =	sadd.s32 $0x20, s11;
	v17 =	vsel vm2, $0x4, v3;
	v15 =	vsel vm4, $0x1, v1;
	[tilespmem:s28+$0x0] =	vst v14;
	v14 =	vshll.u32 v10, $0x9  }
0x1b9: {  	v16 =	vsel vm1, v16, v17;
	v13 =	vadd.f32 $2.555000000e+02, v13;
	v10 =	vadd.f32 $2.555000000e+02, v11;
	[tilespmem:s11+$0x0] =	vst v12  }
0x1ba: {  	s2 =	sadd.s32 $0x20, s2;
	v11 =	vsub.f32 v7, v9;
	v12 =	vsel vm0, v16, v15;
	v9 =	vor.u32 v8, v14  }
0x1bb: {  	v7 =	vtrunc.f32 v10  }
0x1bc: {  	v8 =	vtrunc.f32 v13;
	v7 =	vcvt.f32.s32 v7  }
0x1bd: {  	v8 =	vcvt.f32.s32 v8  }
0x1be: {  	v13 =	vmax.f32 v13, $0.0e+00;
	v12 =	vshll.u32 v12, $0x12;
	vm0 =	vgt.s32 v7, $0x0  }
0x1bf: {  	v5 =	vor.u32 v5, v9;
	vm1 =	vgt.s32 v8, $0x0;
	v7 =	vnsel vm0, $0x0, v7  }
0x1c0: {  	[tilespmem:s21+$0xFFFFFFF0] =	vst v5;
	v5 =	vadd.s32 $0x200, v5;
	v8 =	vnsel vm1, $0x0, v8;
	v7 =	vmin.u32 v7, $0x1FE  }
0x1c1: {  	v4 =	vsub.f32 v4, v6;
	[tilespmem:s20+$0xFFFFFFF0] =	vst v5;
	v6 =	vmin.u32 v8, $0x1FE;
	v5 =	vshll.u32 v7, $0x9  }
0x1c2: {  	[tilespmem:s22+$0xFFFFFFF0] =	vst v11;
	v8 =	vmax.f32 v10, $0.0e+00;
	v9 =	vcvt.s32.f32 v6;
	v5 =	vor.u32 v12, v5  }
0x1c3: {  	[tilespmem:s23+$0xFFFFFFF0] =	vst v4;
	v10 =	vmin.f32 v13, $5.110000000e+02;
	v7 =	vcvt.s32.f32 v7;
	v4 =	vor.u32 v6, v5  }
0x1c4: {  	v5 =	vmin.f32 v8, $5.110000000e+02;
	v6 =	vsub.f32 v10, v9;
	[tilespmem:s25+$0xFFFFFFF0] =	vst v4;
	v4 =	vadd.s32 $0x200, v4  }
0x1c5: {  	v5 =	vsub.f32 v5, v7;
	[tilespmem:s9+$0xFFFFFFF0] =	vst v4  }
0x1c6: {  	[tilespmem:s28+$0xFFFFFFF0] =	vst v6  }
0x1c7: {  	[tilespmem:s11+$0xFFFFFFF0] =	vst v5  }
0x1c8: {  	_ =	swait.ge [sflag:s0], $0x2D00  }
0x1c9: {  	[sflag:s0] =	ssyncset.done $0x0  }
0x1ca: {  	[sflag:s0] =	ssyncadd.s32 $0xFFFFD300  }
0x1cb: {  	s2 =	smul.u32 $0x2D00, s14;
	_ =	swait.ge [sflag:s0], $0x2D00  }
0x1cc: {  	[sflag:s0] =	ssyncset.done $0x0  }
0x1cd: {  	s14 =	sadd.s32 $0xEA08, s24;
	s12 =	sadd.s32 $0x11708, s2;
	[sflag:s0] =	ssyncadd.s32 $0xFFFFD300  }
0x1ce: {  	[tilespmem:s12], [sflag:$0x1] =	stream.indirect.gather [hbm4b:s3+s31], $0x8, s14, s31, $0xb8;
	[tilespmem:$0x1ECC8] =	vst v63  }
0x1cf: {  	s21 =	sshll.u32 s24, $0x3;
	s2 =	sadd.s32 $0x17108, s2;
	s20 =	sadd.s32 $0xF548, s24  }
0x1d0: {  	[tilespmem:s2], [sflag:$0x1] =	stream.indirect.gather [hbm4b:s3+s31], $0x8, s20, s31, $0xb8;
	[tilespmem:$0x1ECC8] =	vst v63  }
0x1d1: {  	s22 =	sadd.s32 $0x12D88, s21;
	s23 =	sadd.s32 $0xECD8, s24;
	s25 =	sadd.s32 $0x10, s17  }
0x1d2: {  	v4 =	vmov s25;
	[tilespmem:s22], [sflag:$0x1] =	stream.indirect.gather [hbm4b:s3+s31], $0x8, s23, s31, $0xb8;
	[tilespmem:$0x1ECC8] =	vst v63  }
0x1d3: {  	p1 =	slt.u32 s15, $0x3;
	s28 =	sadd.s32 $0xF818, s24;
	v4 =	vshll.u32 v4, $0x3;
	s2 =	sadd.s32 $0x18788, s21  }
0x1d4: {  	v8 =	vor.u32 v0, v4;
	[tilespmem:s2], [sflag:$0x1] =	stream.indirect.gather [hbm4b:s3+s31], $0x8, s28, s31, $0xb8;
	[tilespmem:$0x1ECC8] =	vst v63  }
0x1d5: {  	s2 =	simm.s32 @!p1 $0x5  }
0x1d6: {  	v4 =	vor.u32 $0x4, v8;
	_ =	swait.ge @!p1 [sflag:s2], $0x10E0  }
0x1d7: {  	[sflag:s2] =	ssyncset.done @!p1 $0x0  }
0x1d8: {  	[sflag:s2] =	ssyncadd.s32 @!p1 $0xFFFFEF20  }
0x1d9: {  	v5 =	vld.idx.msk [tilespmem:v8+s30+$0x0], $0xffff  }
0x1da: {  	v6 =	vld.idx.msk [tilespmem:v8+s10+$0x0], $0xffff  }
0x1db: {  	v7 =	vmov s17;
	v9 =	vld.idx.msk [tilespmem:v4+s30+$0x0], $0xffff  }
0x1dc: {  	v7 =	vshll.u32 v7, $0x3;
	v4 =	vld.idx.msk [tilespmem:v4+s10+$0x0], $0xffff  }
0x1dd: {  	v7 =	vor.u32 v0, v7  }
0x1de: {  	v10 =	vor.u32 $0x4, v7;
	v15 =	vld [tilespmem:s19+$0x0];
	_ =	sdelay $0x2  }
0x1df: {  	v9 =	vsub.f32 v9, v5;
	v4 =	vsub.f32 v4, v6  }
0x1e0: {  	s12 =	sadd.s32 $0x20, s17  }
0x1e1: {  	s14 =	sadd.s32 $0x10, s12;
	v11 =	vld.idx.msk [tilespmem:v10+s30+$0x0], $0xffff;
	v9 =	vmul.f32 v9, v15;
	v4 =	vmul.f32 v4, v15  }
0x1e2: {  	v13 =	vmov s14;
	v12 =	vld [tilespmem:s18+$0x0]  }
0x1e3: {  	v10 =	vld.idx.msk [tilespmem:v10+s10+$0x0], $0xffff;
	v5 =	vadd.f32 v9, v5;
	v4 =	vadd.f32 v4, v6;
	v9 =	vshll.u32 v13, $0x3  }
0x1e4: {  	v6 =	vld.idx.msk [tilespmem:v7+s30+$0x0], $0xffff;
	v16 =	vor.u32 v0, v9  }
0x1e5: {  	v13 =	vld.idx.msk [tilespmem:v7+s10+$0x0], $0xffff;
	v4 =	vsub.f32 v4, v5  }
0x1e6: {  	v23 =	vld [tilespmem:s19+$0xFFFFFFF0];
	v9 =	vor.u32 $0x4, v16  }
0x1e7: {  	v14 =	vmul.f32 v4, v12  }
0x1e8: {  	s15 =	sadd.s32 $0xFFFFFFFF, s15;
	v4 =	vld [tilespmem:s18+$0xFFFFFFF0]  }
0x1e9: {  	s17 =	sand.u32 $0x1, s15;
	v11 =	vsub.f32 v11, v6;
	v5 =	vadd.f32 v14, v5;
	v14 =	vor.u32 $0x1, v8;
	v17 =	vld.idx.msk [tilespmem:v16+s30+$0x0], $0xffff  }
0x1ea: {  	v18 =	vor.u32 $0x5, v8;
	s23 =	simm.s32 $0x10E0;
	p1 =	seq.s32 s17, $0x1;
	v10 =	vsub.f32 v10, v13;
	v19 =	vld.idx.msk [tilespmem:v16+s10+$0x0], $0xffff  }
0x1eb: {  	s23 =	simm.s32 @!p1 $0x0;
	v11 =	vmul.f32 v11, v23;
	v20 =	vld.idx.msk [tilespmem:v9+s30+$0x0], $0xffff;
	v5 =	vmax.f32 v5, $0.0e+00  }
0x1ec: {  	s20 =	sadd.s32 $0x20, s19;
	s17 =	sadd.s32 $0x1D0B8, s23;
	v10 =	vmul.f32 v10, v23;
	v9 =	vld.idx.msk [tilespmem:v9+s10+$0x0], $0xffff;
	v5 =	vmin.f32 v5, $1.000000000e+00  }
0x1ed: {  	v21 =	vmov s12;
	v6 =	vadd.f32 v11, v6;
	v11 =	vld [tilespmem:s20+$0x0];
	[tilespmem:s17+$0xFFFFFA60] =	vst v5  }
0x1ee: {  	v10 =	vadd.f32 v10, v13;
	v5 =	vshll.u32 v21, $0x3;
	v13 =	vld.idx.msk [tilespmem:v14+s30+$0x0], $0xffff  }
0x1ef: {  	v21 =	vor.u32 v0, v5;
	v5 =	vld.idx.msk [tilespmem:v18+s30+$0x0], $0xffff  }
0x1f0: {  	v14 =	vld.idx.msk [tilespmem:v14+s10+$0x0], $0xffff  }
0x1f1: {  	v10 =	vsub.f32 v10, v6;
	v18 =	vld.idx.msk [tilespmem:v18+s10+$0x0], $0xffff  }
0x1f2: {  	v22 =	vor.u32 $0x4, v21;
	v20 =	vsub.f32 v20, v17;
	v9 =	vsub.f32 v9, v19  }
0x1f3: {  	s2 =	sadd.s32 $0x20, s12;
	s12 =	sadd.s32 $0x20, s18;
	v10 =	vmul.f32 v10, v4  }
0x1f4: {  	v25 =	vor.u32 $0x5, v7;
	v27 =	vld [tilespmem:s12+$0x0];
	v20 =	vmul.f32 v20, v11;
	v9 =	vmul.f32 v9, v11  }
0x1f5: {  	s21 =	sadd.s32 $0x10, s2;
	v6 =	vadd.f32 v10, v6;
	v10 =	vor.u32 $0x1, v7;
	v5 =	vsub.f32 v5, v13;
	v28 =	vld.idx.msk [tilespmem:v21+s30+$0x0], $0xffff  }
0x1f6: {  	v26 =	vmov s21;
	v18 =	vsub.f32 v18, v14;
	v29 =	vld.idx.msk [tilespmem:v21+s10+$0x0], $0xffff;
	v17 =	vadd.f32 v20, v17  }
0x1f7: {  	v9 =	vadd.f32 v9, v19;
	v19 =	vshll.u32 v26, $0x3;
	v24 =	vld.idx.msk [tilespmem:v22+s30+$0x0], $0xffff;
	v6 =	vmax.f32 v6, $0.0e+00  }
0x1f8: {  	v22 =	vld.idx.msk [tilespmem:v22+s10+$0x0], $0xffff;
	v6 =	vmin.f32 v6, $1.000000000e+00;
	v5 =	vmul.f32 v5, v15;
	v18 =	vmul.f32 v18, v15  }
0x1f9: {  	v26 =	vor.u32 v0, v19;
	v9 =	vsub.f32 v9, v17;
	[tilespmem:s17+$0xFFFFFA50] =	vst v6;
	v6 =	vld [tilespmem:s20+$0xFFFFFFF0]  }
0x1fa: {  	v13 =	vadd.f32 v5, v13;
	v5 =	vadd.f32 v18, v14;
	v14 =	vld.idx.msk [tilespmem:v10+s30+$0x0], $0xffff  }
0x1fb: {  	v18 =	vld.idx.msk [tilespmem:v25+s30+$0x0], $0xffff  }
0x1fc: {  	v20 =	vor.u32 $0x4, v26;
	v9 =	vmul.f32 v9, v27;
	v30 =	vld.idx.msk [tilespmem:v10+s10+$0x0], $0xffff;
	v19 =	vsub.f32 v5, v13  }
0x1fd: {  	v5 =	vld [tilespmem:s12+$0xFFFFFFF0]  }
0x1fe: {  	v9 =	vadd.f32 v9, v17;
	v17 =	vor.u32 $0x1, v16;
	v31 =	vld.idx.msk [tilespmem:v26+s30+$0x0], $0xffff;
	v10 =	vmul.f32 v19, v12  }
0x1ff: {  	v32 =	vld.idx.msk [tilespmem:v26+s10+$0x0], $0xffff  }
0x200: {  	v19 =	vld.idx.msk [tilespmem:v25+s10+$0x0], $0xffff;
	v9 =	vmax.f32 v9, $0.0e+00;
	v25 =	vor.u32 $0x5, v16;
	v10 =	vadd.f32 v10, v13  }
0x201: {  	s18 =	sadd.s32 $0x20, s17;
	v24 =	vsub.f32 v24, v28;
	v33 =	vld.idx.msk [tilespmem:v20+s30+$0x0], $0xffff;
	v9 =	vmin.f32 v9, $1.000000000e+00;
	v13 =	vor.u32 $0x2, v8  }
0x202: {  	v20 =	vld.idx.msk [tilespmem:v20+s10+$0x0], $0xffff;
	v8 =	vor.u32 $0x6, v8;
	[tilespmem:s18+$0xFFFFFA60] =	vst v9;
	v10 =	vmax.f32 v10, $0.0e+00  }
0x203: {  	v22 =	vsub.f32 v22, v29;
	v9 =	vmin.f32 v10, $1.000000000e+00;
	v10 =	vmul.f32 v24, v6;
	v24 =	vld.idx.msk [tilespmem:v17+s30+$0x0], $0xffff  }
0x204: {  	s22 =	sadd.s32 $0x20, s2;
	v17 =	vld.idx.msk [tilespmem:v17+s10+$0x0], $0xffff  }
0x205: {  	s25 =	sadd.s32 $0x10, s22;
	v22 =	vmul.f32 v22, v6;
	v38 =	vld.idx.msk [tilespmem:v25+s10+$0x0], $0xffff;
	[tilespmem:s17+$0x0] =	vst v9  }
0x206: {  	v44 =	vmov s25;
	v18 =	vsub.f32 v18, v14;
	v9 =	vmov s2;
	v34 =	vld.idx.msk [tilespmem:v13+s30+$0x0], $0xffff  }
0x207: {  	v9 =	vshll.u32 v9, $0x3;
	v35 =	vadd.f32 v10, v28;
	v10 =	vadd.f32 v22, v29;
	v22 =	vld.idx.msk [tilespmem:v8+s30+$0x0], $0xffff  }
0x208: {  	v39 =	vor.u32 $0x1, v21;
	v18 =	vmul.f32 v18, v23;
	v41 =	vld.idx.msk [tilespmem:v13+s10+$0x0], $0xffff;
	v36 =	vor.u32 v0, v9  }
0x209: {  	s9 =	sadd.s32 $0x20, s20;
	v40 =	vor.u32 $0x5, v21;
	v20 =	vsub.f32 v20, v32;
	v13 =	vsub.f32 v19, v30;
	v9 =	vld.idx.msk [tilespmem:v25+s30+$0x0], $0xffff  }
0x20a: {  	v18 =	vadd.f32 v18, v14;
	v14 =	vor.u32 $0x6, v21;
	v25 =	vld [tilespmem:s9+$0x0];
	v10 =	vsub.f32 v10, v35  }
0x20b: {  	v29 =	vor.u32 $0x2, v7;
	v37 =	vor.u32 $0x4, v36;
	v51 =	vmul.f32 v13, v23  }
0x20c: {  	v28 =	vor.u32 $0x6, v7;
	v19 =	vld.idx.msk [tilespmem:v8+s10+$0x0], $0xffff;
	v8 =	vsub.f32 v33, v31;
	v7 =	vmul.f32 v10, v5  }
0x20d: {  	s24 =	sadd.s32 $0x20, s12;
	v38 =	vsub.f32 v38, v17;
	v10 =	vor.u32 $0x2, v21;
	v21 =	vadd.f32 v51, v30;
	v42 =	vld.idx.msk [tilespmem:v36+s30+$0x0], $0xffff  }
0x20e: {  	v60 =	vor.u32 $0x5, v26;
	v7 =	vadd.f32 v7, v35;
	v13 =	vsub.f32 v9, v24;
	v9 =	vld [tilespmem:s24+$0x0]  }
0x20f: {  	v38 =	vmul.f32 v38, v11;
	v22 =	vsub.f32 v22, v34;
	v8 =	vmul.f32 v8, v25;
	v43 =	vld.idx.msk [tilespmem:v36+s10+$0x0], $0xffff  }
0x210: {  	v20 =	vmul.f32 v20, v25;
	v21 =	vsub.f32 v21, v18;
	v50 =	vld.idx.msk [tilespmem:v37+s30+$0x0], $0xffff;
	v7 =	vmax.f32 v7, $0.0e+00  }
0x211: {  	v19 =	vsub.f32 v19, v41;
	v37 =	vld.idx.msk [tilespmem:v37+s10+$0x0], $0xffff;
	v13 =	vmul.f32 v13, v11;
	v7 =	vmin.f32 v7, $1.000000000e+00  }
0x212: {  	v31 =	vadd.f32 v8, v31;
	v20 =	vadd.f32 v20, v32;
	v8 =	vld [tilespmem:s9+$0xFFFFFFF0];
	v21 =	vmul.f32 v21, v4;
	[tilespmem:s18+$0xFFFFFA50] =	vst v7  }
0x213: {  	v17 =	vadd.f32 v38, v17;
	v22 =	vmul.f32 v22, v15;
	v24 =	vadd.f32 v13, v24;
	v32 =	vld.idx.msk [tilespmem:v39+s30+$0x0], $0xffff  }
0x214: {  	v7 =	vshll.u32 v44, $0x3;
	v20 =	vsub.f32 v20, v31;
	v18 =	vadd.f32 v21, v18;
	v30 =	vld.idx.msk [tilespmem:v40+s30+$0x0], $0xffff  }
0x215: {  	v15 =	vmul.f32 v19, v15;
	v13 =	vor.u32 v0, v7;
	v7 =	vld [tilespmem:s24+$0xFFFFFFF0];
	v17 =	vsub.f32 v17, v24  }
0x216: {  	v22 =	vadd.f32 v22, v34;
	v53 =	vld.idx.msk [tilespmem:v39+s10+$0x0], $0xffff;
	v20 =	vmul.f32 v20, v9;
	v18 =	vmax.f32 v18, $0.0e+00  }
0x217: {  	s9 =	sadd.s32 $0x20, s9;
	v56 =	vld.idx.msk [tilespmem:v40+s10+$0x0], $0xffff;
	v52 =	vor.u32 $0x4, v13;
	v49 =	vmin.f32 v18, $1.000000000e+00;
	v17 =	vmul.f32 v17, v27  }
0x218: {  	v15 =	vadd.f32 v15, v41;
	v18 =	vld [tilespmem:s9+$0x0];
	v20 =	vadd.f32 v20, v31;
	v31 =	vor.u32 $0x1, v26;
	[tilespmem:s17+$0xFFFFFFF0] =	vst v49  }
0x219: {  	v19 =	vor.u32 $0x2, v16;
	v16 =	vor.u32 $0x6, v16;
	v49 =	vld.idx.msk [tilespmem:v29+s10+$0x0], $0xffff;
	v17 =	vadd.f32 v17, v24  }
0x21a: {  	v15 =	vsub.f32 v15, v22;
	v58 =	vsub.f32 v37, v43;
	v40 =	vld.idx.msk [tilespmem:v13+s30+$0x0], $0xffff;
	v20 =	vmax.f32 v20, $0.0e+00  }
0x21b: {  	s19 =	sadd.s32 $0x20, s18;
	v34 =	vld.idx.msk [tilespmem:v13+s10+$0x0], $0xffff;
	v24 =	vsub.f32 v50, v42;
	v20 =	vmin.f32 v20, $1.000000000e+00;
	v17 =	vmax.f32 v17, $0.0e+00  }
0x21c: {  	v12 =	vmul.f32 v15, v12;
	v33 =	vld.idx.msk [tilespmem:v52+s10+$0x0], $0xffff;
	[tilespmem:s19+$0xFFFFFA60] =	vst v20;
	v20 =	vmov s22;
	v17 =	vmin.f32 v17, $1.000000000e+00  }
0x21d: {  	v59 =	vld.idx.msk [tilespmem:v31+s30+$0x0], $0xffff;
	[tilespmem:s18+$0x0] =	vst v17;
	v17 =	vshll.u32 v20, $0x3;
	v20 =	vmul.f32 v24, v8;
	v24 =	vmul.f32 v58, v8  }
0x21e: {  	s11 =	sadd.s32 $0x20, s22;
	v62 =	vor.u32 $0x1, v36;
	v12 =	vadd.f32 v12, v22;
	v31 =	vld.idx.msk [tilespmem:v31+s10+$0x0], $0xffff  }
0x21f: {  	s28 =	sadd.s32 $0x10, s11;
	v63 =	vor.u32 $0x5, v36;
	v55 =	vld.idx.msk [tilespmem:v60+s10+$0x0], $0xffff;
	v20 =	vadd.f32 v20, v42;
	v24 =	vadd.f32 v24, v43  }
0x220: {  	v51 =	vmov s28;
	v15 =	vor.u32 $0x2, v36;
	v12 =	vmax.f32 v12, $0.0e+00;
	v61 =	vld.idx.msk [tilespmem:v19+s30+$0x0], $0xffff  }
0x221: {  	v44 =	vmin.f32 v12, $1.000000000e+00;
	v45 =	vor.u32 v0, v17;
	v46 =	vld.idx.msk [tilespmem:v16+s30+$0x0], $0xffff;
	v22 =	vsub.f32 v24, v20  }
0x222: {  	v21 =	vld.idx.msk [tilespmem:v16+s10+$0x0], $0xffff;
	v16 =	vor.u32 $0x6, v36;
	v24 =	vsub.f32 v30, v32;
	v30 =	vsub.f32 v56, v53  }
0x223: {  	v19 =	vld.idx.msk [tilespmem:v19+s10+$0x0], $0xffff;
	v17 =	vor.u32 $0x4, v45;
	v33 =	vsub.f32 v33, v34;
	v54 =	vmul.f32 v22, v7  }
0x224: {  	v57 =	vld.idx.msk [tilespmem:v52+s30+$0x0], $0xffff;
	v39 =	vsub.f32 v55, v31;
	v12 =	vmul.f32 v24, v6;
	v30 =	vmul.f32 v30, v6  }
0x225: {  	v47 =	vld.idx.msk [tilespmem:v60+s30+$0x0], $0xffff;
	v33 =	vmul.f32 v33, v18;
	v24 =	vor.u32 $0x1, v45;
	v20 =	vadd.f32 v54, v20  }
0x226: {  	v22 =	vor.u32 $0x5, v45;
	v38 =	vld.idx.msk [tilespmem:v45+s30+$0x0], $0xffff;
	v32 =	vadd.f32 v12, v32;
	v12 =	vadd.f32 v30, v53  }
0x227: {  	v50 =	vld.idx.msk [tilespmem:v45+s10+$0x0], $0xffff;
	v39 =	vmul.f32 v39, v25;
	v30 =	vsub.f32 v46, v61;
	v20 =	vmax.f32 v20, $0.0e+00  }
0x228: {  	v36 =	vld.idx.msk [tilespmem:v17+s10+$0x0], $0xffff;
	v56 =	vsub.f32 v12, v32;
	v12 =	vmin.f32 v20, $1.000000000e+00;
	v20 =	vsub.f32 v21, v19  }
0x229: {  	v33 =	vadd.f32 v33, v34;
	v48 =	vld.idx.msk [tilespmem:v17+s30+$0x0], $0xffff;
	v17 =	vor.u32 $0x2, v45;
	v30 =	vmul.f32 v30, v11  }
0x22a: {  	v21 =	vsub.f32 v57, v40;
	[tilespmem:s19+$0xFFFFFA50] =	vst v12;
	v12 =	vld [tilespmem:s9+$0xFFFFFFF0];
	v11 =	vmul.f32 v20, v11;
	v20 =	vsub.f32 v47, v59  }
0x22b: {  	v31 =	vadd.f32 v39, v31;
	v30 =	vadd.f32 v30, v61;
	v61 =	vmov s11;
	v41 =	vld.idx.msk [tilespmem:v62+s30+$0x0], $0xffff  }
0x22c: {  	s24 =	sadd.s32 $0x20, s24;
	v21 =	vmul.f32 v21, v18;
	v35 =	vld.idx.msk [tilespmem:v63+s30+$0x0], $0xffff;
	v47 =	vshll.u32 v61, $0x3;
	v20 =	vmul.f32 v20, v25  }
0x22d: {  	v36 =	vsub.f32 v36, v50;
	v47 =	vor.u32 v0, v47;
	v57 =	vadd.f32 v11, v19;
	v19 =	vld [tilespmem:s24+$0x0]  }
0x22e: {  	v42 =	vld.idx.msk [tilespmem:v62+s10+$0x0], $0xffff;
	v40 =	vadd.f32 v21, v40;
	v21 =	vshll.u32 v51, $0x3;
	v58 =	vadd.f32 v20, v59  }
0x22f: {  	v21 =	vor.u32 v0, v21;
	v20 =	vor.u32 $0x6, v45;
	v45 =	vld.idx.msk [tilespmem:v29+s30+$0x0], $0xffff;
	v29 =	vsub.f32 v48, v38  }
0x230: {  	v60 =	vld.idx.msk [tilespmem:v63+s10+$0x0], $0xffff;
	v59 =	vmul.f32 v56, v5;
	v33 =	vsub.f32 v33, v40;
	v31 =	vsub.f32 v31, v58  }
0x231: {  	v11 =	vld [tilespmem:s24+$0xFFFFFFF0];
	v55 =	vor.u32 $0x4, v21;
	v36 =	vmul.f32 v36, v12;
	v29 =	vmul.f32 v29, v12  }
0x232: {  	v54 =	vsub.f32 v57, v30;
	v57 =	vld.idx.msk [tilespmem:v28+s30+$0x0], $0xffff;
	v56 =	vmul.f32 v33, v19;
	v62 =	vmul.f32 v31, v9  }
0x233: {  	v28 =	vld.idx.msk [tilespmem:v28+s10+$0x0], $0xffff;
	v38 =	vadd.f32 v29, v38;
	v29 =	vadd.f32 v36, v50;
	v50 =	vor.u32 $0x4, v47  }
0x234: {  	v63 =	vor.u32 $0x1, v13;
	v31 =	vld.idx.msk [tilespmem:v21+s30+$0x0], $0xffff;
	v40 =	vadd.f32 v56, v40  }
0x235: {  	v37 =	vadd.f32 v59, v32;
	v32 =	vld.idx.msk [tilespmem:v21+s10+$0x0], $0xffff;
	v34 =	vadd.f32 v62, v58;
	v58 =	vor.u32 $0x2, v26  }
0x236: {  	v27 =	vmul.f32 v54, v27;
	v51 =	vld.idx.msk [tilespmem:v55+s30+$0x0], $0xffff;
	v26 =	vor.u32 $0x6, v26;
	v40 =	vmax.f32 v40, $0.0e+00  }
0x237: {  	s20 =	sadd.s32 $0x20, s19;
	v46 =	vld.idx.msk [tilespmem:v55+s10+$0x0], $0xffff;
	v40 =	vmin.f32 v40, $1.000000000e+00;
	v34 =	vmax.f32 v34, $0.0e+00  }
0x238: {  	v27 =	vadd.f32 v27, v30;
	[tilespmem:s20+$0xFFFFFA60] =	vst v40;
	v30 =	vmin.f32 v34, $1.000000000e+00;
	v43 =	vld.idx.msk [tilespmem:v50+s30+$0x0], $0xffff  }
0x239: {  	v59 =	vsub.f32 v60, v42;
	v34 =	vld.idx.msk [tilespmem:v63+s30+$0x0], $0xffff;
	[tilespmem:s19+$0x0] =	vst v30;
	v30 =	vsub.f32 v35, v41  }
0x23a: {  	v27 =	vmax.f32 v27, $0.0e+00;
	v60 =	vsub.f32 v29, v38;
	v40 =	vor.u32 $0x5, v13;
	v35 =	vld.idx.msk [tilespmem:v58+s30+$0x0], $0xffff  }
0x23b: {  	v53 =	vmul.f32 v59, v8;
	v54 =	vmin.f32 v27, $1.000000000e+00;
	v52 =	vld.idx.msk [tilespmem:v26+s30+$0x0], $0xffff;
	v30 =	vmul.f32 v30, v8  }
0x23c: {  	v27 =	vsub.f32 v57, v45;
	v61 =	vmul.f32 v60, v11;
	v55 =	vld.idx.msk [tilespmem:v26+s10+$0x0], $0xffff;
	v26 =	vsub.f32 v28, v49  }
0x23d: {  	v37 =	vmax.f32 v37, $0.0e+00;
	v36 =	vld.idx.msk [tilespmem:v58+s10+$0x0], $0xffff;
	v28 =	vadd.f32 v53, v42;
	v41 =	vadd.f32 v30, v41  }
0x23e: {  	v37 =	vmin.f32 v37, $1.000000000e+00;
	v29 =	vor.u32 $0x1, v47;
	v39 =	vld.idx.msk [tilespmem:v63+s10+$0x0], $0xffff;
	v33 =	vadd.f32 v61, v38  }
0x23f: {  	v62 =	vmul.f32 v27, v23;
	v27 =	vor.u32 $0x2, v47;
	v56 =	vld.idx.msk [tilespmem:v40+s30+$0x0], $0xffff;
	v58 =	vsub.f32 v28, v41  }
0x240: {  	v48 =	vsub.f32 v51, v31;
	v60 =	vmax.f32 v33, $0.0e+00;
	v63 =	vmul.f32 v26, v23;
	v57 =	vld.idx.msk [tilespmem:v40+s10+$0x0], $0xffff  }
0x241: {  	s9 =	sadd.s32 $0x20, s9;
	v42 =	vld.idx.msk [tilespmem:v50+s10+$0x0], $0xffff;
	v23 =	vor.u32 $0x6, v47;
	v26 =	vadd.f32 v62, v45;
	v59 =	vmul.f32 v58, v7  }
0x242: {  	[tilespmem:s17+$0x5A0] =	vst v44;
	v33 =	vld [tilespmem:s9+$0x0];
	v30 =	vor.u32 $0x5, v47;
	v61 =	vsub.f32 v52, v35;
	v62 =	vsub.f32 v55, v36  }
0x243: {  	[tilespmem:s18+$0xFFFFFFF0] =	vst v37;
	v40 =	vld.idx.msk [tilespmem:v47+s30+$0x0], $0xffff;
	v28 =	vadd.f32 v63, v49;
	v63 =	vmin.f32 v60, $1.000000000e+00;
	v38 =	vadd.f32 v59, v41  }
0x244: {  	s21 =	sadd.s32 $0x1D0A8, s23;
	s2 =	simm.s32 $0x8;
	[tilespmem:s18+$0x5A0] =	vst v54;
	v49 =	vsub.f32 v46, v32;
	v44 =	vmul.f32 v61, v25;
	v45 =	vmul.f32 v62, v25;
	v25 =	vld [tilespmem:s9+$0xFFFFFFF0]  }
0x245: {  	s22 =	sor.u32 $0x1CB08, s23;
	s23 =	sadd.s32 $0x1D648, s23;
	s11 =	sadd.s32 $0x20, s11;
	[tilespmem:s20+$0xFFFFFA50] =	vst v63;
	v46 =	vsub.f32 v56, v34;
	v41 =	vld.idx.msk [tilespmem:v47+s10+$0x0], $0xffff;
	v47 =	vsub.f32 v57, v39;
	v37 =	vmax.f32 v38, $0.0e+00  }
.LBB2_11:
0x246: {  	v50 =	vmov s11;
	s14 =	sadd.s32 $0x10, s11;
	v51 =	vld.idx.msk [tilespmem:v24+s30+$0x0], $0xffff;
	v35 =	vadd.f32 v44, v35;
	v36 =	vadd.f32 v45, v36;
	s12 =	smov.u32 s19;
	s19 =	smov.u32 s20  }
0x247: {  	s24 =	sadd.s32 $0x20, s24;
	v44 =	vmov s14;
	v45 =	vmul.f32 v48, v33;
	v48 =	vmul.f32 v49, v33;
	v49 =	vld.idx.msk [tilespmem:v22+s30+$0x0], $0xffff;
	v38 =	vmovc v33  }
0x248: {  	v46 =	vmul.f32 v46, v18;
	v47 =	vmul.f32 v47, v18;
	v33 =	vld [tilespmem:s24+$0x0];
	v36 =	vsub.f32 v36, v35  }
0x249: {  	v44 =	vshll.u32 v44, $0x3;
	v52 =	vld [tilespmem:s24+$0xFFFFFFF0];
	v31 =	vadd.f32 v45, v31;
	v32 =	vadd.f32 v48, v32  }
0x24a: {  	v34 =	vadd.f32 v46, v34;
	v53 =	vadd.f32 v47, v39;
	v45 =	vld.idx.msk [tilespmem:v24+s10+$0x0], $0xffff;
	v36 =	vmul.f32 v36, v9  }
0x24b: {  	v39 =	vshll.u32 v50, $0x3;
	v44 =	vor.u32 v0, v44;
	v9 =	vmovc v19;
	v32 =	vsub.f32 v32, v31;
	v46 =	vld.idx.msk [tilespmem:v22+s10+$0x0], $0xffff  }
0x24c: {  	v47 =	vor.u32 v0, v39;
	v54 =	vsub.f32 v53, v34;
	v35 =	vadd.f32 v36, v35;
	v48 =	vld.idx.msk [tilespmem:v10+s30+$0x0], $0xffff  }
0x24d: {  	v24 =	vmovc v29;
	v50 =	vor.u32 $0x4, v47;
	v36 =	vor.u32 $0x4, v44;
	v32 =	vmul.f32 v32, v33;
	v39 =	vld.idx.msk [tilespmem:v14+s30+$0x0], $0xffff;
	v19 =	vmovc v33  }
0x24e: {  	v29 =	vsub.f32 v43, v40;
	v22 =	vmovc v30;
	v33 =	vmul.f32 v54, v9;
	v35 =	vmax.f32 v35, $0.0e+00;
	v53 =	vld.idx.msk [tilespmem:v10+s10+$0x0], $0xffff  }
0x24f: {  	v43 =	vor.u32 $0x1, v21;
	v10 =	vmovc v15;
	v15 =	vmovc v17;
	v30 =	vadd.f32 v32, v31;
	v32 =	vmin.f32 v35, $1.000000000e+00;
	v54 =	vld.idx.msk [tilespmem:v14+s10+$0x0], $0xffff  }
0x250: {  	v57 =	vsub.f32 v42, v41;
	v56 =	vadd.f32 v33, v34;
	v33 =	vor.u32 $0x2, v13;
	v31 =	vld.idx.msk [tilespmem:v44+s30+$0x0], $0xffff;
	[tilespmem:s12+$0x5A0] =	vst v32  }
0x251: {  	v42 =	vor.u32 $0x6, v13;
	v34 =	vmul.f32 v29, v25;
	v13 =	vmovc v21;
	v21 =	vmovc v44;
	v32 =	vld.idx.msk [tilespmem:v44+s10+$0x0], $0xffff;
	v29 =	vmax.f32 v30, $0.0e+00  }
0x252: {  	s20 =	sadd.s32 $0x20, s20;
	v17 =	vmovc v27;
	v35 =	vmul.f32 v57, v25;
	v14 =	vmovc v16;
	v55 =	vmax.f32 v56, $0.0e+00;
	v44 =	vld.idx.msk [tilespmem:v36+s30+$0x0], $0xffff;
	v30 =	vmin.f32 v29, $1.000000000e+00  }
0x253: {  	v16 =	vmovc v20;
	v40 =	vadd.f32 v34, v40;
	v29 =	vor.u32 $0x1, v47;
	v27 =	vmin.f32 v55, $1.000000000e+00;
	v56 =	vld.idx.msk [tilespmem:v36+s10+$0x0], $0xffff;
	[tilespmem:s20+$0xFFFFFA60] =	vst v30  }
0x254: {  	v20 =	vmovc v23;
	v30 =	vor.u32 $0x5, v47;
	v36 =	vadd.f32 v35, v41;
	v41 =	vor.u32 $0x5, v13;
	v34 =	vld.idx.msk [tilespmem:v43+s30+$0x0], $0xffff;
	[tilespmem:s19+$0x0] =	vst v27  }
0x255: {  	v37 =	vmin.f32 v37, $1.000000000e+00;
	v49 =	vsub.f32 v49, v51;
	v46 =	vsub.f32 v46, v45;
	v35 =	vld.idx.msk [tilespmem:v33+s30+$0x0], $0xffff  }
0x256: {  	v23 =	vor.u32 $0x6, v47;
	v27 =	vor.u32 $0x2, v47;
	v55 =	vsub.f32 v36, v40;
	v57 =	vld.idx.msk [tilespmem:v42+s30+$0x0], $0xffff;
	[tilespmem:s12+$0xFFFFFFF0] =	vst v37  }
0x257: {  	v46 =	vmul.f32 v46, v12;
	v37 =	vmul.f32 v49, v12;
	v36 =	vld.idx.msk [tilespmem:v33+s10+$0x0], $0xffff;
	v33 =	vsub.f32 v39, v48  }
0x258: {  	v28 =	vsub.f32 v28, v26;
	v39 =	vmul.f32 v55, v52;
	v49 =	vld.idx.msk [tilespmem:v42+s10+$0x0], $0xffff;
	v42 =	vsub.f32 v54, v53  }
0x259: {  	v45 =	vadd.f32 v46, v45;
	v37 =	vadd.f32 v37, v51;
	v54 =	vld.idx.msk [tilespmem:v41+s30+$0x0], $0xffff;
	v33 =	vmul.f32 v33, v6  }
0x25a: {  	v40 =	vadd.f32 v39, v40;
	v39 =	vld.idx.msk [tilespmem:v43+s10+$0x0], $0xffff;
	v46 =	vmul.f32 v42, v6;
	v42 =	vmul.f32 v28, v4  }
0x25b: {  	s2 =	sadd.s32 $0x2, s2;
	v4 =	vmovc v5;
	v5 =	vmov v7;
	v51 =	vld.idx.msk [tilespmem:v41+s10+$0x0], $0xffff;
	v41 =	vsub.f32 v45, v37;
	v33 =	vadd.f32 v33, v48  }
0x25c: {  	p1 =	slt.u32 s2, $0x58;
	v7 =	vmovc v11;
	v40 =	vmax.f32 v40, $0.0e+00;
	v43 =	vld.idx.msk [tilespmem:v50+s30+$0x0], $0xffff;
	v28 =	vadd.f32 v46, v53;
	v45 =	vadd.f32 v42, v26  }
.Ltmp4:
0x25d: {  	s9 =	sadd.s32 $0x20, s9;
	v11 =	vmovc v52;
	v6 =	vmovc v8;
	v40 =	vmin.f32 v40, $1.000000000e+00;
	v42 =	vld.idx.msk [tilespmem:v50+s10+$0x0], $0xffff;
	v41 =	vmul.f32 v41, v7;
	v26 =	vmov v33;
	(pc) =	sbr.rel @p1 .LBB2_11-.Ltmp4, $4  }
0x25e: {  	v8 =	vmovc v12;
	v46 =	vsub.f32 v57, v35;
	v50 =	vsub.f32 v49, v36;
	v33 =	vld [tilespmem:s9+$0x0];
	[tilespmem:s20+$0xFFFFFA50] =	vst v40;
	v45 =	vmax.f32 v45, $0.0e+00  }
0x25f: {  	v12 =	vmovc v25;
	v48 =	vsub.f32 v44, v31;
	v40 =	vld.idx.msk [tilespmem:v47+s30+$0x0], $0xffff;
	v37 =	vadd.f32 v41, v37;
	v52 =	vmin.f32 v45, $1.000000000e+00  }
0x260: {  	v49 =	vsub.f32 v56, v32;
	v44 =	vmul.f32 v46, v18;
	v45 =	vmul.f32 v50, v18;
	v41 =	vld.idx.msk [tilespmem:v47+s10+$0x0], $0xffff  }
0x261: {  	s11 =	sadd.s32 $0x20, s11;
	v46 =	vsub.f32 v54, v34;
	v18 =	vmovc v38;
	v47 =	vsub.f32 v51, v39;
	v25 =	vld [tilespmem:s9+$0xFFFFFFF0];
	v37 =	vmax.f32 v37, $0.0e+00;
	[tilespmem:s17+$0x590] =	vst v52;
	s17 =	smov.u32 s18;
	s18 =	smov.u32 s12  }
0x262: {  	_ = 	snop  }
0x263: {  	s2 =	sadd.s32 $0x20, s24;
	v48 =	vmul.f32 v48, v33;
	v49 =	vmul.f32 v49, v33  }
0x264: {  	v38 =	vld [tilespmem:s2+$0x0]  }
0x265: {  	v31 =	vadd.f32 v48, v31;
	v32 =	vadd.f32 v49, v32;
	_ =	sdelay $0x1  }
0x266: {  	v32 =	vsub.f32 v32, v31  }
0x267: {  	v43 =	vsub.f32 v43, v40;
	v42 =	vsub.f32 v42, v41  }
0x268: {  	v32 =	vmul.f32 v32, v38  }
0x269: {  	v43 =	vmul.f32 v43, v25;
	v42 =	vmul.f32 v42, v25  }
0x26a: {  	v52 =	vor.u32 $0x1, v21;
	v32 =	vadd.f32 v32, v31;
	v31 =	vld [tilespmem:s2+$0xFFFFFFF0]  }
0x26b: {  	v53 =	vor.u32 $0x5, v21;
	v60 =	vld.idx.msk [tilespmem:v22+s30+$0x0], $0xffff;
	v54 =	vadd.f32 v43, v40;
	v55 =	vadd.f32 v42, v41  }
0x26c: {  	v61 =	vld.idx.msk [tilespmem:v24+s10+$0x0], $0xffff;
	v32 =	vmax.f32 v32, $0.0e+00  }
0x26d: {  	s25 =	sadd.s32 $0x20, s20;
	v62 =	vld.idx.msk [tilespmem:v22+s10+$0x0], $0xffff;
	v41 =	vsub.f32 v55, v54;
	v32 =	vmin.f32 v32, $1.000000000e+00  }
0x26e: {  	v56 =	vmul.f32 v46, v18;
	v57 =	vmul.f32 v47, v18;
	v42 =	vld.idx.msk [tilespmem:v24+s30+$0x0], $0xffff;
	[tilespmem:s25+$0xFFFFFA60] =	vst v32  }
0x26f: {  	v32 =	vld.idx.msk [tilespmem:v52+s30+$0x0], $0xffff;
	v41 =	vmul.f32 v41, v31  }
0x270: {  	v34 =	vadd.f32 v56, v34;
	v39 =	vadd.f32 v57, v39;
	v58 =	vld.idx.msk [tilespmem:v53+s30+$0x0], $0xffff  }
0x271: {  	v48 =	vld.idx.msk [tilespmem:v52+s10+$0x0], $0xffff;
	v40 =	vadd.f32 v41, v54  }
0x272: {  	v39 =	vsub.f32 v39, v34;
	v59 =	vld.idx.msk [tilespmem:v53+s10+$0x0], $0xffff  }
0x273: {  	v37 =	vmin.f32 v37, $1.000000000e+00;
	v22 =	vsub.f32 v62, v61;
	v40 =	vmax.f32 v40, $0.0e+00  }
0x274: {  	[tilespmem:s19+$0xFFFFFFF0] =	vst v37;
	v39 =	vmul.f32 v39, v19;
	v46 =	vsub.f32 v60, v42;
	v40 =	vmin.f32 v40, $1.000000000e+00  }
0x275: {  	v35 =	vadd.f32 v44, v35;
	v44 =	vld.idx.msk [tilespmem:v15+s30+$0x0], $0xffff;
	[tilespmem:s25+$0xFFFFFA50] =	vst v40  }
0x276: {  	v22 =	vmul.f32 v22, v12;
	v34 =	vadd.f32 v39, v34;
	v46 =	vmul.f32 v46, v12;
	v52 =	vld.idx.msk [tilespmem:v29+s30+$0x0], $0xffff  }
0x277: {  	v63 =	vsub.f32 v58, v32;
	v43 =	vsub.f32 v59, v48;
	v54 =	vld.idx.msk [tilespmem:v30+s30+$0x0], $0xffff  }
0x278: {  	v55 =	vor.u32 $0x6, v13;
	v22 =	vadd.f32 v22, v61;
	v42 =	vadd.f32 v46, v42;
	v56 =	vld.idx.msk [tilespmem:v29+s10+$0x0], $0xffff  }
0x279: {  	v53 =	vor.u32 $0x2, v13;
	v40 =	vmul.f32 v63, v33;
	v43 =	vmul.f32 v43, v33;
	v58 =	vld.idx.msk [tilespmem:v30+s10+$0x0], $0xffff  }
0x27a: {  	v50 =	vld.idx.msk [tilespmem:v16+s30+$0x0], $0xffff;
	v34 =	vmax.f32 v34, $0.0e+00;
	v22 =	vsub.f32 v22, v42  }
0x27b: {  	v34 =	vmin.f32 v34, $1.000000000e+00;
	v41 =	vld.idx.msk [tilespmem:v10+s30+$0x0], $0xffff;
	v32 =	vadd.f32 v40, v32;
	v57 =	vadd.f32 v43, v48  }
0x27c: {  	[tilespmem:s20+$0x0] =	vst v34;
	v59 =	vld.idx.msk [tilespmem:v14+s30+$0x0], $0xffff  }
0x27d: {  	v61 =	vld.idx.msk [tilespmem:v55+s30+$0x0], $0xffff;
	v22 =	vmul.f32 v22, v11;
	v40 =	vsub.f32 v57, v32  }
0x27e: {  	v34 =	vld.idx.msk [tilespmem:v53+s30+$0x0], $0xffff;
	v62 =	vsub.f32 v54, v52;
	v30 =	vsub.f32 v58, v56  }
0x27f: {  	v36 =	vadd.f32 v45, v36;
	v10 =	vld.idx.msk [tilespmem:v10+s10+$0x0], $0xffff;
	v22 =	vadd.f32 v22, v42;
	v60 =	vmul.f32 v40, v38  }
0x280: {  	v14 =	vld.idx.msk [tilespmem:v14+s10+$0x0], $0xffff;
	v63 =	vor.u32 $0x2, v21;
	v48 =	vmul.f32 v62, v25;
	v30 =	vmul.f32 v30, v25  }
0x281: {  	v51 =	vld.idx.msk [tilespmem:v15+s10+$0x0], $0xffff;
	v22 =	vmax.f32 v22, $0.0e+00;
	v57 =	vsub.f32 v59, v41;
	v24 =	vadd.f32 v60, v32  }
0x282: {  	v13 =	vld.idx.msk [tilespmem:v55+s10+$0x0], $0xffff;
	v22 =	vmin.f32 v22, $1.000000000e+00;
	v37 =	vadd.f32 v48, v52;
	v29 =	vadd.f32 v30, v56  }
0x283: {  	v49 =	vor.u32 $0x6, v21;
	v45 =	vld.idx.msk [tilespmem:v53+s10+$0x0], $0xffff;
	v54 =	vsub.f32 v61, v34;
	[tilespmem:s20+$0xFFFFFFF0] =	vst v22;
	v61 =	vmul.f32 v57, v6  }
0x284: {  	v36 =	vsub.f32 v36, v35;
	v62 =	vld.idx.msk [tilespmem:v17+s30+$0x0], $0xffff;
	v24 =	vmax.f32 v24, $0.0e+00;
	v53 =	vsub.f32 v29, v37  }
0x285: {  	v14 =	vsub.f32 v14, v10;
	v40 =	vadd.f32 v61, v41;
	v41 =	vld.idx.msk [tilespmem:v20+s10+$0x0], $0xffff;
	v24 =	vmin.f32 v24, $1.000000000e+00  }
0x286: {  	v52 =	vld.idx.msk [tilespmem:v16+s10+$0x0], $0xffff;
	[tilespmem:s25+$0x0] =	vst v24;
	v24 =	vmul.f32 v53, v31  }
0x287: {  	v9 =	vmul.f32 v36, v9;
	v36 =	vmul.f32 v14, v6;
	v55 =	vld.idx.msk [tilespmem:v63+s30+$0x0], $0xffff  }
0x288: {  	v56 =	vld.idx.msk [tilespmem:v49+s30+$0x0], $0xffff;
	v59 =	vadd.f32 v24, v37  }
0x289: {  	v13 =	vsub.f32 v13, v45;
	v6 =	vadd.f32 v36, v10;
	v32 =	vld.idx.msk [tilespmem:v63+s10+$0x0], $0xffff  }
0x28a: {  	v9 =	vadd.f32 v9, v35;
	v60 =	vsub.f32 v28, v26;
	v58 =	vld.idx.msk [tilespmem:v49+s10+$0x0], $0xffff;
	v21 =	vmax.f32 v59, $0.0e+00  }
0x28b: {  	v13 =	vmul.f32 v13, v18;
	v6 =	vsub.f32 v6, v40;
	v63 =	vld.idx.msk [tilespmem:v20+s30+$0x0], $0xffff;
	v39 =	vmin.f32 v21, $1.000000000e+00  }
0x28c: {  	v43 =	vsub.f32 v50, v44;
	v4 =	vmul.f32 v60, v4;
	v37 =	vld.idx.msk [tilespmem:v17+s10+$0x0], $0xffff;
	[tilespmem:s25+$0xFFFFFFF0] =	vst v39  }
0x28d: {  	v13 =	vadd.f32 v13, v45;
	v29 =	vmul.f32 v54, v18;
	v5 =	vmul.f32 v6, v5;
	v42 =	vld.idx.msk [tilespmem:v27+s30+$0x0], $0xffff  }
0x28e: {  	v4 =	vadd.f32 v4, v26;
	v16 =	vsub.f32 v52, v51;
	v45 =	vld.idx.msk [tilespmem:v23+s30+$0x0], $0xffff  }
0x28f: {  	v29 =	vadd.f32 v29, v34;
	v5 =	vadd.f32 v5, v40;
	v17 =	vmul.f32 v43, v8;
	v47 =	vld.idx.msk [tilespmem:v27+s10+$0x0], $0xffff  }
0x290: {  	v48 =	vmul.f32 v16, v8;
	v46 =	vsub.f32 v56, v55;
	v18 =	vsub.f32 v58, v32;
	v49 =	vld.idx.msk [tilespmem:v23+s10+$0x0], $0xffff  }
0x291: {  	v13 =	vsub.f32 v13, v29;
	v17 =	vadd.f32 v17, v44  }
0x292: {  	v8 =	vadd.f32 v48, v51;
	v22 =	vmul.f32 v46, v33;
	v18 =	vmul.f32 v18, v33  }
0x293: {  	v9 =	vmax.f32 v9, $0.0e+00;
	v51 =	vsub.f32 v63, v62;
	v20 =	vsub.f32 v41, v37  }
0x294: {  	v9 =	vmin.f32 v9, $1.000000000e+00;
	v50 =	vadd.f32 v22, v55;
	v18 =	vadd.f32 v18, v32  }
0x295: {  	v13 =	vmul.f32 v13, v19;
	v19 =	vsub.f32 v45, v42;
	v16 =	vsub.f32 v49, v47  }
0x296: {  	v8 =	vsub.f32 v8, v17;
	v22 =	vmul.f32 v51, v12;
	v52 =	vmul.f32 v20, v12  }
0x297: {  	v18 =	vsub.f32 v18, v50;
	v19 =	vmul.f32 v19, v25;
	v16 =	vmul.f32 v16, v25  }
0x298: {  	v4 =	vmax.f32 v4, $0.0e+00;
	v53 =	vadd.f32 v22, v62;
	v12 =	vadd.f32 v52, v37  }
0x299: {  	v4 =	vmin.f32 v4, $1.000000000e+00;
	v54 =	vadd.f32 v19, v42;
	v55 =	vadd.f32 v16, v47  }
0x29a: {  	[tilespmem:s17+$0x590] =	vst v4;
	v4 =	vmax.f32 v5, $0.0e+00;
	v56 =	vmul.f32 v18, v38;
	v12 =	vsub.f32 v12, v53  }
0x29b: {  	v13 =	vadd.f32 v13, v29;
	v7 =	vmul.f32 v8, v7;
	v57 =	vsub.f32 v55, v54  }
0x29c: {  	v4 =	vmin.f32 v4, $1.000000000e+00;
	v59 =	vadd.f32 v56, v50;
	v60 =	vmul.f32 v12, v11  }
0x29d: {  	[tilespmem:s19+$0x5A0] =	vst v9;
	v13 =	vmax.f32 v13, $0.0e+00;
	v5 =	vadd.f32 v7, v17;
	v61 =	vmul.f32 v57, v31  }
0x29e: {  	[tilespmem:s18+$0x590] =	vst v4;
	v58 =	vmin.f32 v13, $1.000000000e+00;
	v62 =	vmax.f32 v59, $0.0e+00;
	v63 =	vadd.f32 v60, v53  }
0x29f: {  	s9 =	smul.u32 $0x5A0, s15;
	[tilespmem:s20+$0x5A0] =	vst v58;
	v5 =	vmax.f32 v5, $0.0e+00;
	v4 =	vmin.f32 v62, $1.000000000e+00;
	v6 =	vadd.f32 v61, v54  }
0x2a0: {  	[tilespmem:s25+$0x5A0] =	vst v4;
	v4 =	vmin.f32 v5, $1.000000000e+00;
	v5 =	vmax.f32 v63, $0.0e+00  }
0x2a1: {  	s9 =	sadd.s32 s7, s9;
	[tilespmem:s19+$0x590] =	vst v4;
	v4 =	vmin.f32 v5, $1.000000000e+00;
	v5 =	vmax.f32 v6, $0.0e+00  }
0x2a2: {  	s9 =	sshrl.u32 s9, $0x3;
	[tilespmem:s20+$0x590] =	vst v4;
	v4 =	vmin.f32 v5, $1.000000000e+00  }
0x2a3: {  	p1 =	sne.s32 s13, $0x2D;
	s28 =	sadd.s32 s8, s9;
	[tilespmem:s25+$0x590] =	vst v4  }
0x2a4: {  	[hbm4b:s28+s4] =	stream.linear.scatter [tilespmem:s22], [sflag:$0x5], $0x5A0, $0x38;
	[tilespmem:$0x1ECC8] =	vst v63  }
.Ltmp5:
0x2a5: {  	_ = 	snop;
	(pc) =	sbr.rel @p1 .LBB2_8-.Ltmp5, $4  }
0x2a6: {  	s9 =	sadd.s32 $0x3F480, s28  }
0x2a7: {  	[hbm4b:s9+s4] =	stream.linear.scatter [tilespmem:s21], [sflag:$0x5], $0x5A0, $0x38;
	[tilespmem:$0x1ECC8] =	vst v63  }
0x2a8: {  	p0 =	por !p0, !p0;
	s15 =	smov.u32 s13;
	s2 =	sadd.s32 $0x7E900, s28  }
0x2a9: {  	[hbm4b:s2+s4] =	stream.linear.scatter [tilespmem:s23], [sflag:$0x5], $0x5A0, $0x38;
	[tilespmem:$0x1ECC8] =	vst v63  }
0x2aa: {  	_ =	swait.ge [sflag:s0], $0x2D00  }
0x2ab: {  	s2 =	simm.s32 $0x10;
	[sflag:s0] =	ssyncset.done $0x0  }
0x2ac: {  	v4 =	vmov s2;
	[sflag:s0] =	ssyncadd.s32 $0xFFFFD300  }
0x2ad: {  	v4 =	vshll.u32 v4, $0x3;
	_ =	swait.ge [sflag:s0], $0x2D00  }
0x2ae: {  	v8 =	vor.u32 v0, v4;
	[sflag:s0] =	ssyncset.done $0x0  }
0x2af: {  	s20 =	simm.s32 $0x5;
	[sflag:s0] =	ssyncadd.s32 $0xFFFFD300  }
0x2b0: {  	v4 =	vor.u32 $0x4, v8;
	_ =	swait.ge [sflag:s20], $0x10E0  }
0x2b1: {  	[sflag:s20] =	ssyncset.done $0x0  }
0x2b2: {  	[sflag:s20] =	ssyncadd.s32 $0xFFFFEF20  }
0x2b3: {  	v5 =	vld.idx.msk [tilespmem:v8+s30+$0x0], $0xffff  }
0x2b4: {  	s25 =	simm.s32 $0x0;
	v6 =	vld.idx.msk [tilespmem:v8+s10+$0x0], $0xffff  }
0x2b5: {  	v7 =	vmov s25;
	v9 =	vld.idx.msk [tilespmem:v4+s30+$0x0], $0xffff  }
0x2b6: {  	v7 =	vshll.u32 v7, $0x3;
	v4 =	vld.idx.msk [tilespmem:v4+s10+$0x0], $0xffff  }
0x2b7: {  	s28 =	simm.s32 $0x10098;
	v7 =	vor.u32 v0, v7  }
0x2b8: {  	v10 =	vor.u32 $0x4, v7;
	v15 =	vld [tilespmem:s28+$0x0];
	_ =	sdelay $0x2  }
0x2b9: {  	v9 =	vsub.f32 v9, v5;
	v4 =	vsub.f32 v4, v6;
	_ =	sdelay $0x1  }
0x2ba: {  	s9 =	simm.s32 $0x10BD8;
	s11 =	simm.s32 $0x30;
	v11 =	vld.idx.msk [tilespmem:v10+s30+$0x0], $0xffff;
	v9 =	vmul.f32 v9, v15;
	v4 =	vmul.f32 v4, v15  }
0x2bb: {  	v13 =	vmov s11;
	v12 =	vld [tilespmem:s9+$0x0]  }
0x2bc: {  	v10 =	vld.idx.msk [tilespmem:v10+s10+$0x0], $0xffff;
	v5 =	vadd.f32 v9, v5;
	v4 =	vadd.f32 v4, v6;
	v9 =	vshll.u32 v13, $0x3  }
0x2bd: {  	v6 =	vld.idx.msk [tilespmem:v7+s30+$0x0], $0xffff;
	v16 =	vor.u32 v0, v9  }
0x2be: {  	v13 =	vld.idx.msk [tilespmem:v7+s10+$0x0], $0xffff;
	v4 =	vsub.f32 v4, v5  }
0x2bf: {  	v23 =	vld [tilespmem:s28+$0xFFFFFFF0];
	v9 =	vor.u32 $0x4, v16  }
0x2c0: {  	v14 =	vmul.f32 v4, v12  }
0x2c1: {  	v4 =	vld [tilespmem:s9+$0xFFFFFFF0]  }
0x2c2: {  	v11 =	vsub.f32 v11, v6;
	v5 =	vadd.f32 v14, v5;
	v14 =	vor.u32 $0x1, v8;
	v17 =	vld.idx.msk [tilespmem:v16+s30+$0x0], $0xffff  }
0x2c3: {  	v18 =	vor.u32 $0x5, v8;
	v10 =	vsub.f32 v10, v13;
	v19 =	vld.idx.msk [tilespmem:v16+s10+$0x0], $0xffff  }
0x2c4: {  	v11 =	vmul.f32 v11, v23;
	v20 =	vld.idx.msk [tilespmem:v9+s30+$0x0], $0xffff;
	v5 =	vmax.f32 v5, $0.0e+00  }
0x2c5: {  	s13 =	simm.s32 $0x1D0B8;
	s12 =	simm.s32 $0x20;
	s14 =	simm.s32 $0x100B8;
	v10 =	vmul.f32 v10, v23;
	v9 =	vld.idx.msk [tilespmem:v9+s10+$0x0], $0xffff;
	v5 =	vmin.f32 v5, $1.000000000e+00  }
0x2c6: {  	v21 =	vmov s12;
	v6 =	vadd.f32 v11, v6;
	v11 =	vld [tilespmem:s14+$0x0];
	[tilespmem:s13+$0xFFFFFA60] =	vst v5  }
0x2c7: {  	v10 =	vadd.f32 v10, v13;
	v5 =	vshll.u32 v21, $0x3;
	v13 =	vld.idx.msk [tilespmem:v14+s30+$0x0], $0xffff  }
0x2c8: {  	v21 =	vor.u32 v0, v5;
	v5 =	vld.idx.msk [tilespmem:v18+s30+$0x0], $0xffff  }
0x2c9: {  	v14 =	vld.idx.msk [tilespmem:v14+s10+$0x0], $0xffff  }
0x2ca: {  	v10 =	vsub.f32 v10, v6;
	v18 =	vld.idx.msk [tilespmem:v18+s10+$0x0], $0xffff  }
0x2cb: {  	v22 =	vor.u32 $0x4, v21;
	v20 =	vsub.f32 v20, v17;
	v9 =	vsub.f32 v9, v19  }
0x2cc: {  	s15 =	simm.s32 $0x10BF8;
	s17 =	simm.s32 $0x50;
	v10 =	vmul.f32 v10, v4  }
0x2cd: {  	v26 =	vmov s17;
	v27 =	vld [tilespmem:s15+$0x0];
	v20 =	vmul.f32 v20, v11;
	v9 =	vmul.f32 v9, v11  }
0x2ce: {  	v6 =	vadd.f32 v10, v6;
	v10 =	vor.u32 $0x1, v7;
	v5 =	vsub.f32 v5, v13;
	v28 =	vld.idx.msk [tilespmem:v21+s30+$0x0], $0xffff  }
0x2cf: {  	v25 =	vor.u32 $0x5, v7;
	v18 =	vsub.f32 v18, v14;
	v29 =	vld.idx.msk [tilespmem:v21+s10+$0x0], $0xffff;
	v17 =	vadd.f32 v20, v17  }
0x2d0: {  	v9 =	vadd.f32 v9, v19;
	v19 =	vshll.u32 v26, $0x3;
	v24 =	vld.idx.msk [tilespmem:v22+s30+$0x0], $0xffff;
	v6 =	vmax.f32 v6, $0.0e+00  }
0x2d1: {  	v22 =	vld.idx.msk [tilespmem:v22+s10+$0x0], $0xffff;
	v6 =	vmin.f32 v6, $1.000000000e+00;
	v5 =	vmul.f32 v5, v15;
	v18 =	vmul.f32 v18, v15  }
0x2d2: {  	v26 =	vor.u32 v0, v19;
	v9 =	vsub.f32 v9, v17;
	[tilespmem:s13+$0xFFFFFA50] =	vst v6;
	v6 =	vld [tilespmem:s14+$0xFFFFFFF0]  }
0x2d3: {  	v13 =	vadd.f32 v5, v13;
	v5 =	vadd.f32 v18, v14;
	v14 =	vld.idx.msk [tilespmem:v10+s30+$0x0], $0xffff  }
0x2d4: {  	v18 =	vld.idx.msk [tilespmem:v25+s30+$0x0], $0xffff  }
0x2d5: {  	v20 =	vor.u32 $0x4, v26;
	v9 =	vmul.f32 v9, v27;
	v30 =	vld.idx.msk [tilespmem:v10+s10+$0x0], $0xffff;
	v19 =	vsub.f32 v5, v13  }
0x2d6: {  	v5 =	vld [tilespmem:s15+$0xFFFFFFF0]  }
0x2d7: {  	v9 =	vadd.f32 v9, v17;
	v17 =	vor.u32 $0x1, v16;
	v31 =	vld.idx.msk [tilespmem:v26+s30+$0x0], $0xffff;
	v10 =	vmul.f32 v19, v12  }
0x2d8: {  	v32 =	vld.idx.msk [tilespmem:v26+s10+$0x0], $0xffff  }
0x2d9: {  	v19 =	vld.idx.msk [tilespmem:v25+s10+$0x0], $0xffff;
	v9 =	vmax.f32 v9, $0.0e+00;
	v25 =	vor.u32 $0x5, v16;
	v10 =	vadd.f32 v10, v13  }
0x2da: {  	v24 =	vsub.f32 v24, v28;
	s15 =	simm.s32 $0x1D0D8;
	v33 =	vld.idx.msk [tilespmem:v20+s30+$0x0], $0xffff;
	v9 =	vmin.f32 v9, $1.000000000e+00;
	v13 =	vor.u32 $0x2, v8  }
0x2db: {  	v20 =	vld.idx.msk [tilespmem:v20+s10+$0x0], $0xffff;
	v8 =	vor.u32 $0x6, v8;
	[tilespmem:s15+$0xFFFFFA60] =	vst v9;
	v10 =	vmax.f32 v10, $0.0e+00  }
0x2dc: {  	v22 =	vsub.f32 v22, v29;
	v9 =	vmin.f32 v10, $1.000000000e+00;
	v10 =	vmul.f32 v24, v6;
	v24 =	vld.idx.msk [tilespmem:v17+s30+$0x0], $0xffff  }
0x2dd: {  	v17 =	vld.idx.msk [tilespmem:v17+s10+$0x0], $0xffff  }
0x2de: {  	s18 =	simm.s32 $0x40;
	s22 =	simm.s32 $0x70;
	v22 =	vmul.f32 v22, v6;
	v38 =	vld.idx.msk [tilespmem:v25+s10+$0x0], $0xffff;
	[tilespmem:s13+$0x0] =	vst v9  }
0x2df: {  	v44 =	vmov s22;
	v18 =	vsub.f32 v18, v14;
	v9 =	vmov s18;
	v34 =	vld.idx.msk [tilespmem:v13+s30+$0x0], $0xffff  }
0x2e0: {  	v9 =	vshll.u32 v9, $0x3;
	v35 =	vadd.f32 v10, v28;
	v10 =	vadd.f32 v22, v29;
	v22 =	vld.idx.msk [tilespmem:v8+s30+$0x0], $0xffff  }
0x2e1: {  	v39 =	vor.u32 $0x1, v21;
	v18 =	vmul.f32 v18, v23;
	v41 =	vld.idx.msk [tilespmem:v13+s10+$0x0], $0xffff;
	v36 =	vor.u32 v0, v9  }
0x2e2: {  	s19 =	simm.s32 $0x100D8;
	v40 =	vor.u32 $0x5, v21;
	v20 =	vsub.f32 v20, v32;
	v13 =	vsub.f32 v19, v30;
	v9 =	vld.idx.msk [tilespmem:v25+s30+$0x0], $0xffff  }
0x2e3: {  	v18 =	vadd.f32 v18, v14;
	v14 =	vor.u32 $0x6, v21;
	v25 =	vld [tilespmem:s19+$0x0];
	v10 =	vsub.f32 v10, v35  }
0x2e4: {  	v29 =	vor.u32 $0x2, v7;
	v37 =	vor.u32 $0x4, v36;
	v51 =	vmul.f32 v13, v23  }
0x2e5: {  	v28 =	vor.u32 $0x6, v7;
	v19 =	vld.idx.msk [tilespmem:v8+s10+$0x0], $0xffff;
	v8 =	vsub.f32 v33, v31;
	v7 =	vmul.f32 v10, v5  }
0x2e6: {  	s21 =	simm.s32 $0x10C18;
	v38 =	vsub.f32 v38, v17;
	v10 =	vor.u32 $0x2, v21;
	v21 =	vadd.f32 v51, v30;
	v42 =	vld.idx.msk [tilespmem:v36+s30+$0x0], $0xffff  }
0x2e7: {  	v60 =	vor.u32 $0x5, v26;
	v7 =	vadd.f32 v7, v35;
	v13 =	vsub.f32 v9, v24;
	v9 =	vld [tilespmem:s21+$0x0]  }
0x2e8: {  	v38 =	vmul.f32 v38, v11;
	v22 =	vsub.f32 v22, v34;
	v8 =	vmul.f32 v8, v25;
	v43 =	vld.idx.msk [tilespmem:v36+s10+$0x0], $0xffff  }
0x2e9: {  	v20 =	vmul.f32 v20, v25;
	v21 =	vsub.f32 v21, v18;
	v50 =	vld.idx.msk [tilespmem:v37+s30+$0x0], $0xffff;
	v7 =	vmax.f32 v7, $0.0e+00  }
0x2ea: {  	v19 =	vsub.f32 v19, v41;
	v37 =	vld.idx.msk [tilespmem:v37+s10+$0x0], $0xffff;
	v13 =	vmul.f32 v13, v11;
	v7 =	vmin.f32 v7, $1.000000000e+00  }
0x2eb: {  	v31 =	vadd.f32 v8, v31;
	v20 =	vadd.f32 v20, v32;
	v8 =	vld [tilespmem:s19+$0xFFFFFFF0];
	v21 =	vmul.f32 v21, v4;
	[tilespmem:s15+$0xFFFFFA50] =	vst v7  }
0x2ec: {  	v17 =	vadd.f32 v38, v17;
	v22 =	vmul.f32 v22, v15;
	v24 =	vadd.f32 v13, v24;
	v32 =	vld.idx.msk [tilespmem:v39+s30+$0x0], $0xffff  }
0x2ed: {  	v7 =	vshll.u32 v44, $0x3;
	v20 =	vsub.f32 v20, v31;
	v18 =	vadd.f32 v21, v18;
	v30 =	vld.idx.msk [tilespmem:v40+s30+$0x0], $0xffff  }
0x2ee: {  	v15 =	vmul.f32 v19, v15;
	v13 =	vor.u32 v0, v7;
	v7 =	vld [tilespmem:s21+$0xFFFFFFF0];
	v17 =	vsub.f32 v17, v24  }
0x2ef: {  	v22 =	vadd.f32 v22, v34;
	v53 =	vld.idx.msk [tilespmem:v39+s10+$0x0], $0xffff;
	v20 =	vmul.f32 v20, v9;
	v18 =	vmax.f32 v18, $0.0e+00  }
0x2f0: {  	s24 =	simm.s32 $0x100F8;
	v56 =	vld.idx.msk [tilespmem:v40+s10+$0x0], $0xffff;
	v52 =	vor.u32 $0x4, v13;
	v49 =	vmin.f32 v18, $1.000000000e+00;
	v17 =	vmul.f32 v17, v27  }
0x2f1: {  	v15 =	vadd.f32 v15, v41;
	v18 =	vld [tilespmem:s24+$0x0];
	v20 =	vadd.f32 v20, v31;
	v31 =	vor.u32 $0x1, v26;
	[tilespmem:s13+$0xFFFFFFF0] =	vst v49  }
0x2f2: {  	v19 =	vor.u32 $0x2, v16;
	v16 =	vor.u32 $0x6, v16;
	v49 =	vld.idx.msk [tilespmem:v29+s10+$0x0], $0xffff;
	v17 =	vadd.f32 v17, v24  }
0x2f3: {  	v15 =	vsub.f32 v15, v22;
	v58 =	vsub.f32 v37, v43;
	v40 =	vld.idx.msk [tilespmem:v13+s30+$0x0], $0xffff;
	v20 =	vmax.f32 v20, $0.0e+00  }
0x2f4: {  	s23 =	simm.s32 $0x60;
	s17 =	simm.s32 $0x1D0F8;
	v34 =	vld.idx.msk [tilespmem:v13+s10+$0x0], $0xffff;
	v24 =	vsub.f32 v50, v42;
	v20 =	vmin.f32 v20, $1.000000000e+00;
	v17 =	vmax.f32 v17, $0.0e+00  }
0x2f5: {  	v12 =	vmul.f32 v15, v12;
	v33 =	vld.idx.msk [tilespmem:v52+s10+$0x0], $0xffff;
	[tilespmem:s17+$0xFFFFFA60] =	vst v20;
	v20 =	vmov s23;
	v17 =	vmin.f32 v17, $1.000000000e+00  }
0x2f6: {  	v59 =	vld.idx.msk [tilespmem:v31+s30+$0x0], $0xffff;
	[tilespmem:s15+$0x0] =	vst v17;
	v17 =	vshll.u32 v20, $0x3;
	v20 =	vmul.f32 v24, v8;
	v24 =	vmul.f32 v58, v8  }
0x2f7: {  	v62 =	vor.u32 $0x1, v36;
	v12 =	vadd.f32 v12, v22;
	v31 =	vld.idx.msk [tilespmem:v31+s10+$0x0], $0xffff  }
0x2f8: {  	s25 =	simm.s32 $0x90;
	v63 =	vor.u32 $0x5, v36;
	v55 =	vld.idx.msk [tilespmem:v60+s10+$0x0], $0xffff;
	v20 =	vadd.f32 v20, v42;
	v24 =	vadd.f32 v24, v43  }
0x2f9: {  	v51 =	vmov s25;
	v15 =	vor.u32 $0x2, v36;
	v12 =	vmax.f32 v12, $0.0e+00;
	v61 =	vld.idx.msk [tilespmem:v19+s30+$0x0], $0xffff  }
0x2fa: {  	v44 =	vmin.f32 v12, $1.000000000e+00;
	v45 =	vor.u32 v0, v17;
	v46 =	vld.idx.msk [tilespmem:v16+s30+$0x0], $0xffff;
	v22 =	vsub.f32 v24, v20  }
0x2fb: {  	v21 =	vld.idx.msk [tilespmem:v16+s10+$0x0], $0xffff;
	v16 =	vor.u32 $0x6, v36;
	v24 =	vsub.f32 v30, v32;
	v30 =	vsub.f32 v56, v53  }
0x2fc: {  	v19 =	vld.idx.msk [tilespmem:v19+s10+$0x0], $0xffff;
	v17 =	vor.u32 $0x4, v45;
	v33 =	vsub.f32 v33, v34;
	v54 =	vmul.f32 v22, v7  }
0x2fd: {  	v57 =	vld.idx.msk [tilespmem:v52+s30+$0x0], $0xffff;
	v39 =	vsub.f32 v55, v31;
	v12 =	vmul.f32 v24, v6;
	v30 =	vmul.f32 v30, v6  }
0x2fe: {  	v47 =	vld.idx.msk [tilespmem:v60+s30+$0x0], $0xffff;
	v33 =	vmul.f32 v33, v18;
	v24 =	vor.u32 $0x1, v45;
	v20 =	vadd.f32 v54, v20  }
0x2ff: {  	v22 =	vor.u32 $0x5, v45;
	v38 =	vld.idx.msk [tilespmem:v45+s30+$0x0], $0xffff;
	v32 =	vadd.f32 v12, v32;
	v12 =	vadd.f32 v30, v53  }
0x300: {  	v50 =	vld.idx.msk [tilespmem:v45+s10+$0x0], $0xffff;
	v39 =	vmul.f32 v39, v25;
	v30 =	vsub.f32 v46, v61;
	v20 =	vmax.f32 v20, $0.0e+00  }
0x301: {  	v36 =	vld.idx.msk [tilespmem:v17+s10+$0x0], $0xffff;
	v56 =	vsub.f32 v12, v32;
	v12 =	vmin.f32 v20, $1.000000000e+00;
	v20 =	vsub.f32 v21, v19  }
0x302: {  	v33 =	vadd.f32 v33, v34;
	v48 =	vld.idx.msk [tilespmem:v17+s30+$0x0], $0xffff;
	v17 =	vor.u32 $0x2, v45;
	v30 =	vmul.f32 v30, v11  }
0x303: {  	s28 =	simm.s32 $0x80;
	v21 =	vsub.f32 v57, v40;
	[tilespmem:s17+$0xFFFFFA50] =	vst v12;
	v12 =	vld [tilespmem:s24+$0xFFFFFFF0];
	v11 =	vmul.f32 v20, v11;
	v20 =	vsub.f32 v47, v59  }
0x304: {  	v31 =	vadd.f32 v39, v31;
	v30 =	vadd.f32 v30, v61;
	v61 =	vmov s28;
	v41 =	vld.idx.msk [tilespmem:v62+s30+$0x0], $0xffff  }
0x305: {  	s19 =	simm.s32 $0x10C38;
	v21 =	vmul.f32 v21, v18;
	v35 =	vld.idx.msk [tilespmem:v63+s30+$0x0], $0xffff;
	v47 =	vshll.u32 v61, $0x3;
	v20 =	vmul.f32 v20, v25  }
0x306: {  	v36 =	vsub.f32 v36, v50;
	v47 =	vor.u32 v0, v47;
	v57 =	vadd.f32 v11, v19;
	v19 =	vld [tilespmem:s19+$0x0]  }
0x307: {  	v42 =	vld.idx.msk [tilespmem:v62+s10+$0x0], $0xffff;
	v40 =	vadd.f32 v21, v40;
	v21 =	vshll.u32 v51, $0x3;
	v58 =	vadd.f32 v20, v59  }
0x308: {  	v21 =	vor.u32 v0, v21;
	v20 =	vor.u32 $0x6, v45;
	v45 =	vld.idx.msk [tilespmem:v29+s30+$0x0], $0xffff;
	v29 =	vsub.f32 v48, v38  }
0x309: {  	v60 =	vld.idx.msk [tilespmem:v63+s10+$0x0], $0xffff;
	v59 =	vmul.f32 v56, v5;
	v33 =	vsub.f32 v33, v40;
	v31 =	vsub.f32 v31, v58  }
0x30a: {  	v11 =	vld [tilespmem:s19+$0xFFFFFFF0];
	v55 =	vor.u32 $0x4, v21;
	v36 =	vmul.f32 v36, v12;
	v29 =	vmul.f32 v29, v12  }
0x30b: {  	v54 =	vsub.f32 v57, v30;
	v57 =	vld.idx.msk [tilespmem:v28+s30+$0x0], $0xffff;
	v56 =	vmul.f32 v33, v19;
	v62 =	vmul.f32 v31, v9  }
0x30c: {  	v28 =	vld.idx.msk [tilespmem:v28+s10+$0x0], $0xffff;
	v38 =	vadd.f32 v29, v38;
	v29 =	vadd.f32 v36, v50;
	v50 =	vor.u32 $0x4, v47  }
0x30d: {  	v63 =	vor.u32 $0x1, v13;
	v31 =	vld.idx.msk [tilespmem:v21+s30+$0x0], $0xffff;
	v40 =	vadd.f32 v56, v40  }
0x30e: {  	v37 =	vadd.f32 v59, v32;
	v32 =	vld.idx.msk [tilespmem:v21+s10+$0x0], $0xffff;
	v34 =	vadd.f32 v62, v58;
	v58 =	vor.u32 $0x2, v26  }
0x30f: {  	v27 =	vmul.f32 v54, v27;
	v51 =	vld.idx.msk [tilespmem:v55+s30+$0x0], $0xffff;
	v26 =	vor.u32 $0x6, v26;
	v40 =	vmax.f32 v40, $0.0e+00  }
0x310: {  	s18 =	simm.s32 $0x1D118;
	v46 =	vld.idx.msk [tilespmem:v55+s10+$0x0], $0xffff;
	v40 =	vmin.f32 v40, $1.000000000e+00;
	v34 =	vmax.f32 v34, $0.0e+00  }
0x311: {  	v27 =	vadd.f32 v27, v30;
	[tilespmem:s18+$0xFFFFFA60] =	vst v40;
	v30 =	vmin.f32 v34, $1.000000000e+00;
	v43 =	vld.idx.msk [tilespmem:v50+s30+$0x0], $0xffff  }
0x312: {  	v59 =	vsub.f32 v60, v42;
	v34 =	vld.idx.msk [tilespmem:v63+s30+$0x0], $0xffff;
	[tilespmem:s17+$0x0] =	vst v30;
	v30 =	vsub.f32 v35, v41  }
0x313: {  	v27 =	vmax.f32 v27, $0.0e+00;
	v60 =	vsub.f32 v29, v38;
	v40 =	vor.u32 $0x5, v13;
	v35 =	vld.idx.msk [tilespmem:v58+s30+$0x0], $0xffff  }
0x314: {  	v53 =	vmul.f32 v59, v8;
	v54 =	vmin.f32 v27, $1.000000000e+00;
	v52 =	vld.idx.msk [tilespmem:v26+s30+$0x0], $0xffff;
	v30 =	vmul.f32 v30, v8  }
0x315: {  	v27 =	vsub.f32 v57, v45;
	v61 =	vmul.f32 v60, v11;
	v55 =	vld.idx.msk [tilespmem:v26+s10+$0x0], $0xffff;
	v26 =	vsub.f32 v28, v49  }
0x316: {  	v37 =	vmax.f32 v37, $0.0e+00;
	v36 =	vld.idx.msk [tilespmem:v58+s10+$0x0], $0xffff;
	v28 =	vadd.f32 v53, v42;
	v41 =	vadd.f32 v30, v41  }
0x317: {  	v37 =	vmin.f32 v37, $1.000000000e+00;
	v29 =	vor.u32 $0x1, v47;
	v39 =	vld.idx.msk [tilespmem:v63+s10+$0x0], $0xffff;
	v33 =	vadd.f32 v61, v38  }
0x318: {  	v62 =	vmul.f32 v27, v23;
	v27 =	vor.u32 $0x2, v47;
	v56 =	vld.idx.msk [tilespmem:v40+s30+$0x0], $0xffff;
	v58 =	vsub.f32 v28, v41  }
0x319: {  	v48 =	vsub.f32 v51, v31;
	v60 =	vmax.f32 v33, $0.0e+00;
	v63 =	vmul.f32 v26, v23;
	v57 =	vld.idx.msk [tilespmem:v40+s10+$0x0], $0xffff  }
0x31a: {  	s9 =	simm.s32 $0x10118;
	v42 =	vld.idx.msk [tilespmem:v50+s10+$0x0], $0xffff;
	v23 =	vor.u32 $0x6, v47;
	v26 =	vadd.f32 v62, v45;
	v59 =	vmul.f32 v58, v7  }
0x31b: {  	[tilespmem:s13+$0x5A0] =	vst v44;
	v33 =	vld [tilespmem:s9+$0x0];
	v30 =	vor.u32 $0x5, v47;
	v61 =	vsub.f32 v52, v35;
	v62 =	vsub.f32 v55, v36  }
0x31c: {  	[tilespmem:s15+$0xFFFFFFF0] =	vst v37;
	v40 =	vld.idx.msk [tilespmem:v47+s30+$0x0], $0xffff;
	v28 =	vadd.f32 v63, v49;
	v63 =	vmin.f32 v60, $1.000000000e+00;
	v38 =	vadd.f32 v59, v41  }
0x31d: {  	[tilespmem:s15+$0x5A0] =	vst v54;
	v49 =	vsub.f32 v46, v32;
	v44 =	vmul.f32 v61, v25;
	v45 =	vmul.f32 v62, v25;
	v25 =	vld [tilespmem:s9+$0xFFFFFFF0]  }
0x31e: {  	s2 =	simm.s32 $0x8;
	s11 =	simm.s32 $0xA0;
	[tilespmem:s18+$0xFFFFFA50] =	vst v63;
	v46 =	vsub.f32 v56, v34;
	v41 =	vld.idx.msk [tilespmem:v47+s10+$0x0], $0xffff;
	v47 =	vsub.f32 v57, v39;
	v37 =	vmax.f32 v38, $0.0e+00  }
.LBB2_14:
0x31f: {  	v50 =	vmov s11;
	s14 =	sadd.s32 $0x10, s11;
	v51 =	vld.idx.msk [tilespmem:v24+s30+$0x0], $0xffff;
	v35 =	vadd.f32 v44, v35;
	v36 =	vadd.f32 v45, v36;
	s12 =	smov.u32 s17;
	s17 =	smov.u32 s18  }
0x320: {  	s19 =	sadd.s32 $0x20, s19;
	v44 =	vmov s14;
	v45 =	vmul.f32 v48, v33;
	v48 =	vmul.f32 v49, v33;
	v49 =	vld.idx.msk [tilespmem:v22+s30+$0x0], $0xffff;
	v38 =	vmovc v33  }
0x321: {  	v46 =	vmul.f32 v46, v18;
	v47 =	vmul.f32 v47, v18;
	v33 =	vld [tilespmem:s19+$0x0];
	v36 =	vsub.f32 v36, v35  }
0x322: {  	v44 =	vshll.u32 v44, $0x3;
	v52 =	vld [tilespmem:s19+$0xFFFFFFF0];
	v31 =	vadd.f32 v45, v31;
	v32 =	vadd.f32 v48, v32  }
0x323: {  	v34 =	vadd.f32 v46, v34;
	v53 =	vadd.f32 v47, v39;
	v45 =	vld.idx.msk [tilespmem:v24+s10+$0x0], $0xffff;
	v36 =	vmul.f32 v36, v9  }
0x324: {  	v39 =	vshll.u32 v50, $0x3;
	v44 =	vor.u32 v0, v44;
	v9 =	vmovc v19;
	v32 =	vsub.f32 v32, v31;
	v46 =	vld.idx.msk [tilespmem:v22+s10+$0x0], $0xffff  }
0x325: {  	v47 =	vor.u32 v0, v39;
	v54 =	vsub.f32 v53, v34;
	v35 =	vadd.f32 v36, v35;
	v48 =	vld.idx.msk [tilespmem:v10+s30+$0x0], $0xffff  }
0x326: {  	v24 =	vmovc v29;
	v50 =	vor.u32 $0x4, v47;
	v36 =	vor.u32 $0x4, v44;
	v32 =	vmul.f32 v32, v33;
	v39 =	vld.idx.msk [tilespmem:v14+s30+$0x0], $0xffff;
	v19 =	vmovc v33  }
0x327: {  	v29 =	vsub.f32 v43, v40;
	v22 =	vmovc v30;
	v33 =	vmul.f32 v54, v9;
	v35 =	vmax.f32 v35, $0.0e+00;
	v53 =	vld.idx.msk [tilespmem:v10+s10+$0x0], $0xffff  }
0x328: {  	v43 =	vor.u32 $0x1, v21;
	v10 =	vmovc v15;
	v15 =	vmovc v17;
	v30 =	vadd.f32 v32, v31;
	v32 =	vmin.f32 v35, $1.000000000e+00;
	v54 =	vld.idx.msk [tilespmem:v14+s10+$0x0], $0xffff  }
0x329: {  	v57 =	vsub.f32 v42, v41;
	v56 =	vadd.f32 v33, v34;
	v33 =	vor.u32 $0x2, v13;
	v31 =	vld.idx.msk [tilespmem:v44+s30+$0x0], $0xffff;
	[tilespmem:s12+$0x5A0] =	vst v32  }
0x32a: {  	v42 =	vor.u32 $0x6, v13;
	v34 =	vmul.f32 v29, v25;
	v13 =	vmovc v21;
	v21 =	vmovc v44;
	v32 =	vld.idx.msk [tilespmem:v44+s10+$0x0], $0xffff;
	v29 =	vmax.f32 v30, $0.0e+00  }
0x32b: {  	s18 =	sadd.s32 $0x20, s18;
	v17 =	vmovc v27;
	v35 =	vmul.f32 v57, v25;
	v14 =	vmovc v16;
	v55 =	vmax.f32 v56, $0.0e+00;
	v44 =	vld.idx.msk [tilespmem:v36+s30+$0x0], $0xffff;
	v30 =	vmin.f32 v29, $1.000000000e+00  }
0x32c: {  	v16 =	vmovc v20;
	v40 =	vadd.f32 v34, v40;
	v29 =	vor.u32 $0x1, v47;
	v27 =	vmin.f32 v55, $1.000000000e+00;
	v56 =	vld.idx.msk [tilespmem:v36+s10+$0x0], $0xffff;
	[tilespmem:s18+$0xFFFFFA60] =	vst v30  }
0x32d: {  	v20 =	vmovc v23;
	v30 =	vor.u32 $0x5, v47;
	v36 =	vadd.f32 v35, v41;
	v41 =	vor.u32 $0x5, v13;
	v34 =	vld.idx.msk [tilespmem:v43+s30+$0x0], $0xffff;
	[tilespmem:s17+$0x0] =	vst v27  }
0x32e: {  	v37 =	vmin.f32 v37, $1.000000000e+00;
	v49 =	vsub.f32 v49, v51;
	v46 =	vsub.f32 v46, v45;
	v35 =	vld.idx.msk [tilespmem:v33+s30+$0x0], $0xffff  }
0x32f: {  	v23 =	vor.u32 $0x6, v47;
	v27 =	vor.u32 $0x2, v47;
	v55 =	vsub.f32 v36, v40;
	v57 =	vld.idx.msk [tilespmem:v42+s30+$0x0], $0xffff;
	[tilespmem:s12+$0xFFFFFFF0] =	vst v37  }
0x330: {  	v46 =	vmul.f32 v46, v12;
	v37 =	vmul.f32 v49, v12;
	v36 =	vld.idx.msk [tilespmem:v33+s10+$0x0], $0xffff;
	v33 =	vsub.f32 v39, v48  }
0x331: {  	v28 =	vsub.f32 v28, v26;
	v39 =	vmul.f32 v55, v52;
	v49 =	vld.idx.msk [tilespmem:v42+s10+$0x0], $0xffff;
	v42 =	vsub.f32 v54, v53  }
0x332: {  	v45 =	vadd.f32 v46, v45;
	v37 =	vadd.f32 v37, v51;
	v54 =	vld.idx.msk [tilespmem:v41+s30+$0x0], $0xffff;
	v33 =	vmul.f32 v33, v6  }
0x333: {  	v40 =	vadd.f32 v39, v40;
	v39 =	vld.idx.msk [tilespmem:v43+s10+$0x0], $0xffff;
	v46 =	vmul.f32 v42, v6;
	v42 =	vmul.f32 v28, v4  }
0x334: {  	s2 =	sadd.s32 $0x2, s2;
	v4 =	vmovc v5;
	v5 =	vmov v7;
	v51 =	vld.idx.msk [tilespmem:v41+s10+$0x0], $0xffff;
	v41 =	vsub.f32 v45, v37;
	v33 =	vadd.f32 v33, v48  }
0x335: {  	p0 =	slt.u32 s2, $0x58;
	v7 =	vmovc v11;
	v40 =	vmax.f32 v40, $0.0e+00;
	v43 =	vld.idx.msk [tilespmem:v50+s30+$0x0], $0xffff;
	v28 =	vadd.f32 v46, v53;
	v45 =	vadd.f32 v42, v26  }
.Ltmp6:
0x336: {  	s9 =	sadd.s32 $0x20, s9;
	v11 =	vmovc v52;
	v6 =	vmovc v8;
	v40 =	vmin.f32 v40, $1.000000000e+00;
	v42 =	vld.idx.msk [tilespmem:v50+s10+$0x0], $0xffff;
	v41 =	vmul.f32 v41, v7;
	v26 =	vmov v33;
	(pc) =	sbr.rel @p0 .LBB2_14-.Ltmp6, $4  }
0x337: {  	v8 =	vmovc v12;
	v46 =	vsub.f32 v57, v35;
	v50 =	vsub.f32 v49, v36;
	v33 =	vld [tilespmem:s9+$0x0];
	[tilespmem:s18+$0xFFFFFA50] =	vst v40;
	v45 =	vmax.f32 v45, $0.0e+00  }
0x338: {  	v12 =	vmovc v25;
	v48 =	vsub.f32 v44, v31;
	v40 =	vld.idx.msk [tilespmem:v47+s30+$0x0], $0xffff;
	v37 =	vadd.f32 v41, v37;
	v52 =	vmin.f32 v45, $1.000000000e+00  }
0x339: {  	v49 =	vsub.f32 v56, v32;
	v44 =	vmul.f32 v46, v18;
	v45 =	vmul.f32 v50, v18;
	v41 =	vld.idx.msk [tilespmem:v47+s10+$0x0], $0xffff  }
0x33a: {  	s11 =	sadd.s32 $0x20, s11;
	v46 =	vsub.f32 v54, v34;
	v18 =	vmovc v38;
	v47 =	vsub.f32 v51, v39;
	v25 =	vld [tilespmem:s9+$0xFFFFFFF0];
	v37 =	vmax.f32 v37, $0.0e+00;
	[tilespmem:s13+$0x590] =	vst v52;
	s13 =	smov.u32 s15;
	s15 =	smov.u32 s12  }
0x33b: {  	_ = 	snop  }
0x33c: {  	s2 =	sadd.s32 $0x20, s19;
	v48 =	vmul.f32 v48, v33;
	v49 =	vmul.f32 v49, v33  }
0x33d: {  	v38 =	vld [tilespmem:s2+$0x0]  }
0x33e: {  	v31 =	vadd.f32 v48, v31;
	v32 =	vadd.f32 v49, v32;
	_ =	sdelay $0x1  }
0x33f: {  	v32 =	vsub.f32 v32, v31  }
0x340: {  	v43 =	vsub.f32 v43, v40;
	v42 =	vsub.f32 v42, v41  }
0x341: {  	v32 =	vmul.f32 v32, v38  }
0x342: {  	v43 =	vmul.f32 v43, v25;
	v42 =	vmul.f32 v42, v25  }
0x343: {  	v52 =	vor.u32 $0x1, v21;
	v32 =	vadd.f32 v32, v31;
	v31 =	vld [tilespmem:s2+$0xFFFFFFF0]  }
0x344: {  	v53 =	vor.u32 $0x5, v21;
	v60 =	vld.idx.msk [tilespmem:v22+s30+$0x0], $0xffff;
	v54 =	vadd.f32 v43, v40;
	v55 =	vadd.f32 v42, v41  }
0x345: {  	v61 =	vld.idx.msk [tilespmem:v24+s10+$0x0], $0xffff;
	v32 =	vmax.f32 v32, $0.0e+00  }
0x346: {  	s19 =	sadd.s32 $0x20, s18;
	v62 =	vld.idx.msk [tilespmem:v22+s10+$0x0], $0xffff;
	v41 =	vsub.f32 v55, v54;
	v32 =	vmin.f32 v32, $1.000000000e+00  }
0x347: {  	v56 =	vmul.f32 v46, v18;
	v57 =	vmul.f32 v47, v18;
	v42 =	vld.idx.msk [tilespmem:v24+s30+$0x0], $0xffff;
	[tilespmem:s19+$0xFFFFFA60] =	vst v32  }
0x348: {  	v32 =	vld.idx.msk [tilespmem:v52+s30+$0x0], $0xffff;
	v41 =	vmul.f32 v41, v31  }
0x349: {  	v34 =	vadd.f32 v56, v34;
	v39 =	vadd.f32 v57, v39;
	v58 =	vld.idx.msk [tilespmem:v53+s30+$0x0], $0xffff  }
0x34a: {  	v48 =	vld.idx.msk [tilespmem:v52+s10+$0x0], $0xffff;
	v40 =	vadd.f32 v41, v54  }
0x34b: {  	v39 =	vsub.f32 v39, v34;
	v59 =	vld.idx.msk [tilespmem:v53+s10+$0x0], $0xffff  }
0x34c: {  	v37 =	vmin.f32 v37, $1.000000000e+00;
	v22 =	vsub.f32 v62, v61;
	v40 =	vmax.f32 v40, $0.0e+00  }
0x34d: {  	[tilespmem:s17+$0xFFFFFFF0] =	vst v37;
	v39 =	vmul.f32 v39, v19;
	v46 =	vsub.f32 v60, v42;
	v40 =	vmin.f32 v40, $1.000000000e+00  }
0x34e: {  	v35 =	vadd.f32 v44, v35;
	v44 =	vld.idx.msk [tilespmem:v15+s30+$0x0], $0xffff;
	[tilespmem:s19+$0xFFFFFA50] =	vst v40  }
0x34f: {  	v22 =	vmul.f32 v22, v12;
	v34 =	vadd.f32 v39, v34;
	v46 =	vmul.f32 v46, v12;
	v52 =	vld.idx.msk [tilespmem:v29+s30+$0x0], $0xffff  }
0x350: {  	v63 =	vsub.f32 v58, v32;
	v43 =	vsub.f32 v59, v48;
	v54 =	vld.idx.msk [tilespmem:v30+s30+$0x0], $0xffff  }
0x351: {  	v55 =	vor.u32 $0x6, v13;
	v22 =	vadd.f32 v22, v61;
	v42 =	vadd.f32 v46, v42;
	v56 =	vld.idx.msk [tilespmem:v29+s10+$0x0], $0xffff  }
0x352: {  	v53 =	vor.u32 $0x2, v13;
	v40 =	vmul.f32 v63, v33;
	v43 =	vmul.f32 v43, v33;
	v58 =	vld.idx.msk [tilespmem:v30+s10+$0x0], $0xffff  }
0x353: {  	v50 =	vld.idx.msk [tilespmem:v16+s30+$0x0], $0xffff;
	v34 =	vmax.f32 v34, $0.0e+00;
	v22 =	vsub.f32 v22, v42  }
0x354: {  	v34 =	vmin.f32 v34, $1.000000000e+00;
	v41 =	vld.idx.msk [tilespmem:v10+s30+$0x0], $0xffff;
	v32 =	vadd.f32 v40, v32;
	v57 =	vadd.f32 v43, v48  }
0x355: {  	[tilespmem:s18+$0x0] =	vst v34;
	v59 =	vld.idx.msk [tilespmem:v14+s30+$0x0], $0xffff  }
0x356: {  	v61 =	vld.idx.msk [tilespmem:v55+s30+$0x0], $0xffff;
	v22 =	vmul.f32 v22, v11;
	v40 =	vsub.f32 v57, v32  }
0x357: {  	v34 =	vld.idx.msk [tilespmem:v53+s30+$0x0], $0xffff;
	v62 =	vsub.f32 v54, v52;
	v30 =	vsub.f32 v58, v56  }
0x358: {  	v36 =	vadd.f32 v45, v36;
	v10 =	vld.idx.msk [tilespmem:v10+s10+$0x0], $0xffff;
	v22 =	vadd.f32 v22, v42;
	v60 =	vmul.f32 v40, v38  }
0x359: {  	v14 =	vld.idx.msk [tilespmem:v14+s10+$0x0], $0xffff;
	v63 =	vor.u32 $0x2, v21;
	v48 =	vmul.f32 v62, v25;
	v30 =	vmul.f32 v30, v25  }
0x35a: {  	v51 =	vld.idx.msk [tilespmem:v15+s10+$0x0], $0xffff;
	v22 =	vmax.f32 v22, $0.0e+00;
	v57 =	vsub.f32 v59, v41;
	v24 =	vadd.f32 v60, v32  }
0x35b: {  	v13 =	vld.idx.msk [tilespmem:v55+s10+$0x0], $0xffff;
	v22 =	vmin.f32 v22, $1.000000000e+00;
	v37 =	vadd.f32 v48, v52;
	v29 =	vadd.f32 v30, v56  }
0x35c: {  	v49 =	vor.u32 $0x6, v21;
	v45 =	vld.idx.msk [tilespmem:v53+s10+$0x0], $0xffff;
	v54 =	vsub.f32 v61, v34;
	[tilespmem:s18+$0xFFFFFFF0] =	vst v22;
	v61 =	vmul.f32 v57, v6  }
0x35d: {  	v36 =	vsub.f32 v36, v35;
	v62 =	vld.idx.msk [tilespmem:v17+s30+$0x0], $0xffff;
	v24 =	vmax.f32 v24, $0.0e+00;
	v53 =	vsub.f32 v29, v37  }
0x35e: {  	v14 =	vsub.f32 v14, v10;
	v40 =	vadd.f32 v61, v41;
	v41 =	vld.idx.msk [tilespmem:v20+s10+$0x0], $0xffff;
	v24 =	vmin.f32 v24, $1.000000000e+00  }
0x35f: {  	v52 =	vld.idx.msk [tilespmem:v16+s10+$0x0], $0xffff;
	[tilespmem:s19+$0x0] =	vst v24;
	v24 =	vmul.f32 v53, v31  }
0x360: {  	v9 =	vmul.f32 v36, v9;
	v36 =	vmul.f32 v14, v6;
	v55 =	vld.idx.msk [tilespmem:v63+s30+$0x0], $0xffff  }
0x361: {  	v56 =	vld.idx.msk [tilespmem:v49+s30+$0x0], $0xffff;
	v59 =	vadd.f32 v24, v37  }
0x362: {  	v13 =	vsub.f32 v13, v45;
	v6 =	vadd.f32 v36, v10;
	v32 =	vld.idx.msk [tilespmem:v63+s10+$0x0], $0xffff  }
0x363: {  	v9 =	vadd.f32 v9, v35;
	v60 =	vsub.f32 v28, v26;
	v58 =	vld.idx.msk [tilespmem:v49+s10+$0x0], $0xffff;
	v21 =	vmax.f32 v59, $0.0e+00  }
0x364: {  	v13 =	vmul.f32 v13, v18;
	v6 =	vsub.f32 v6, v40;
	v63 =	vld.idx.msk [tilespmem:v20+s30+$0x0], $0xffff;
	v39 =	vmin.f32 v21, $1.000000000e+00  }
0x365: {  	v43 =	vsub.f32 v50, v44;
	v4 =	vmul.f32 v60, v4;
	v37 =	vld.idx.msk [tilespmem:v17+s10+$0x0], $0xffff;
	[tilespmem:s19+$0xFFFFFFF0] =	vst v39  }
0x366: {  	v13 =	vadd.f32 v13, v45;
	v29 =	vmul.f32 v54, v18;
	v5 =	vmul.f32 v6, v5;
	v42 =	vld.idx.msk [tilespmem:v27+s30+$0x0], $0xffff  }
0x367: {  	v4 =	vadd.f32 v4, v26;
	v16 =	vsub.f32 v52, v51;
	v45 =	vld.idx.msk [tilespmem:v23+s30+$0x0], $0xffff  }
0x368: {  	v29 =	vadd.f32 v29, v34;
	v5 =	vadd.f32 v5, v40;
	v17 =	vmul.f32 v43, v8;
	v47 =	vld.idx.msk [tilespmem:v27+s10+$0x0], $0xffff  }
0x369: {  	v48 =	vmul.f32 v16, v8;
	v46 =	vsub.f32 v56, v55;
	v18 =	vsub.f32 v58, v32;
	v49 =	vld.idx.msk [tilespmem:v23+s10+$0x0], $0xffff  }
0x36a: {  	v13 =	vsub.f32 v13, v29;
	v17 =	vadd.f32 v17, v44  }
0x36b: {  	v8 =	vadd.f32 v48, v51;
	v22 =	vmul.f32 v46, v33;
	v18 =	vmul.f32 v18, v33  }
0x36c: {  	v9 =	vmax.f32 v9, $0.0e+00;
	v51 =	vsub.f32 v63, v62;
	v20 =	vsub.f32 v41, v37  }
0x36d: {  	v9 =	vmin.f32 v9, $1.000000000e+00;
	v50 =	vadd.f32 v22, v55;
	v18 =	vadd.f32 v18, v32  }
0x36e: {  	v13 =	vmul.f32 v13, v19;
	v19 =	vsub.f32 v45, v42;
	v16 =	vsub.f32 v49, v47  }
0x36f: {  	v8 =	vsub.f32 v8, v17;
	v22 =	vmul.f32 v51, v12;
	v52 =	vmul.f32 v20, v12  }
0x370: {  	v18 =	vsub.f32 v18, v50;
	v19 =	vmul.f32 v19, v25;
	v16 =	vmul.f32 v16, v25  }
0x371: {  	v4 =	vmax.f32 v4, $0.0e+00;
	v53 =	vadd.f32 v22, v62;
	v12 =	vadd.f32 v52, v37  }
0x372: {  	v4 =	vmin.f32 v4, $1.000000000e+00;
	v54 =	vadd.f32 v19, v42;
	v55 =	vadd.f32 v16, v47  }
0x373: {  	[tilespmem:s13+$0x590] =	vst v4;
	v4 =	vmax.f32 v5, $0.0e+00;
	v56 =	vmul.f32 v18, v38;
	v12 =	vsub.f32 v12, v53  }
0x374: {  	v13 =	vadd.f32 v13, v29;
	v7 =	vmul.f32 v8, v7;
	v57 =	vsub.f32 v55, v54  }
0x375: {  	v4 =	vmin.f32 v4, $1.000000000e+00;
	v59 =	vadd.f32 v56, v50;
	v60 =	vmul.f32 v12, v11  }
0x376: {  	[tilespmem:s17+$0x5A0] =	vst v9;
	v13 =	vmax.f32 v13, $0.0e+00;
	v5 =	vadd.f32 v7, v17;
	v61 =	vmul.f32 v57, v31  }
0x377: {  	[tilespmem:s15+$0x590] =	vst v4;
	v58 =	vmin.f32 v13, $1.000000000e+00;
	v62 =	vmax.f32 v59, $0.0e+00;
	v63 =	vadd.f32 v60, v53  }
0x378: {  	[tilespmem:s18+$0x5A0] =	vst v58;
	v5 =	vmax.f32 v5, $0.0e+00;
	v4 =	vmin.f32 v62, $1.000000000e+00;
	v6 =	vadd.f32 v61, v54  }
0x379: {  	[tilespmem:s19+$0x5A0] =	vst v4;
	v4 =	vmin.f32 v5, $1.000000000e+00;
	v5 =	vmax.f32 v63, $0.0e+00  }
0x37a: {  	[tilespmem:s17+$0x590] =	vst v4;
	v4 =	vmin.f32 v5, $1.000000000e+00;
	v5 =	vmax.f32 v6, $0.0e+00  }
0x37b: {  	[tilespmem:s18+$0x590] =	vst v4;
	v4 =	vmin.f32 v5, $1.000000000e+00  }
0x37c: {  	[tilespmem:s19+$0x590] =	vst v4  }
0x37d: {  	s9 =	simm.s32 $0x1CB08;
	s2 =	rddreg [dreg:$0x10]  }
0x37e: {  	[hbm4b:s2+s4] =	stream.linear.scatter [tilespmem:s9], [sflag:$0x5], $0x5A0, $0x38;
	[tilespmem:$0x1ECC8] =	vst v63  }
0x37f: {  	s22 =	simm.s32 $0x1D0A8;
	s21 =	rddreg [dreg:$0x11]  }
0x380: {  	[hbm4b:s21+s4] =	stream.linear.scatter [tilespmem:s22], [sflag:$0x5], $0x5A0, $0x38;
	[tilespmem:$0x1ECC8] =	vst v63  }
0x381: {  	s24 =	simm.s32 $0x1D648;
	s23 =	rddreg [dreg:$0x12]  }
0x382: {  	[hbm4b:s23+s4] =	stream.linear.scatter [tilespmem:s24], [sflag:$0x5], $0x5A0, $0x38;
	[tilespmem:$0x1ECC8] =	vst v63  }
0x383: {  	_ =	swait.ge [sflag:s20], $0x10E0  }
0x384: {  	[sflag:s20] =	ssyncset.done $0x0  }
0x385: {  	[sflag:s20] =	ssyncadd.s32 $0xFFFFEF20  }
0x386: {  	_ =	swait.ge [sflag:s20], $0x10E0  }
0x387: {  	s25 =	rddreg [dreg:$0x14]  }
0x388: {  	s28 =	rddreg [dreg:$0x13];
	s9 =	sadd.s32 $0x1, s25  }
0x389: {  	p0 =	sne.s32 s9, s28  }
.Ltmp7:
0x38a: {  	_ = 	snop;
	(pc) =	sbr.rel @p0 .LBB2_1-.Ltmp7, $3  }
0x38b: {  	_ =	sdelay $0x1  }
0x38c: {  	[sflag:s20] =	ssyncset.done $0x0  }
0x38d: {  	[sflag:s20] =	ssyncadd.s32 $0xFFFFEF20  }
0x38e: {  	_ =	sfence.sel $0x180000  }
0x38f: {  	[bflag:$0x0] =	sbarrier.arrive $0xFFFF  }
0x390: {  	_ =	strace $0x90000047  }
0x391: {  	s0 =	stileid.u32;
	[bflag:$0x2] =	sbarrier.arrive $0xFFFF  }
0x392: {  	p0 =	sne.s32 s0, $0x0;
	s0 =	rddreg [dreg:$0x3]  }
0x393: {  	s0 =	sadd.s32 @!p0 $0x100000, s0  }
0x394: {  	[sflag:s0] =	ssyncadd.tile.s32 @!p0 $0x1;
	_ =	shalt  }
.Lfunc_end2:
_tile_overlayer_lowered:
.L_overlay_start_2:
0x395: {  	(tag) =	ssettag $0x2  }
0x396: {  	s0 =	rddreg [dreg:$0x0];
	s2 =	stileid.u32  }
0x397: {  	s1 =	rddreg [dreg:$0x1];
	p0 =	sne.s32 s2, $0x0  }
0x398: {  	s3 =	rddreg [dreg:$0x2];
	[bflag:$0x3] =	sbarrier.arrive $0xFFFF;
	s2 =	simm.s32 @!p0 $0x1C06  }
0x399: {  	[timem:s3], [sflag:s2] =	dma.local @!p0 [hbm:s0], s1  }
0x39a: {  	s0 =	simm.s32 @!p0 $0x6  }
0x39b: {  	_ =	swait.ge @!p0 [sflag:s0], s1  }
0x39c: {  	s1 =	ssub.s32 @!p0 $0x0, s1;
	[sflag:s0] =	ssyncset.done @!p0 $0x0  }
0x39d: {  	[sflag:s0] =	ssyncadd.s32 @!p0 s1  }
0x39e: {  	[bflag:$0x3] =	sbarrier.arrive $0xFFFF  }
0x39f: {  	_ =	shalt  }

</sc_bundles>
